<compile_context>
chip_gen: v7x
topology: tpu7x:2x2x1
jax: 0.10.2.dev20260603
libtpu: 0.0.44.dev20260713+nightly
codegen_flags: <defaults>
</compile_context>

<pallas_src>
import functools

import jax
import jax.numpy as jnp
from jax.experimental import pallas as pl
from jax.experimental.pallas import tpu as pltpu
from jax.experimental.pallas import tpu_sc as plsc

T, H, I, E, K = 2048, 1024, 4096, 8, 2
SOFTCAP = 30.0
BM = 256
C = T * K + E * BM
NT = C // BM
NJ = 2
IH = I // NJ


def _routing_body(x_ref, g_ref, dest_ref, w_ref, pc_ref):
    x = x_ref[...]
    gw = g_ref[...]
    logits = jnp.dot(x.astype(jnp.bfloat16), gw.astype(jnp.bfloat16),
                     preferred_element_type=jnp.float32)
    logits = jnp.tanh(logits * (1.0 / SOFTCAP)) * SOFTCAP

    m = jnp.max(logits, axis=-1, keepdims=True)
    ex = jnp.exp(logits - m)
    p = ex / jnp.sum(ex, axis=-1, keepdims=True)

    lane = jax.lax.broadcasted_iota(jnp.int32, (T, E), 1)
    big = jnp.int32(E)
    c0 = jnp.where(logits == m, lane, big)
    i0 = jnp.min(c0, axis=-1, keepdims=True)
    sel0 = lane == i0
    l1 = jnp.where(sel0, -jnp.inf, logits)
    m1 = jnp.max(l1, axis=-1, keepdims=True)
    c1 = jnp.where(l1 == m1, lane, big)
    i1 = jnp.min(c1, axis=-1, keepdims=True)
    sel1 = lane == i1

    w0 = jnp.sum(jnp.where(sel0, p, 0.0), axis=-1, keepdims=True)
    w1 = jnp.sum(jnp.where(sel1, p, 0.0), axis=-1, keepdims=True)

    mask = (sel0 | sel1).astype(jnp.bfloat16)
    ti = jax.lax.broadcasted_iota(jnp.int32, (T, T), 0)
    tj = jax.lax.broadcasted_iota(jnp.int32, (T, T), 1)
    tril = (tj < ti).astype(jnp.bfloat16)
    rank = jnp.dot(tril, mask, preferred_element_type=jnp.float32)

    counts = jnp.sum(mask.astype(jnp.float32), axis=0, keepdims=True)
    padded = jnp.ceil(counts * (1.0 / BM)) * BM
    p8 = jnp.broadcast_to(padded, (E, E)).astype(jnp.bfloat16)
    ei = jax.lax.broadcasted_iota(jnp.int32, (E, E), 0)
    ej = jax.lax.broadcasted_iota(jnp.int32, (E, E), 1)
    tru = (ei < ej).astype(jnp.bfloat16)
    base8 = jnp.dot(p8, tru, preferred_element_type=jnp.float32)
    base = base8[0:1, :]

    posv = base + rank
    d0 = jnp.sum(jnp.where(sel0, posv, 0.0), axis=-1, keepdims=True)
    d1 = jnp.sum(jnp.where(sel1, posv, 0.0), axis=-1, keepdims=True)

    dest_ref[:, 0:1] = d0.astype(jnp.int32)
    dest_ref[:, 1:2] = d1.astype(jnp.int32)
    w_ref[:, 0:1] = w0
    w_ref[:, 1:2] = w1
    pc_ref[...] = padded.astype(jnp.int32)


def _routing(x, gate_w):
    return pl.pallas_call(
        _routing_body,
        out_shape=(
            jax.ShapeDtypeStruct((T, K), jnp.int32),
            jax.ShapeDtypeStruct((T, K), jnp.float32),
            jax.ShapeDtypeStruct((1, E), jnp.int32),
        ),
    )(x, gate_w)


NW = 32
DCH = 16
DNCH = K * T // NW // DCH


def _dispatch(x, dest3, wflat):
    mesh = plsc.VectorSubcoreMesh(core_axis_name="c", subcore_axis_name="s")

    @functools.partial(
        pl.kernel,
        out_type=(
            jax.ShapeDtypeStruct((C, H), jnp.float32),
            jax.ShapeDtypeStruct((C, 128), jnp.float32),
        ),
        mesh=mesh,
        scratch_types=[
            pltpu.VMEM((DNCH, DCH), jnp.int32),
            pltpu.VMEM((DCH, H), jnp.float32),
            pltpu.VMEM((DCH, 128), jnp.float32),
            pltpu.SemaphoreType.DMA,
        ],
    )
    def k(x_hbm, d_hbm, w_hbm, o_hbm, ws_hbm, idx_v, row_v, wrow_v, sem):
        wid = jax.lax.axis_index("s") * 2 + jax.lax.axis_index("c")
        tok0 = jax.lax.rem(wid * (DNCH * DCH), T)
        pltpu.sync_copy(d_hbm.at[wid], idx_v)

        @pl.loop(0, DNCH)
        def _(o):
            pltpu.sync_copy(x_hbm.at[pl.ds(tok0 + o * DCH, DCH)], row_v)
            pltpu.sync_copy(
                w_hbm.at[pl.ds(wid * (DNCH * DCH) + o * DCH, DCH)], wrow_v)
            c1 = pltpu.async_copy(row_v, o_hbm.at[idx_v.at[o]], sem)
            c2 = pltpu.async_copy(wrow_v, ws_hbm.at[idx_v.at[o]], sem)
            c1.wait()
            c2.wait()

    return k(x, dest3, wflat)


def _grouped_outer(meta_ref, x_hbm, ws_hbm, wi0_hbm, wi1_hbm, wo_hbm, y_hbm):
    def body(x_ref, ws_ref, wi0_ref, wi1_ref, wo_ref, y_ref):
        x = x_ref[...].astype(jnp.bfloat16)
        w0 = wi0_ref[0].astype(jnp.bfloat16)
        w1 = wi1_ref[0].astype(jnp.bfloat16)
        g = jnp.dot(x, w0, preferred_element_type=jnp.float32)
        u = jnp.dot(x, w1, preferred_element_type=jnp.float32)
        h = (jax.nn.gelu(g, approximate=True) * u).astype(jnp.bfloat16)
        wo_b = wo_ref[0].astype(jnp.bfloat16)
        acc = jnp.dot(h, wo_b, preferred_element_type=jnp.float32)
        y_ref[0] = acc * ws_ref[:, 0:1]

    wbuf = pl.Buffered(buffer_count=2, use_lookahead=True)
    pltpu.emit_pipeline(
        body,
        grid=(NJ, meta_ref[NT]),
        in_specs=[
            pl.BlockSpec((BM, H), lambda j, i: (i, 0)),
            pl.BlockSpec((BM, 128), lambda j, i: (i, 0)),
            pl.BlockSpec((1, H, IH), lambda j, i: (meta_ref[i], 0, j),
                         pipeline_mode=wbuf),
            pl.BlockSpec((1, H, IH), lambda j, i: (meta_ref[i], 0, j),
                         pipeline_mode=wbuf),
            pl.BlockSpec((1, IH, H), lambda j, i: (meta_ref[i], j, 0),
                         pipeline_mode=wbuf),
        ],
        out_specs=[pl.BlockSpec((1, BM, H), lambda j, i: (j, i, 0))],
    )(x_hbm, ws_hbm, wi0_hbm, wi1_hbm, wo_hbm, y_hbm)


def _grouped(x_sorted, w_sorted, meta, wi_0, wi_1, wo):
    return pl.pallas_call(
        _grouped_outer,
        in_specs=[
            pl.BlockSpec(memory_space=pltpu.SMEM),
            pl.BlockSpec(memory_space=pltpu.HBM),
            pl.BlockSpec(memory_space=pltpu.HBM),
            pl.BlockSpec(memory_space=pltpu.HBM),
            pl.BlockSpec(memory_space=pltpu.HBM),
            pl.BlockSpec(memory_space=pltpu.HBM),
        ],
        out_specs=pl.BlockSpec(memory_space=pltpu.HBM),
        out_shape=jax.ShapeDtypeStruct((NJ, C, H), jnp.float32),
        compiler_params=pltpu.CompilerParams(
            vmem_limit_bytes=63 * 1024 * 1024,
        ),
    )(meta, x_sorted, w_sorted, wi_0, wi_1, wo)


CCH = 16
CNCH = T // NW // CCH


def _combine(y2, didx):
    mesh = plsc.VectorSubcoreMesh(core_axis_name="c", subcore_axis_name="s")

    @functools.partial(
        pl.kernel,
        out_type=jax.ShapeDtypeStruct((T, H), jnp.float32),
        mesh=mesh,
        scratch_types=[
            pltpu.VMEM((4, CNCH, CCH), jnp.int32),
            pltpu.VMEM((CCH, H), jnp.float32),
            pltpu.VMEM((CCH, H), jnp.float32),
            pltpu.VMEM((CCH, H), jnp.float32),
            pltpu.VMEM((CCH, H), jnp.float32),
            pltpu.VMEM((CCH, H), jnp.float32),
            pltpu.SemaphoreType.DMA,
        ],
    )
    def k(y_hbm, d_hbm, o_hbm, idx_v, a0_v, a1_v, b0_v, b1_v, o_v, sem):
        wid = jax.lax.axis_index("s") * 2 + jax.lax.axis_index("c")
        t0 = wid * (CNCH * CCH)
        pltpu.sync_copy(d_hbm.at[wid], idx_v)

        @pl.loop(0, CNCH)
        def _(ch):
            tslc = pl.ds(t0 + ch * CCH, CCH)
            c1 = pltpu.async_copy(y_hbm.at[idx_v.at[0, ch]], a0_v, sem)
            c2 = pltpu.async_copy(y_hbm.at[idx_v.at[1, ch]], a1_v, sem)
            c3 = pltpu.async_copy(y_hbm.at[idx_v.at[2, ch]], b0_v, sem)
            c4 = pltpu.async_copy(y_hbm.at[idx_v.at[3, ch]], b1_v, sem)
            c1.wait()
            c2.wait()
            c3.wait()
            c4.wait()

            @pl.loop(0, CCH)
            def _(r):
                @pl.loop(0, H, step=16)
                def _(c):
                    cs = pl.ds(c, 16)
                    o_v[r, cs] = ((a0_v[r, cs] + a1_v[r, cs])
                                  + (b0_v[r, cs] + b1_v[r, cs]))

            pltpu.sync_copy(o_v, o_hbm.at[tslc])

    return k(y2, didx)


def kernel(hidden_states, gate_w, wi_0, wi_1, wo):
    dest, wts, pc = _routing(hidden_states, gate_w)

    tiles_pe = pc[0] // BM
    cumt = jnp.cumsum(tiles_pe)
    eot = jnp.minimum(
        jnp.searchsorted(cumt, jnp.arange(NT, dtype=jnp.int32), side="right"),
        E - 1,
    ).astype(jnp.int32)
    meta = jnp.concatenate([eot, cumt[-1:].astype(jnp.int32)])

    dest3 = dest.T.reshape(NW, DNCH, DCH)
    wflat = jnp.broadcast_to(wts.T.reshape(K * T, 1), (K * T, 128))
    x_sorted, w_sorted = _dispatch(hidden_states, dest3, wflat)

    y = _grouped(x_sorted, w_sorted, meta, wi_0, wi_1, wo)

    y2 = y.reshape(NJ * C, H)
    d0 = dest[:, 0]
    d1 = dest[:, 1]
    didx = jnp.stack([d0, d0 + C, d1, d1 + C], axis=0)
    didx = didx.reshape(4, NW, CNCH * CCH).transpose(1, 0, 2)
    didx = didx.reshape(NW, 4, CNCH, CCH)
    return _combine(y2, didx)

# --- scband reference (transcript-rebuilt; emitter-appended) ---
"""Pipeline reference for scband-grok1-mo-e-34789235098063 (READ-ONLY COPY).

The authoritative reference and input builder live on the scoring server;
editing this copy changes nothing except your own understanding.
"""

import jax, jax.numpy as jnp
import numpy as np

T, H, I, E, K = 2048, 1024, 4096, 8, 2
SOFTCAP = 30.0


def setup_inputs(seed: int = 0) -> dict:
    key = jax.random.key(seed)
    k1, k2, k3, k4, k5 = jax.random.split(key, 5)
    return {
        "hidden_states": jax.random.normal(k1, (T, H), dtype=jnp.float32),
        "gate_w": jax.random.normal(k2, (H, E), dtype=jnp.float32) * 0.02,
        "wi_0": jax.random.normal(k3, (E, H, I), dtype=jnp.float32) * 0.02,
        "wi_1": jax.random.normal(k4, (E, H, I), dtype=jnp.float32) * 0.02,
        "wo": jax.random.normal(k5, (E, I, H), dtype=jnp.float32) * 0.02,
    }


def _custom_topk(router_logits, top_k):
    # softmax over ALL experts (global normalization), then select top-k by logits
    max_logit = jnp.max(router_logits, axis=-1, keepdims=True)
    exp_logits = jnp.exp(router_logits - max_logit)
    sum_exp = jnp.sum(exp_logits, axis=-1, keepdims=True)
    all_weights = exp_logits / sum_exp
    _, top_k_indices = jax.lax.top_k(router_logits, top_k)
    top_k_weights = jnp.take_along_axis(all_weights, top_k_indices, axis=-1)
    # renormalize=False in Grok1MoE
    return top_k_weights, top_k_indices


def reference(hidden_states, gate_w, wi_0, wi_1, wo):
    # gate (fp32 params)
    router_logits = hidden_states.astype(jnp.float32) @ gate_w  # [T, E]
    # router logit softcapping (30.0)
    router_logits = router_logits / SOFTCAP
    router_logits = jnp.tanh(router_logits) * SOFTCAP
    top_k_weights, top_k_indices = _custom_topk(router_logits, K)  # [T,K], [T,K]
    # combine weights as dense [T, E] (zeros for non-selected experts)
    combine = jnp.sum(jax.nn.one_hot(top_k_indices, E, dtype=jnp.float32) * top_k_weights[..., None], axis=1)  # [T, E]
    # EPMoE expert computation: gated MLP with gelu activation per expert
    g = jax.nn.gelu(jnp.einsum('th,ehi->eti', hidden_states, wi_0))  # [E, T, I]
    u = jnp.einsum('th,ehi->eti', hidden_states, wi_1)  # [E, T, I]
    y = jnp.einsum('eti,eih->eth', g * u, wo)  # [E, T, H]
    out = jnp.einsum('te,eth->th', combine, y)  # [T, H]
    return out

if __name__ == "__main__":
    import jax
    _d = setup_inputs()
    print(jax.jit(kernel)(*tuple(_d.values())))

</pallas_src>

<mosaic_0001>
#map = affine_map<(d0, d1) -> (0, 0)>
#map1 = affine_map<(d0, d1) -> (0, 0, 0, 0)>
module attributes {stable_mosaic.version = 14 : i64} {
  func.func @k(%arg0: i32, %arg1: i32, %arg2: memref<12288x1024xf32, #tpu.memory_space<hbm>>, %arg3: memref<32x4x4x16xi32, #tpu.memory_space<hbm>>, %arg4: memref<2048x1024xf32, #tpu.memory_space<hbm>>, %arg5: memref<4x4x16xi32, #tpu.memory_space<vmem>>, %arg6: memref<16x1024xf32, #tpu.memory_space<vmem>>, %arg7: memref<16x1024xf32, #tpu.memory_space<vmem>>, %arg8: memref<16x1024xf32, #tpu.memory_space<vmem>>, %arg9: memref<16x1024xf32, #tpu.memory_space<vmem>>, %arg10: memref<16x1024xf32, #tpu.memory_space<vmem>>, %arg11: memref<!tpu.dma_semaphore, #tpu.memory_space<semaphore_mem>>) attributes {dimension_semantics = [#tpu.dimension_semantics<core_parallel>, #tpu.dimension_semantics<subcore_parallel>], iteration_bounds = array<i64: 2, 16>, scalar_prefetch = 0 : i64, scratch_operands = 7 : i64, tpu.core_type = #tpu.core_type<sc_vector_subcore>, window_params = [{transform_indices = #map}, {transform_indices = #map1}, {transform_indices = #map}]} {
    %mul3A = arith.constant 2 : i32
    %mul3A_0 = arith.muli %arg1, %mul3A : i32
    %add3A = arith.addi %mul3A_0, %arg0 : i32
    %mul3A_1 = arith.constant 64 : i32
    %mul3A_2 = arith.muli %add3A, %mul3A_1 : i32
    "tpu.region"() ({
      %run_scoped3A = tpu.sem_alloc : memref<!tpu.dma_semaphore, #tpu.memory_space<semaphore_mem>>
      %dma_start3A = arith.constant 0 : i32
      %dma_start3A_7 = arith.constant 0 : i32
      %dma_start3A_8 = arith.constant 0 : i32
      %dma_start3A_9 = tpu.memref_slice %arg3[%add3A, %dma_start3A, %dma_start3A_7, %dma_start3A_8] : memref<32x4x4x16xi32, #tpu.memory_space<hbm>> -> memref<1x4x4x16xi32, #tpu.memory_space<hbm>>
      %dma_start3A_10 = tpu.memref_squeeze %dma_start3A_9 : memref<1x4x4x16xi32, #tpu.memory_space<hbm>> -> memref<4x4x16xi32, #tpu.memory_space<hbm>>
      %dma_start3A_11 = arith.constant 0 : i32
      %dma_start3A_12 = arith.constant 0 : i32
      %dma_start3A_13 = arith.constant 0 : i32
      %dma_start3A_14 = tpu.memref_slice %arg3[%add3A, %dma_start3A_11, %dma_start3A_12, %dma_start3A_13] : memref<32x4x4x16xi32, #tpu.memory_space<hbm>> -> memref<1x4x4x16xi32, #tpu.memory_space<hbm>>
      %dma_start3A_15 = tpu.memref_squeeze %dma_start3A_14 : memref<1x4x4x16xi32, #tpu.memory_space<hbm>> -> memref<4x4x16xi32, #tpu.memory_space<hbm>>
      tpu.enqueue_dma source(%dma_start3A_15 : memref<4x4x16xi32, #tpu.memory_space<hbm>>) target(%arg5 : memref<4x4x16xi32, #tpu.memory_space<vmem>>) target_semaphore(%run_scoped3A : memref<!tpu.dma_semaphore, #tpu.memory_space<semaphore_mem>>)
      %dma_wait3A = arith.constant 0 : i32
      %dma_wait3A_16 = arith.constant 0 : i32
      %dma_wait3A_17 = arith.constant 0 : i32
      %dma_wait3A_18 = tpu.memref_slice %arg3[%add3A, %dma_wait3A, %dma_wait3A_16, %dma_wait3A_17] : memref<32x4x4x16xi32, #tpu.memory_space<hbm>> -> memref<1x4x4x16xi32, #tpu.memory_space<hbm>>
      %dma_wait3A_19 = tpu.memref_squeeze %dma_wait3A_18 : memref<1x4x4x16xi32, #tpu.memory_space<hbm>> -> memref<4x4x16xi32, #tpu.memory_space<hbm>>
      %dma_wait3A_20 = arith.constant 0 : i32
      %dma_wait3A_21 = arith.constant 0 : i32
      %dma_wait3A_22 = arith.constant 0 : i32
      %dma_wait3A_23 = tpu.memref_slice %arg3[%add3A, %dma_wait3A_20, %dma_wait3A_21, %dma_wait3A_22] : memref<32x4x4x16xi32, #tpu.memory_space<hbm>> -> memref<1x4x4x16xi32, #tpu.memory_space<hbm>>
      %dma_wait3A_24 = tpu.memref_squeeze %dma_wait3A_23 : memref<1x4x4x16xi32, #tpu.memory_space<hbm>> -> memref<4x4x16xi32, #tpu.memory_space<hbm>>
      tpu.wait_dma2 semaphore(%run_scoped3A : memref<!tpu.dma_semaphore, #tpu.memory_space<semaphore_mem>>) src(%dma_wait3A_24 : memref<4x4x16xi32, #tpu.memory_space<hbm>>) dst(%arg5 : memref<4x4x16xi32, #tpu.memory_space<vmem>>)
      tpu.yield
    }) : () -> ()
    %scan3A = arith.constant 0 : i32
    %scan3A_3 = arith.constant 4 : i32
    %scan3A_4 = arith.addi %scan3A, %scan3A_3 : i32
    %scan3A_5 = arith.constant 1 : i32
    scf.for %scan3A_7 = %scan3A to %scan3A_4 step %scan3A_5  : i32 {
      %mul3A_8 = arith.constant 1 : i32
      %mul3A_9 = arith.muli %scan3A_7, %mul3A_8 : i32
      %add3A_10 = arith.constant 0 : i32
      %add3A_11 = arith.addi %add3A_10, %mul3A_9 : i32
      %mul3A_12 = arith.constant 16 : i32
      %mul3A_13 = arith.muli %add3A_11, %mul3A_12 : i32
      %add3A_14 = arith.addi %mul3A_2, %mul3A_13 : i32
      %dma_start3A = arith.constant 0 : i32
      %dma_start3A_15 = arith.constant 0 : i32
      %dma_start3A_16 = tpu.memref_slice %arg5[%dma_start3A, %add3A_11, %dma_start3A_15] : memref<4x4x16xi32, #tpu.memory_space<vmem>> -> memref<1x1x16xi32, #tpu.memory_space<vmem>>
      %dma_start3A_17 = tpu.memref_squeeze %dma_start3A_16 : memref<1x1x16xi32, #tpu.memory_space<vmem>> -> memref<16xi32, #tpu.memory_space<vmem>>
      %dma_start3A_18 = arith.constant 0 : i32
      %dma_start3A_19 = arith.constant 0 : i32
      %dma_start3A_20 = tpu.memref_slice %arg2[%dma_start3A_18, %dma_start3A_19] : memref<12288x1024xf32, #tpu.memory_space<hbm>> -> memref<12288x1024xf32, #tpu.memory_space<hbm>>
      tpu.enqueue_indirect_dma source(%dma_start3A_20 : memref<12288x1024xf32, #tpu.memory_space<hbm>>) target(%arg6 : memref<16x1024xf32, #tpu.memory_space<vmem>>) offsets(%dma_start3A_17 : memref<16xi32, #tpu.memory_space<vmem>>) semaphore(%arg11 : memref<!tpu.dma_semaphore, #tpu.memory_space<semaphore_mem>>)
      %dma_start3A_21 = arith.constant 1 : i32
      %dma_start3A_22 = arith.constant 0 : i32
      %dma_start3A_23 = tpu.memref_slice %arg5[%dma_start3A_21, %add3A_11, %dma_start3A_22] : memref<4x4x16xi32, #tpu.memory_space<vmem>> -> memref<1x1x16xi32, #tpu.memory_space<vmem>>
      %dma_start3A_24 = tpu.memref_squeeze %dma_start3A_23 : memref<1x1x16xi32, #tpu.memory_space<vmem>> -> memref<16xi32, #tpu.memory_space<vmem>>
      %dma_start3A_25 = arith.constant 0 : i32
      %dma_start3A_26 = arith.constant 0 : i32
      %dma_start3A_27 = tpu.memref_slice %arg2[%dma_start3A_25, %dma_start3A_26] : memref<12288x1024xf32, #tpu.memory_space<hbm>> -> memref<12288x1024xf32, #tpu.memory_space<hbm>>
      tpu.enqueue_indirect_dma source(%dma_start3A_27 : memref<12288x1024xf32, #tpu.memory_space<hbm>>) target(%arg7 : memref<16x1024xf32, #tpu.memory_space<vmem>>) offsets(%dma_start3A_24 : memref<16xi32, #tpu.memory_space<vmem>>) semaphore(%arg11 : memref<!tpu.dma_semaphore, #tpu.memory_space<semaphore_mem>>)
      %dma_start3A_28 = arith.constant 2 : i32
      %dma_start3A_29 = arith.constant 0 : i32
      %dma_start3A_30 = tpu.memref_slice %arg5[%dma_start3A_28, %add3A_11, %dma_start3A_29] : memref<4x4x16xi32, #tpu.memory_space<vmem>> -> memref<1x1x16xi32, #tpu.memory_space<vmem>>
      %dma_start3A_31 = tpu.memref_squeeze %dma_start3A_30 : memref<1x1x16xi32, #tpu.memory_space<vmem>> -> memref<16xi32, #tpu.memory_space<vmem>>
      %dma_start3A_32 = arith.constant 0 : i32
      %dma_start3A_33 = arith.constant 0 : i32
      %dma_start3A_34 = tpu.memref_slice %arg2[%dma_start3A_32, %dma_start3A_33] : memref<12288x1024xf32, #tpu.memory_space<hbm>> -> memref<12288x1024xf32, #tpu.memory_space<hbm>>
      tpu.enqueue_indirect_dma source(%dma_start3A_34 : memref<12288x1024xf32, #tpu.memory_space<hbm>>) target(%arg8 : memref<16x1024xf32, #tpu.memory_space<vmem>>) offsets(%dma_start3A_31 : memref<16xi32, #tpu.memory_space<vmem>>) semaphore(%arg11 : memref<!tpu.dma_semaphore, #tpu.memory_space<semaphore_mem>>)
      %dma_start3A_35 = arith.constant 3 : i32
      %dma_start3A_36 = arith.constant 0 : i32
      %dma_start3A_37 = tpu.memref_slice %arg5[%dma_start3A_35, %add3A_11, %dma_start3A_36] : memref<4x4x16xi32, #tpu.memory_space<vmem>> -> memref<1x1x16xi32, #tpu.memory_space<vmem>>
      %dma_start3A_38 = tpu.memref_squeeze %dma_start3A_37 : memref<1x1x16xi32, #tpu.memory_space<vmem>> -> memref<16xi32, #tpu.memory_space<vmem>>
      %dma_start3A_39 = arith.constant 0 : i32
      %dma_start3A_40 = arith.constant 0 : i32
      %dma_start3A_41 = tpu.memref_slice %arg2[%dma_start3A_39, %dma_start3A_40] : memref<12288x1024xf32, #tpu.memory_space<hbm>> -> memref<12288x1024xf32, #tpu.memory_space<hbm>>
      tpu.enqueue_indirect_dma source(%dma_start3A_41 : memref<12288x1024xf32, #tpu.memory_space<hbm>>) target(%arg9 : memref<16x1024xf32, #tpu.memory_space<vmem>>) offsets(%dma_start3A_38 : memref<16xi32, #tpu.memory_space<vmem>>) semaphore(%arg11 : memref<!tpu.dma_semaphore, #tpu.memory_space<semaphore_mem>>)
      %dma_wait3A = arith.constant 0 : i32
      %dma_wait3A_42 = arith.constant 0 : i32
      %dma_wait3A_43 = tpu.memref_slice %arg5[%dma_wait3A, %add3A_11, %dma_wait3A_42] : memref<4x4x16xi32, #tpu.memory_space<vmem>> -> memref<1x1x16xi32, #tpu.memory_space<vmem>>
      %dma_wait3A_44 = tpu.memref_squeeze %dma_wait3A_43 : memref<1x1x16xi32, #tpu.memory_space<vmem>> -> memref<16xi32, #tpu.memory_space<vmem>>
      %dma_wait3A_45 = arith.constant 0 : i32
      %dma_wait3A_46 = arith.constant 0 : i32
      %dma_wait3A_47 = tpu.memref_slice %arg2[%dma_wait3A_45, %dma_wait3A_46] : memref<12288x1024xf32, #tpu.memory_space<hbm>> -> memref<12288x1024xf32, #tpu.memory_space<hbm>>
      tpu.wait_indirect_dma semaphore(%arg11 : memref<!tpu.dma_semaphore, #tpu.memory_space<semaphore_mem>>) src(%dma_wait3A_47 : memref<12288x1024xf32, #tpu.memory_space<hbm>>) dst(%arg6 : memref<16x1024xf32, #tpu.memory_space<vmem>>)
      %dma_wait3A_48 = arith.constant 1 : i32
      %dma_wait3A_49 = arith.constant 0 : i32
      %dma_wait3A_50 = tpu.memref_slice %arg5[%dma_wait3A_48, %add3A_11, %dma_wait3A_49] : memref<4x4x16xi32, #tpu.memory_space<vmem>> -> memref<1x1x16xi32, #tpu.memory_space<vmem>>
      %dma_wait3A_51 = tpu.memref_squeeze %dma_wait3A_50 : memref<1x1x16xi32, #tpu.memory_space<vmem>> -> memref<16xi32, #tpu.memory_space<vmem>>
      %dma_wait3A_52 = arith.constant 0 : i32
      %dma_wait3A_53 = arith.constant 0 : i32
      %dma_wait3A_54 = tpu.memref_slice %arg2[%dma_wait3A_52, %dma_wait3A_53] : memref<12288x1024xf32, #tpu.memory_space<hbm>> -> memref<12288x1024xf32, #tpu.memory_space<hbm>>
      tpu.wait_indirect_dma semaphore(%arg11 : memref<!tpu.dma_semaphore, #tpu.memory_space<semaphore_mem>>) src(%dma_wait3A_54 : memref<12288x1024xf32, #tpu.memory_space<hbm>>) dst(%arg7 : memref<16x1024xf32, #tpu.memory_space<vmem>>)
      %dma_wait3A_55 = arith.constant 2 : i32
      %dma_wait3A_56 = arith.constant 0 : i32
      %dma_wait3A_57 = tpu.memref_slice %arg5[%dma_wait3A_55, %add3A_11, %dma_wait3A_56] : memref<4x4x16xi32, #tpu.memory_space<vmem>> -> memref<1x1x16xi32, #tpu.memory_space<vmem>>
      %dma_wait3A_58 = tpu.memref_squeeze %dma_wait3A_57 : memref<1x1x16xi32, #tpu.memory_space<vmem>> -> memref<16xi32, #tpu.memory_space<vmem>>
      %dma_wait3A_59 = arith.constant 0 : i32
      %dma_wait3A_60 = arith.constant 0 : i32
      %dma_wait3A_61 = tpu.memref_slice %arg2[%dma_wait3A_59, %dma_wait3A_60] : memref<12288x1024xf32, #tpu.memory_space<hbm>> -> memref<12288x1024xf32, #tpu.memory_space<hbm>>
      tpu.wait_indirect_dma semaphore(%arg11 : memref<!tpu.dma_semaphore, #tpu.memory_space<semaphore_mem>>) src(%dma_wait3A_61 : memref<12288x1024xf32, #tpu.memory_space<hbm>>) dst(%arg8 : memref<16x1024xf32, #tpu.memory_space<vmem>>)
      %dma_wait3A_62 = arith.constant 3 : i32
      %dma_wait3A_63 = arith.constant 0 : i32
      %dma_wait3A_64 = tpu.memref_slice %arg5[%dma_wait3A_62, %add3A_11, %dma_wait3A_63] : memref<4x4x16xi32, #tpu.memory_space<vmem>> -> memref<1x1x16xi32, #tpu.memory_space<vmem>>
      %dma_wait3A_65 = tpu.memref_squeeze %dma_wait3A_64 : memref<1x1x16xi32, #tpu.memory_space<vmem>> -> memref<16xi32, #tpu.memory_space<vmem>>
      %dma_wait3A_66 = arith.constant 0 : i32
      %dma_wait3A_67 = arith.constant 0 : i32
      %dma_wait3A_68 = tpu.memref_slice %arg2[%dma_wait3A_66, %dma_wait3A_67] : memref<12288x1024xf32, #tpu.memory_space<hbm>> -> memref<12288x1024xf32, #tpu.memory_space<hbm>>
      tpu.wait_indirect_dma semaphore(%arg11 : memref<!tpu.dma_semaphore, #tpu.memory_space<semaphore_mem>>) src(%dma_wait3A_68 : memref<12288x1024xf32, #tpu.memory_space<hbm>>) dst(%arg9 : memref<16x1024xf32, #tpu.memory_space<vmem>>)
      %scan3A_69 = arith.constant 0 : i32
      %scan3A_70 = arith.constant 16 : i32
      %scan3A_71 = arith.addi %scan3A_69, %scan3A_70 : i32
      %scan3A_72 = arith.constant 1 : i32
      scf.for %scan3A_74 = %scan3A_69 to %scan3A_71 step %scan3A_72  : i32 {
        %mul3A_75 = arith.constant 1 : i32
        %mul3A_76 = arith.muli %scan3A_74, %mul3A_75 : i32
        %add3A_77 = arith.constant 0 : i32
        %add3A_78 = arith.addi %add3A_77, %mul3A_76 : i32
        %scan3A_79 = arith.constant 0 : i32
        %scan3A_80 = arith.constant 64 : i32
        %scan3A_81 = arith.addi %scan3A_79, %scan3A_80 : i32
        %scan3A_82 = arith.constant 1 : i32
        scf.for %scan3A_84 = %scan3A_79 to %scan3A_81 step %scan3A_82  : i32 {
          %mul3A_85 = arith.constant 16 : i32
          %mul3A_86 = arith.muli %scan3A_84, %mul3A_85 : i32
          %add3A_87 = arith.constant 0 : i32
          %add3A_88 = arith.addi %add3A_87, %mul3A_86 : i32
          %get3A = arith.index_cast %add3A_78 : i32 to index
          %get3A_89 = arith.index_cast %add3A_88 : i32 to index
          %get3A_90 = tpu.vector_load %arg6[%get3A, %get3A_89] {strides = array<i32>} : memref<16x1024xf32, #tpu.memory_space<vmem>>, vector<1x16xf32>,
          %get3A_91 = vector.shape_cast %get3A_90 : vector<1x16xf32> to vector<16xf32>
          %get3A_92 = arith.index_cast %add3A_78 : i32 to index
          %get3A_93 = arith.index_cast %add3A_88 : i32 to index
          %get3A_94 = tpu.vector_load %arg7[%get3A_92, %get3A_93] {strides = array<i32>} : memref<16x1024xf32, #tpu.memory_space<vmem>>, vector<1x16xf32>,
          %get3A_95 = vector.shape_cast %get3A_94 : vector<1x16xf32> to vector<16xf32>
          %add3A_96 = arith.addf %get3A_91, %get3A_95 : vector<16xf32>
          %get3A_97 = arith.index_cast %add3A_78 : i32 to index
          %get3A_98 = arith.index_cast %add3A_88 : i32 to index
          %get3A_99 = tpu.vector_load %arg8[%get3A_97, %get3A_98] {strides = array<i32>} : memref<16x1024xf32, #tpu.memory_space<vmem>>, vector<1x16xf32>,
          %get3A_100 = vector.shape_cast %get3A_99 : vector<1x16xf32> to vector<16xf32>
          %get3A_101 = arith.index_cast %add3A_78 : i32 to index
          %get3A_102 = arith.index_cast %add3A_88 : i32 to index
          %get3A_103 = tpu.vector_load %arg9[%get3A_101, %get3A_102] {strides = array<i32>} : memref<16x1024xf32, #tpu.memory_space<vmem>>, vector<1x16xf32>,
          %get3A_104 = vector.shape_cast %get3A_103 : vector<1x16xf32> to vector<16xf32>
          %add3A_105 = arith.addf %get3A_100, %get3A_104 : vector<16xf32>
          %add3A_106 = arith.addf %add3A_96, %add3A_105 : vector<16xf32>
          %swap3A = arith.index_cast %add3A_78 : i32 to index
          %swap3A_107 = arith.index_cast %add3A_88 : i32 to index
          %swap3A_108 = tpu.vector_load %arg10[%swap3A, %swap3A_107] {strides = array<i32>} : memref<16x1024xf32, #tpu.memory_space<vmem>>, vector<1x16xf32>,
          %swap3A_109 = vector.shape_cast %swap3A_108 : vector<1x16xf32> to vector<16xf32>
          %swap3A_110 = vector.shape_cast %add3A_106 : vector<16xf32> to vector<1x16xf32>
          tpu.vector_store %arg10[%swap3A, %swap3A_107], %swap3A_110 {strides = array<i32>} : memref<16x1024xf32, #tpu.memory_space<vmem>>, vector<1x16xf32>,
        }
        %scan3A_83 = arith.constant 64 : i32
      }
      %scan3A_73 = arith.constant 16 : i32
      "tpu.region"() ({
        %run_scoped3A = tpu.sem_alloc : memref<!tpu.dma_semaphore, #tpu.memory_space<semaphore_mem>>
        %dma_start3A_74 = arith.constant 0 : i32
        %dma_start3A_75 = tpu.memref_slice %arg4[%add3A_14, %dma_start3A_74] : memref<2048x1024xf32, #tpu.memory_space<hbm>> -> memref<16x1024xf32, #tpu.memory_space<hbm>>
        %dma_start3A_76 = arith.constant 0 : i32
        %dma_start3A_77 = tpu.memref_slice %arg4[%add3A_14, %dma_start3A_76] : memref<2048x1024xf32, #tpu.memory_space<hbm>> -> memref<16x1024xf32, #tpu.memory_space<hbm>>
        tpu.enqueue_dma source(%arg10 : memref<16x1024xf32, #tpu.memory_space<vmem>>) target(%dma_start3A_77 : memref<16x1024xf32, #tpu.memory_space<hbm>>) target_semaphore(%run_scoped3A : memref<!tpu.dma_semaphore, #tpu.memory_space<semaphore_mem>>)
        %dma_wait3A_78 = arith.constant 0 : i32
        %dma_wait3A_79 = tpu.memref_slice %arg4[%add3A_14, %dma_wait3A_78] : memref<2048x1024xf32, #tpu.memory_space<hbm>> -> memref<16x1024xf32, #tpu.memory_space<hbm>>
        %dma_wait3A_80 = arith.constant 0 : i32
        %dma_wait3A_81 = tpu.memref_slice %arg4[%add3A_14, %dma_wait3A_80] : memref<2048x1024xf32, #tpu.memory_space<hbm>> -> memref<16x1024xf32, #tpu.memory_space<hbm>>
        tpu.wait_dma2 semaphore(%run_scoped3A : memref<!tpu.dma_semaphore, #tpu.memory_space<semaphore_mem>>) src(%arg10 : memref<16x1024xf32, #tpu.memory_space<vmem>>) dst(%dma_wait3A_81 : memref<16x1024xf32, #tpu.memory_space<hbm>>)
        tpu.yield
      }) : () -> ()
    }
    %scan3A_6 = arith.constant 4 : i32
    return
  }
}

#map = affine_map<(d0, d1) -> (0, 0)>
#map1 = affine_map<(d0, d1) -> (0, 0, 0)>
module attributes {stable_mosaic.version = 14 : i64} {
  func.func @k(%arg0: i32, %arg1: i32, %arg2: memref<2048x1024xf32, #tpu.memory_space<hbm>>, %arg3: memref<32x8x16xi32, #tpu.memory_space<hbm>>, %arg4: memref<4096x128xf32, #tpu.memory_space<hbm>>, %arg5: memref<6144x1024xf32, #tpu.memory_space<hbm>>, %arg6: memref<6144x128xf32, #tpu.memory_space<hbm>>, %arg7: memref<8x16xi32, #tpu.memory_space<vmem>>, %arg8: memref<16x1024xf32, #tpu.memory_space<vmem>>, %arg9: memref<16x128xf32, #tpu.memory_space<vmem>>, %arg10: memref<!tpu.dma_semaphore, #tpu.memory_space<semaphore_mem>>) attributes {dimension_semantics = [#tpu.dimension_semantics<core_parallel>, #tpu.dimension_semantics<subcore_parallel>], iteration_bounds = array<i64: 2, 16>, scalar_prefetch = 0 : i64, scratch_operands = 4 : i64, tpu.core_type = #tpu.core_type<sc_vector_subcore>, window_params = [{transform_indices = #map}, {transform_indices = #map1}, {transform_indices = #map}, {transform_indices = #map}, {transform_indices = #map}]} {
    %mul3A = arith.constant 2 : i32
    %mul3A_0 = arith.muli %arg1, %mul3A : i32
    %add3A = arith.addi %mul3A_0, %arg0 : i32
    %mul3A_1 = arith.constant 128 : i32
    %mul3A_2 = arith.muli %add3A, %mul3A_1 : i32
    %rem3A = arith.constant 2048 : i32
    %rem3A_3 = arith.remsi %mul3A_2, %rem3A : i32
    "tpu.region"() ({
      %run_scoped3A = tpu.sem_alloc : memref<!tpu.dma_semaphore, #tpu.memory_space<semaphore_mem>>
      %dma_start3A = arith.constant 0 : i32
      %dma_start3A_8 = arith.constant 0 : i32
      %dma_start3A_9 = tpu.memref_slice %arg3[%add3A, %dma_start3A, %dma_start3A_8] : memref<32x8x16xi32, #tpu.memory_space<hbm>> -> memref<1x8x16xi32, #tpu.memory_space<hbm>>
      %dma_start3A_10 = tpu.memref_squeeze %dma_start3A_9 : memref<1x8x16xi32, #tpu.memory_space<hbm>> -> memref<8x16xi32, #tpu.memory_space<hbm>>
      %dma_start3A_11 = arith.constant 0 : i32
      %dma_start3A_12 = arith.constant 0 : i32
      %dma_start3A_13 = tpu.memref_slice %arg3[%add3A, %dma_start3A_11, %dma_start3A_12] : memref<32x8x16xi32, #tpu.memory_space<hbm>> -> memref<1x8x16xi32, #tpu.memory_space<hbm>>
      %dma_start3A_14 = tpu.memref_squeeze %dma_start3A_13 : memref<1x8x16xi32, #tpu.memory_space<hbm>> -> memref<8x16xi32, #tpu.memory_space<hbm>>
      tpu.enqueue_dma source(%dma_start3A_14 : memref<8x16xi32, #tpu.memory_space<hbm>>) target(%arg7 : memref<8x16xi32, #tpu.memory_space<vmem>>) target_semaphore(%run_scoped3A : memref<!tpu.dma_semaphore, #tpu.memory_space<semaphore_mem>>)
      %dma_wait3A = arith.constant 0 : i32
      %dma_wait3A_15 = arith.constant 0 : i32
      %dma_wait3A_16 = tpu.memref_slice %arg3[%add3A, %dma_wait3A, %dma_wait3A_15] : memref<32x8x16xi32, #tpu.memory_space<hbm>> -> memref<1x8x16xi32, #tpu.memory_space<hbm>>
      %dma_wait3A_17 = tpu.memref_squeeze %dma_wait3A_16 : memref<1x8x16xi32, #tpu.memory_space<hbm>> -> memref<8x16xi32, #tpu.memory_space<hbm>>
      %dma_wait3A_18 = arith.constant 0 : i32
      %dma_wait3A_19 = arith.constant 0 : i32
      %dma_wait3A_20 = tpu.memref_slice %arg3[%add3A, %dma_wait3A_18, %dma_wait3A_19] : memref<32x8x16xi32, #tpu.memory_space<hbm>> -> memref<1x8x16xi32, #tpu.memory_space<hbm>>
      %dma_wait3A_21 = tpu.memref_squeeze %dma_wait3A_20 : memref<1x8x16xi32, #tpu.memory_space<hbm>> -> memref<8x16xi32, #tpu.memory_space<hbm>>
      tpu.wait_dma2 semaphore(%run_scoped3A : memref<!tpu.dma_semaphore, #tpu.memory_space<semaphore_mem>>) src(%dma_wait3A_21 : memref<8x16xi32, #tpu.memory_space<hbm>>) dst(%arg7 : memref<8x16xi32, #tpu.memory_space<vmem>>)
      tpu.yield
    }) : () -> ()
    %scan3A = arith.constant 0 : i32
    %scan3A_4 = arith.constant 8 : i32
    %scan3A_5 = arith.addi %scan3A, %scan3A_4 : i32
    %scan3A_6 = arith.constant 1 : i32
    scf.for %scan3A_8 = %scan3A to %scan3A_5 step %scan3A_6  : i32 {
      %mul3A_9 = arith.constant 1 : i32
      %mul3A_10 = arith.muli %scan3A_8, %mul3A_9 : i32
      %add3A_11 = arith.constant 0 : i32
      %add3A_12 = arith.addi %add3A_11, %mul3A_10 : i32
      %mul3A_13 = arith.constant 16 : i32
      %mul3A_14 = arith.muli %add3A_12, %mul3A_13 : i32
      %add3A_15 = arith.addi %rem3A_3, %mul3A_14 : i32
      "tpu.region"() ({
        %run_scoped3A = tpu.sem_alloc : memref<!tpu.dma_semaphore, #tpu.memory_space<semaphore_mem>>
        %dma_start3A_43 = arith.constant 0 : i32
        %dma_start3A_44 = tpu.memref_slice %arg2[%add3A_15, %dma_start3A_43] : memref<2048x1024xf32, #tpu.memory_space<hbm>> -> memref<16x1024xf32, #tpu.memory_space<hbm>>
        %dma_start3A_45 = arith.constant 0 : i32
        %dma_start3A_46 = tpu.memref_slice %arg2[%add3A_15, %dma_start3A_45] : memref<2048x1024xf32, #tpu.memory_space<hbm>> -> memref<16x1024xf32, #tpu.memory_space<hbm>>
        tpu.enqueue_dma source(%dma_start3A_46 : memref<16x1024xf32, #tpu.memory_space<hbm>>) target(%arg8 : memref<16x1024xf32, #tpu.memory_space<vmem>>) target_semaphore(%run_scoped3A : memref<!tpu.dma_semaphore, #tpu.memory_space<semaphore_mem>>)
        %dma_wait3A_47 = arith.constant 0 : i32
        %dma_wait3A_48 = tpu.memref_slice %arg2[%add3A_15, %dma_wait3A_47] : memref<2048x1024xf32, #tpu.memory_space<hbm>> -> memref<16x1024xf32, #tpu.memory_space<hbm>>
        %dma_wait3A_49 = arith.constant 0 : i32
        %dma_wait3A_50 = tpu.memref_slice %arg2[%add3A_15, %dma_wait3A_49] : memref<2048x1024xf32, #tpu.memory_space<hbm>> -> memref<16x1024xf32, #tpu.memory_space<hbm>>
        tpu.wait_dma2 semaphore(%run_scoped3A : memref<!tpu.dma_semaphore, #tpu.memory_space<semaphore_mem>>) src(%dma_wait3A_50 : memref<16x1024xf32, #tpu.memory_space<hbm>>) dst(%arg8 : memref<16x1024xf32, #tpu.memory_space<vmem>>)
        tpu.yield
      }) : () -> ()
      %mul3A_16 = arith.constant 128 : i32
      %mul3A_17 = arith.muli %add3A, %mul3A_16 : i32
      %mul3A_18 = arith.constant 16 : i32
      %mul3A_19 = arith.muli %add3A_12, %mul3A_18 : i32
      %add3A_20 = arith.addi %mul3A_17, %mul3A_19 : i32
      "tpu.region"() ({
        %run_scoped3A = tpu.sem_alloc : memref<!tpu.dma_semaphore, #tpu.memory_space<semaphore_mem>>
        %dma_start3A_43 = arith.constant 0 : i32
        %dma_start3A_44 = tpu.memref_slice %arg4[%add3A_20, %dma_start3A_43] : memref<4096x128xf32, #tpu.memory_space<hbm>> -> memref<16x128xf32, #tpu.memory_space<hbm>>
        %dma_start3A_45 = arith.constant 0 : i32
        %dma_start3A_46 = tpu.memref_slice %arg4[%add3A_20, %dma_start3A_45] : memref<4096x128xf32, #tpu.memory_space<hbm>> -> memref<16x128xf32, #tpu.memory_space<hbm>>
        tpu.enqueue_dma source(%dma_start3A_46 : memref<16x128xf32, #tpu.memory_space<hbm>>) target(%arg9 : memref<16x128xf32, #tpu.memory_space<vmem>>) target_semaphore(%run_scoped3A : memref<!tpu.dma_semaphore, #tpu.memory_space<semaphore_mem>>)
        %dma_wait3A_47 = arith.constant 0 : i32
        %dma_wait3A_48 = tpu.memref_slice %arg4[%add3A_20, %dma_wait3A_47] : memref<4096x128xf32, #tpu.memory_space<hbm>> -> memref<16x128xf32, #tpu.memory_space<hbm>>
        %dma_wait3A_49 = arith.constant 0 : i32
        %dma_wait3A_50 = tpu.memref_slice %arg4[%add3A_20, %dma_wait3A_49] : memref<4096x128xf32, #tpu.memory_space<hbm>> -> memref<16x128xf32, #tpu.memory_space<hbm>>
        tpu.wait_dma2 semaphore(%run_scoped3A : memref<!tpu.dma_semaphore, #tpu.memory_space<semaphore_mem>>) src(%dma_wait3A_50 : memref<16x128xf32, #tpu.memory_space<hbm>>) dst(%arg9 : memref<16x128xf32, #tpu.memory_space<vmem>>)
        tpu.yield
      }) : () -> ()
      %dma_start3A = arith.constant 0 : i32
      %dma_start3A_21 = tpu.memref_slice %arg7[%add3A_12, %dma_start3A] : memref<8x16xi32, #tpu.memory_space<vmem>> -> memref<1x16xi32, #tpu.memory_space<vmem>>
      %dma_start3A_22 = tpu.memref_squeeze %dma_start3A_21 : memref<1x16xi32, #tpu.memory_space<vmem>> -> memref<16xi32, #tpu.memory_space<vmem>>
      %dma_start3A_23 = arith.constant 0 : i32
      %dma_start3A_24 = arith.constant 0 : i32
      %dma_start3A_25 = tpu.memref_slice %arg5[%dma_start3A_23, %dma_start3A_24] : memref<6144x1024xf32, #tpu.memory_space<hbm>> -> memref<6144x1024xf32, #tpu.memory_space<hbm>>
      tpu.enqueue_indirect_dma source(%arg8 : memref<16x1024xf32, #tpu.memory_space<vmem>>) target(%dma_start3A_25 : memref<6144x1024xf32, #tpu.memory_space<hbm>>) offsets(%dma_start3A_22 : memref<16xi32, #tpu.memory_space<vmem>>) semaphore(%arg10 : memref<!tpu.dma_semaphore, #tpu.memory_space<semaphore_mem>>)
      %dma_start3A_26 = arith.constant 0 : i32
      %dma_start3A_27 = tpu.memref_slice %arg7[%add3A_12, %dma_start3A_26] : memref<8x16xi32, #tpu.memory_space<vmem>> -> memref<1x16xi32, #tpu.memory_space<vmem>>
      %dma_start3A_28 = tpu.memref_squeeze %dma_start3A_27 : memref<1x16xi32, #tpu.memory_space<vmem>> -> memref<16xi32, #tpu.memory_space<vmem>>
      %dma_start3A_29 = arith.constant 0 : i32
      %dma_start3A_30 = arith.constant 0 : i32
      %dma_start3A_31 = tpu.memref_slice %arg6[%dma_start3A_29, %dma_start3A_30] : memref<6144x128xf32, #tpu.memory_space<hbm>> -> memref<6144x128xf32, #tpu.memory_space<hbm>>
      tpu.enqueue_indirect_dma source(%arg9 : memref<16x128xf32, #tpu.memory_space<vmem>>) target(%dma_start3A_31 : memref<6144x128xf32, #tpu.memory_space<hbm>>) offsets(%dma_start3A_28 : memref<16xi32, #tpu.memory_space<vmem>>) semaphore(%arg10 : memref<!tpu.dma_semaphore, #tpu.memory_space<semaphore_mem>>)
      %dma_wait3A = arith.constant 0 : i32
      %dma_wait3A_32 = tpu.memref_slice %arg7[%add3A_12, %dma_wait3A] : memref<8x16xi32, #tpu.memory_space<vmem>> -> memref<1x16xi32, #tpu.memory_space<vmem>>
      %dma_wait3A_33 = tpu.memref_squeeze %dma_wait3A_32 : memref<1x16xi32, #tpu.memory_space<vmem>> -> memref<16xi32, #tpu.memory_space<vmem>>
      %dma_wait3A_34 = arith.constant 0 : i32
      %dma_wait3A_35 = arith.constant 0 : i32
      %dma_wait3A_36 = tpu.memref_slice %arg5[%dma_wait3A_34, %dma_wait3A_35] : memref<6144x1024xf32, #tpu.memory_space<hbm>> -> memref<6144x1024xf32, #tpu.memory_space<hbm>>
      tpu.wait_indirect_dma semaphore(%arg10 : memref<!tpu.dma_semaphore, #tpu.memory_space<semaphore_mem>>) src(%arg8 : memref<16x1024xf32, #tpu.memory_space<vmem>>) dst(%dma_wait3A_36 : memref<6144x1024xf32, #tpu.memory_space<hbm>>)
      %dma_wait3A_37 = arith.constant 0 : i32
      %dma_wait3A_38 = tpu.memref_slice %arg7[%add3A_12, %dma_wait3A_37] : memref<8x16xi32, #tpu.memory_space<vmem>> -> memref<1x16xi32, #tpu.memory_space<vmem>>
      %dma_wait3A_39 = tpu.memref_squeeze %dma_wait3A_38 : memref<1x16xi32, #tpu.memory_space<vmem>> -> memref<16xi32, #tpu.memory_space<vmem>>
      %dma_wait3A_40 = arith.constant 0 : i32
      %dma_wait3A_41 = arith.constant 0 : i32
      %dma_wait3A_42 = tpu.memref_slice %arg6[%dma_wait3A_40, %dma_wait3A_41] : memref<6144x128xf32, #tpu.memory_space<hbm>> -> memref<6144x128xf32, #tpu.memory_space<hbm>>
      tpu.wait_indirect_dma semaphore(%arg10 : memref<!tpu.dma_semaphore, #tpu.memory_space<semaphore_mem>>) src(%arg9 : memref<16x128xf32, #tpu.memory_space<vmem>>) dst(%dma_wait3A_42 : memref<6144x128xf32, #tpu.memory_space<hbm>>)
    }
    %scan3A_7 = arith.constant 8 : i32
    return
  }
}

module attributes {stable_mosaic.version = 14 : i64} {
  func.func @_routing_body(%arg0: memref<2048x1024xf32, #tpu.memory_space<vmem>>, %arg1: memref<1024x8xf32, #tpu.memory_space<vmem>>, %arg2: memref<2048x2xi32, #tpu.memory_space<vmem>>, %arg3: memref<2048x2xf32, #tpu.memory_space<vmem>>, %arg4: memref<1x8xi32, #tpu.memory_space<vmem>>) attributes {dimension_semantics = [], scalar_prefetch = 0 : i64, scratch_operands = 0 : i64, tpu.core_type = #tpu.core_type<tc>} {
    %get3A = arith.constant 0 : index
    %get3A_0 = arith.constant 0 : index
    %get3A_1 = vector.load %arg0[%get3A, %get3A_0] : memref<2048x1024xf32, #tpu.memory_space<vmem>>, vector<2048x1024xf32>
    %get3A_2 = arith.constant 0 : index
    %get3A_3 = arith.constant 0 : index
    %get3A_4 = vector.load %arg1[%get3A_2, %get3A_3] : memref<1024x8xf32, #tpu.memory_space<vmem>>, vector<1024x8xf32>
    %convert_element_type3A = arith.truncf %get3A_1 : vector<2048x1024xf32> to vector<2048x1024xbf16>
    %convert_element_type3A_5 = arith.truncf %get3A_4 : vector<1024x8xf32> to vector<1024x8xbf16>
    %dot_general3A = arith.constant dense<0.000000e+00> : vector<2048x8xf32>
    %dot_general3A_6 = tpu.matmul %convert_element_type3A, %convert_element_type3A_5, %dot_general3A {dimension_numbers = #tpu.dot_dimension_numbers<[1], [0], [0], [1], [0, 0, 1, 1], [], []>, transpose_lhs_hint = false} : vector<2048x1024xbf16>, vector<1024x8xbf16>, vector<2048x8xf32> -> vector<2048x8xf32>
    %mul3A = arith.constant 0.0333333351 : f32
    %mul3A_7 = vector.broadcast %mul3A : f32 to vector<2048x8xf32>
    %mul3A_8 = arith.mulf %dot_general3A_6, %mul3A_7 : vector<2048x8xf32>
    %tanh3A = math.tanh %mul3A_8 : vector<2048x8xf32>
    %mul3A_9 = arith.constant 3.000000e+01 : f32
    %mul3A_10 = vector.broadcast %mul3A_9 : f32 to vector<2048x8xf32>
    %mul3A_11 = arith.mulf %tanh3A, %mul3A_10 : vector<2048x8xf32>
    %reduce_max3A = arith.constant dense<0xFF800000> : vector<2048xf32>
    %reduce_max3A_12 = vector.multi_reduction <maximumf>, %mul3A_11, %reduce_max3A [1] : vector<2048x8xf32> to vector<2048xf32>
    %broadcast_in_dim3A = vector.shape_cast %reduce_max3A_12 : vector<2048xf32> to vector<2048x1xf32>
    %sub3A = vector.broadcast %broadcast_in_dim3A : vector<2048x1xf32> to vector<2048x8xf32>
    %sub3A_13 = arith.subf %mul3A_11, %sub3A : vector<2048x8xf32>
    %exp3A = math.exp %sub3A_13 : vector<2048x8xf32>
    %reduce_sum3A = arith.constant dense<0.000000e+00> : vector<2048xf32>
    %reduce_sum3A_14 = vector.multi_reduction <add>, %exp3A, %reduce_sum3A [1] : vector<2048x8xf32> to vector<2048xf32>
    %broadcast_in_dim3A_15 = vector.shape_cast %reduce_sum3A_14 : vector<2048xf32> to vector<2048x1xf32>
    %div3A = vector.broadcast %broadcast_in_dim3A_15 : vector<2048x1xf32> to vector<2048x8xf32>
    %div3A_16 = arith.divf %exp3A, %div3A : vector<2048x8xf32>
    %iota3A = tpu.iota {dimensions = array<i32: 1>} : vector<2048x8xi32>
    %eq3A = vector.broadcast %broadcast_in_dim3A : vector<2048x1xf32> to vector<2048x8xf32>
    %eq3A_17 = arith.cmpf oeq, %mul3A_11, %eq3A : vector<2048x8xf32>
    %jit3A = arith.constant 8 : i32
    %broadcast_in_dim3A_18 = vector.broadcast %jit3A : i32 to vector<2048x8xi32>
    %select_n3A = arith.select %eq3A_17, %iota3A, %broadcast_in_dim3A_18 : vector<2048x8xi1>, vector<2048x8xi32>
    %reduce_min3A = arith.constant dense<2147483647> : vector<2048xi32>
    %reduce_min3A_19 = vector.multi_reduction <minsi>, %select_n3A, %reduce_min3A [1] : vector<2048x8xi32> to vector<2048xi32>
    %broadcast_in_dim3A_20 = vector.shape_cast %reduce_min3A_19 : vector<2048xi32> to vector<2048x1xi32>
    %eq3A_21 = vector.broadcast %broadcast_in_dim3A_20 : vector<2048x1xi32> to vector<2048x8xi32>
    %eq3A_22 = arith.cmpi eq, %iota3A, %eq3A_21 : vector<2048x8xi32>
    %jit3A_23 = arith.constant 0xFF800000 : f32
    %broadcast_in_dim3A_24 = vector.broadcast %jit3A_23 : f32 to vector<2048x8xf32>
    %select_n3A_25 = arith.select %eq3A_22, %broadcast_in_dim3A_24, %mul3A_11 : vector<2048x8xi1>, vector<2048x8xf32>
    %reduce_max3A_26 = arith.constant dense<0xFF800000> : vector<2048xf32>
    %reduce_max3A_27 = vector.multi_reduction <maximumf>, %select_n3A_25, %reduce_max3A_26 [1] : vector<2048x8xf32> to vector<2048xf32>
    %broadcast_in_dim3A_28 = vector.shape_cast %reduce_max3A_27 : vector<2048xf32> to vector<2048x1xf32>
    %eq3A_29 = vector.broadcast %broadcast_in_dim3A_28 : vector<2048x1xf32> to vector<2048x8xf32>
    %eq3A_30 = arith.cmpf oeq, %select_n3A_25, %eq3A_29 : vector<2048x8xf32>
    %jit3A_31 = arith.constant 8 : i32
    %broadcast_in_dim3A_32 = vector.broadcast %jit3A_31 : i32 to vector<2048x8xi32>
    %select_n3A_33 = arith.select %eq3A_30, %iota3A, %broadcast_in_dim3A_32 : vector<2048x8xi1>, vector<2048x8xi32>
    %reduce_min3A_34 = arith.constant dense<2147483647> : vector<2048xi32>
    %reduce_min3A_35 = vector.multi_reduction <minsi>, %select_n3A_33, %reduce_min3A_34 [1] : vector<2048x8xi32> to vector<2048xi32>
    %broadcast_in_dim3A_36 = vector.shape_cast %reduce_min3A_35 : vector<2048xi32> to vector<2048x1xi32>
    %eq3A_37 = vector.broadcast %broadcast_in_dim3A_36 : vector<2048x1xi32> to vector<2048x8xi32>
    %eq3A_38 = arith.cmpi eq, %iota3A, %eq3A_37 : vector<2048x8xi32>
    %jit3A_39 = arith.constant 0.000000e+00 : f32
    %broadcast_in_dim3A_40 = vector.broadcast %jit3A_39 : f32 to vector<2048x8xf32>
    %select_n3A_41 = arith.select %eq3A_22, %div3A_16, %broadcast_in_dim3A_40 : vector<2048x8xi1>, vector<2048x8xf32>
    %reduce_sum3A_42 = arith.constant dense<0.000000e+00> : vector<2048xf32>
    %reduce_sum3A_43 = vector.multi_reduction <add>, %select_n3A_41, %reduce_sum3A_42 [1] : vector<2048x8xf32> to vector<2048xf32>
    %broadcast_in_dim3A_44 = vector.shape_cast %reduce_sum3A_43 : vector<2048xf32> to vector<2048x1xf32>
    %jit3A_45 = arith.constant 0.000000e+00 : f32
    %broadcast_in_dim3A_46 = vector.broadcast %jit3A_45 : f32 to vector<2048x8xf32>
    %select_n3A_47 = arith.select %eq3A_38, %div3A_16, %broadcast_in_dim3A_46 : vector<2048x8xi1>, vector<2048x8xf32>
    %reduce_sum3A_48 = arith.constant dense<0.000000e+00> : vector<2048xf32>
    %reduce_sum3A_49 = vector.multi_reduction <add>, %select_n3A_47, %reduce_sum3A_48 [1] : vector<2048x8xf32> to vector<2048xf32>
    %broadcast_in_dim3A_50 = vector.shape_cast %reduce_sum3A_49 : vector<2048xf32> to vector<2048x1xf32>
    %or3A = arith.ori %eq3A_22, %eq3A_38 : vector<2048x8xi1>
    %convert_element_type3A_51 = arith.extui %or3A : vector<2048x8xi1> to vector<2048x8xi32>
    %convert_element_type3A_52 = arith.sitofp %convert_element_type3A_51 : vector<2048x8xi32> to vector<2048x8xf32>
    %convert_element_type3A_53 = arith.truncf %convert_element_type3A_52 : vector<2048x8xf32> to vector<2048x8xbf16>
    %iota3A_54 = tpu.iota {dimensions = array<i32: 0>} : vector<2048x2048xi32>
    %iota3A_55 = tpu.iota {dimensions = array<i32: 1>} : vector<2048x2048xi32>
    %lt3A = arith.cmpi slt, %iota3A_55, %iota3A_54 : vector<2048x2048xi32>
    %convert_element_type3A_56 = arith.extui %lt3A : vector<2048x2048xi1> to vector<2048x2048xi32>
    %convert_element_type3A_57 = arith.sitofp %convert_element_type3A_56 : vector<2048x2048xi32> to vector<2048x2048xf32>
    %convert_element_type3A_58 = arith.truncf %convert_element_type3A_57 : vector<2048x2048xf32> to vector<2048x2048xbf16>
    %dot_general3A_59 = arith.constant dense<0.000000e+00> : vector<2048x8xf32>
    %dot_general3A_60 = tpu.matmul %convert_element_type3A_58, %convert_element_type3A_53, %dot_general3A_59 {dimension_numbers = #tpu.dot_dimension_numbers<[1], [0], [0], [1], [0, 0, 1, 1], [], []>, transpose_lhs_hint = false} : vector<2048x2048xbf16>, vector<2048x8xbf16>, vector<2048x8xf32> -> vector<2048x8xf32>
    %convert_element_type3A_61 = arith.extf %convert_element_type3A_53 : vector<2048x8xbf16> to vector<2048x8xf32>
    %reduce_sum3A_62 = arith.constant dense<0.000000e+00> : vector<8xf32>
    %reduce_sum3A_63 = vector.multi_reduction <add>, %convert_element_type3A_61, %reduce_sum3A_62 [0] : vector<2048x8xf32> to vector<8xf32>
    %broadcast_in_dim3A_64 = vector.shape_cast %reduce_sum3A_63 : vector<8xf32> to vector<1x8xf32>
    %mul3A_65 = arith.constant 3.906250e-03 : f32
    %mul3A_66 = vector.broadcast %mul3A_65 : f32 to vector<1x8xf32>
    %mul3A_67 = arith.mulf %broadcast_in_dim3A_64, %mul3A_66 : vector<1x8xf32>
    %ceil3A = math.ceil %mul3A_67 : vector<1x8xf32>
    %mul3A_68 = arith.constant 2.560000e+02 : f32
    %mul3A_69 = vector.broadcast %mul3A_68 : f32 to vector<1x8xf32>
    %mul3A_70 = arith.mulf %ceil3A, %mul3A_69 : vector<1x8xf32>
    %broadcast_in_dim3A_71 = vector.shape_cast %mul3A_70 : vector<1x8xf32> to vector<1x8xf32>
    %broadcast_in_dim3A_72 = vector.broadcast %broadcast_in_dim3A_71 : vector<1x8xf32> to vector<8x8xf32>
    %convert_element_type3A_73 = arith.truncf %broadcast_in_dim3A_72 : vector<8x8xf32> to vector<8x8xbf16>
    %iota3A_74 = tpu.iota {dimensions = array<i32: 0>} : vector<8x8xi32>
    %iota3A_75 = tpu.iota {dimensions = array<i32: 1>} : vector<8x8xi32>
    %lt3A_76 = arith.cmpi slt, %iota3A_74, %iota3A_75 : vector<8x8xi32>
    %convert_element_type3A_77 = arith.extui %lt3A_76 : vector<8x8xi1> to vector<8x8xi32>
    %convert_element_type3A_78 = arith.sitofp %convert_element_type3A_77 : vector<8x8xi32> to vector<8x8xf32>
    %convert_element_type3A_79 = arith.truncf %convert_element_type3A_78 : vector<8x8xf32> to vector<8x8xbf16>
    %dot_general3A_80 = arith.constant dense<0.000000e+00> : vector<8x8xf32>
    %dot_general3A_81 = tpu.matmul %convert_element_type3A_73, %convert_element_type3A_79, %dot_general3A_80 {dimension_numbers = #tpu.dot_dimension_numbers<[1], [0], [0], [1], [0, 0, 1, 1], [], []>, transpose_lhs_hint = false} : vector<8x8xbf16>, vector<8x8xbf16>, vector<8x8xf32> -> vector<8x8xf32>
    %slice3A = vector.extract_strided_slice %dot_general3A_81 {offsets = [0, 0], sizes = [1, 8], strides = [1, 1]} : vector<8x8xf32> to vector<1x8xf32>
    %add3A = vector.broadcast %slice3A : vector<1x8xf32> to vector<2048x8xf32>
    %add3A_82 = arith.addf %add3A, %dot_general3A_60 : vector<2048x8xf32>
    %jit3A_83 = arith.constant 0.000000e+00 : f32
    %broadcast_in_dim3A_84 = vector.broadcast %jit3A_83 : f32 to vector<2048x8xf32>
    %select_n3A_85 = arith.select %eq3A_22, %add3A_82, %broadcast_in_dim3A_84 : vector<2048x8xi1>, vector<2048x8xf32>
    %reduce_sum3A_86 = arith.constant dense<0.000000e+00> : vector<2048xf32>
    %reduce_sum3A_87 = vector.multi_reduction <add>, %select_n3A_85, %reduce_sum3A_86 [1] : vector<2048x8xf32> to vector<2048xf32>
    %broadcast_in_dim3A_88 = vector.shape_cast %reduce_sum3A_87 : vector<2048xf32> to vector<2048x1xf32>
    %jit3A_89 = arith.constant 0.000000e+00 : f32
    %broadcast_in_dim3A_90 = vector.broadcast %jit3A_89 : f32 to vector<2048x8xf32>
    %select_n3A_91 = arith.select %eq3A_38, %add3A_82, %broadcast_in_dim3A_90 : vector<2048x8xi1>, vector<2048x8xf32>
    %reduce_sum3A_92 = arith.constant dense<0.000000e+00> : vector<2048xf32>
    %reduce_sum3A_93 = vector.multi_reduction <add>, %select_n3A_91, %reduce_sum3A_92 [1] : vector<2048x8xf32> to vector<2048xf32>
    %broadcast_in_dim3A_94 = vector.shape_cast %reduce_sum3A_93 : vector<2048xf32> to vector<2048x1xf32>
    %convert_element_type3A_95 = arith.fptosi %broadcast_in_dim3A_88 : vector<2048x1xf32> to vector<2048x1xi32>
    %swap3A = arith.constant 0 : index
    %swap3A_96 = arith.constant 0 : index
    %swap3A_97 = vector.load %arg2[%swap3A, %swap3A_96] : memref<2048x2xi32, #tpu.memory_space<vmem>>, vector<2048x1xi32>
    tpu.vector_store %arg2[%swap3A, %swap3A_96], %convert_element_type3A_95 {strides = array<i32>} : memref<2048x2xi32, #tpu.memory_space<vmem>>, vector<2048x1xi32>,
    %convert_element_type3A_98 = arith.fptosi %broadcast_in_dim3A_94 : vector<2048x1xf32> to vector<2048x1xi32>
    %swap3A_99 = arith.constant 0 : index
    %swap3A_100 = arith.constant 1 : index
    %swap3A_101 = vector.load %arg2[%swap3A_99, %swap3A_100] : memref<2048x2xi32, #tpu.memory_space<vmem>>, vector<2048x1xi32>
    tpu.vector_store %arg2[%swap3A_99, %swap3A_100], %convert_element_type3A_98 {strides = array<i32>} : memref<2048x2xi32, #tpu.memory_space<vmem>>, vector<2048x1xi32>,
    %swap3A_102 = arith.constant 0 : index
    %swap3A_103 = arith.constant 0 : index
    %swap3A_104 = vector.load %arg3[%swap3A_102, %swap3A_103] : memref<2048x2xf32, #tpu.memory_space<vmem>>, vector<2048x1xf32>
    tpu.vector_store %arg3[%swap3A_102, %swap3A_103], %broadcast_in_dim3A_44 {strides = array<i32>} : memref<2048x2xf32, #tpu.memory_space<vmem>>, vector<2048x1xf32>,
    %swap3A_105 = arith.constant 0 : index
    %swap3A_106 = arith.constant 1 : index
    %swap3A_107 = vector.load %arg3[%swap3A_105, %swap3A_106] : memref<2048x2xf32, #tpu.memory_space<vmem>>, vector<2048x1xf32>
    tpu.vector_store %arg3[%swap3A_105, %swap3A_106], %broadcast_in_dim3A_50 {strides = array<i32>} : memref<2048x2xf32, #tpu.memory_space<vmem>>, vector<2048x1xf32>,
    %convert_element_type3A_108 = arith.fptosi %mul3A_70 : vector<1x8xf32> to vector<1x8xi32>
    %swap3A_109 = arith.constant 0 : index
    %swap3A_110 = arith.constant 0 : index
    %swap3A_111 = vector.load %arg4[%swap3A_109, %swap3A_110] : memref<1x8xi32, #tpu.memory_space<vmem>>, vector<1x8xi32>
    tpu.vector_store %arg4[%swap3A_109, %swap3A_110], %convert_element_type3A_108 {strides = array<i32>} : memref<1x8xi32, #tpu.memory_space<vmem>>, vector<1x8xi32>,
    return
  }
}

module attributes {stable_mosaic.version = 14 : i64} {
  func.func @_grouped_outer(%arg0: memref<25xi32, #tpu.memory_space<smem>>, %arg1: memref<6144x1024xf32, #tpu.memory_space<hbm>>, %arg2: memref<6144x128xf32, #tpu.memory_space<hbm>>, %arg3: memref<8x1024x4096xf32, #tpu.memory_space<hbm>>, %arg4: memref<8x1024x4096xf32, #tpu.memory_space<hbm>>, %arg5: memref<8x4096x1024xf32, #tpu.memory_space<hbm>>, %arg6: memref<2x6144x1024xf32, #tpu.memory_space<hbm>>) attributes {dimension_semantics = [], scalar_prefetch = 0 : i64, scratch_operands = 0 : i64, tpu.core_type = #tpu.core_type<tc>} {
    %get3A = arith.constant 24 : index
    %get3A_0 = memref.load %arg0[%get3A] : memref<25xi32, #tpu.memory_space<smem>>
    %mul3A = arith.constant 2 : i32
    %mul3A_1 = arith.muli %mul3A, %get3A_0 : i32
    "tpu.region"() ({
      %run_scoped3A = memref.alloca() : memref<2x256x1024xf32, #tpu.memory_space<vmem>>
      %run_scoped3A_2 = tpu.sem_alloc : memref<2x!tpu.dma_semaphore, #tpu.memory_space<semaphore_mem>>
      %run_scoped3A_3 = memref.alloca() : memref<2x256x128xf32, #tpu.memory_space<vmem>>
      %run_scoped3A_4 = tpu.sem_alloc : memref<2x!tpu.dma_semaphore, #tpu.memory_space<semaphore_mem>>
      %run_scoped3A_5 = memref.alloca() : memref<2x1x1024x2048xf32, #tpu.memory_space<vmem>>
      %run_scoped3A_6 = tpu.sem_alloc : memref<2x!tpu.dma_semaphore, #tpu.memory_space<semaphore_mem>>
      %run_scoped3A_7 = memref.alloca() : memref<2x1x1024x2048xf32, #tpu.memory_space<vmem>>
      %run_scoped3A_8 = tpu.sem_alloc : memref<2x!tpu.dma_semaphore, #tpu.memory_space<semaphore_mem>>
      %run_scoped3A_9 = memref.alloca() : memref<2x1x2048x1024xf32, #tpu.memory_space<vmem>>
      %run_scoped3A_10 = tpu.sem_alloc : memref<2x!tpu.dma_semaphore, #tpu.memory_space<semaphore_mem>>
      %run_scoped3A_11 = memref.alloca() : memref<2x1x256x1024xf32, #tpu.memory_space<vmem>>
      %run_scoped3A_12 = tpu.sem_alloc : memref<2x!tpu.dma_semaphore, #tpu.memory_space<semaphore_mem>>
      %gt3A = arith.constant 0 : i32
      %gt3A_13 = arith.cmpi sgt, %mul3A_1, %gt3A : i32
      %convert_element_type3A = arith.extui %gt3A_13 : i1 to i32
      %cond3A = arith.constant 0 : i32
      %cond3A_14 = arith.cmpi ne, %convert_element_type3A, %cond3A : i32
      scf.if %cond3A_14 {
        %mul3A_15 = arith.constant 2 : i32
        %mul3A_16 = arith.muli %mul3A_15, %get3A_0 : i32
        %sub3A = arith.constant 1 : i32
        %sub3A_17 = arith.subi %mul3A_16, %sub3A : i32
        %eq3A = arith.constant 0 : i32
        %eq3A_18 = arith.cmpi eq, %sub3A_17, %eq3A : i32
        %select_n3A = arith.constant true
        %select_n3A_19 = arith.constant 0 : i32
        %select_n3A_20 = arith.constant -1 : i32
        %select_n3A_21 = arith.select %select_n3A, %select_n3A_20, %select_n3A_19 : i32
        %eq3A_22 = arith.constant -1 : i32
        %eq3A_23 = arith.cmpi eq, %select_n3A_21, %eq3A_22 : i32
        %sub3A_24 = arith.constant 1 : i32
        %sub3A_25 = arith.subi %get3A_0, %sub3A_24 : i32
        %select_n3A_26 = arith.select %eq3A_23, %sub3A_25, %select_n3A_21 : i32
        %select_n3A_27 = arith.constant 0 : i32
        %select_n3A_28 = arith.constant -1 : i32
        %select_n3A_29 = arith.select %eq3A_23, %select_n3A_28, %select_n3A_27 : i32
        %eq3A_30 = arith.constant -1 : i32
        %eq3A_31 = arith.cmpi eq, %select_n3A_29, %eq3A_30 : i32
        %select_n3A_32 = arith.constant 1 : i32
        %select_n3A_33 = arith.select %eq3A_31, %select_n3A_32, %select_n3A_29 : i32
        %add3A = arith.constant 0 : i32
        %add3A_34 = arith.addi %select_n3A_33, %add3A : i32
        %add3A_35 = arith.constant 0 : i32
        %add3A_36 = arith.addi %select_n3A_26, %add3A_35 : i32
        %select_n3A_37 = arith.constant true
        %select_n3A_38 = arith.constant 0 : i32
        %select_n3A_39 = arith.constant 1 : i32
        %select_n3A_40 = arith.select %select_n3A_37, %select_n3A_39, %select_n3A_38 : i32
        %eq3A_41 = arith.cmpi eq, %select_n3A_40, %get3A_0 : i32
        %select_n3A_42 = arith.constant 0 : i32
        %select_n3A_43 = arith.select %eq3A_41, %select_n3A_42, %select_n3A_40 : i32
        %select_n3A_44 = arith.constant 0 : i32
        %select_n3A_45 = arith.constant 1 : i32
        %select_n3A_46 = arith.select %eq3A_41, %select_n3A_45, %select_n3A_44 : i32
        %eq3A_47 = arith.constant 2 : i32
        %eq3A_48 = arith.cmpi eq, %select_n3A_46, %eq3A_47 : i32
        %select_n3A_49 = arith.constant 0 : i32
        %select_n3A_50 = arith.select %eq3A_48, %select_n3A_49, %select_n3A_46 : i32
        %add3A_51 = arith.constant 0 : i32
        %add3A_52 = arith.addi %select_n3A_50, %add3A_51 : i32
        %add3A_53 = arith.constant 0 : i32
        %add3A_54 = arith.addi %select_n3A_43, %add3A_53 : i32
        %add3A_55 = arith.constant 1 : i32
        %add3A_56 = arith.addi %select_n3A_43, %add3A_55 : i32
        %select_n3A_57 = arith.constant true
        %select_n3A_58 = arith.select %select_n3A_57, %add3A_56, %select_n3A_43 : i32
        %eq3A_59 = arith.cmpi eq, %select_n3A_58, %get3A_0 : i32
        %select_n3A_60 = arith.constant 0 : i32
        %select_n3A_61 = arith.select %eq3A_59, %select_n3A_60, %select_n3A_58 : i32
        %add3A_62 = arith.constant 1 : i32
        %add3A_63 = arith.addi %select_n3A_50, %add3A_62 : i32
        %select_n3A_64 = arith.select %eq3A_59, %add3A_63, %select_n3A_50 : i32
        %eq3A_65 = arith.constant 2 : i32
        %eq3A_66 = arith.cmpi eq, %select_n3A_64, %eq3A_65 : i32
        %select_n3A_67 = arith.constant 0 : i32
        %select_n3A_68 = arith.select %eq3A_66, %select_n3A_67, %select_n3A_64 : i32
        %add3A_69 = arith.constant 0 : i32
        %add3A_70 = arith.addi %select_n3A_68, %add3A_69 : i32
        %add3A_71 = arith.constant 0 : i32
        %add3A_72 = arith.addi %select_n3A_61, %add3A_71 : i32
        "tpu.trace_start"() <{level = 10 : i32, message = "ep_initialize_0"}> : () -> ()
        %rem3A = arith.constant 0 : i32
        %rem3A_73 = arith.constant 2 : i32
        %rem3A_74 = arith.remui %rem3A, %rem3A_73 : i32
        %dma_start3A = tpu.memref_slice %run_scoped3A_2[%rem3A_74] : memref<2x!tpu.dma_semaphore, #tpu.memory_space<semaphore_mem>> -> memref<1x!tpu.dma_semaphore, #tpu.memory_space<semaphore_mem>>
        %dma_start3A_75 = tpu.memref_squeeze %dma_start3A : memref<1x!tpu.dma_semaphore, #tpu.memory_space<semaphore_mem>> -> memref<!tpu.dma_semaphore, #tpu.memory_space<semaphore_mem>>
        %dma_start3A_76 = arith.constant 0 : i32
        %dma_start3A_77 = arith.constant 0 : i32
        %dma_start3A_78 = tpu.memref_slice %run_scoped3A[%rem3A_74, %dma_start3A_76, %dma_start3A_77] : memref<2x256x1024xf32, #tpu.memory_space<vmem>> -> memref<1x256x1024xf32, #tpu.memory_space<vmem>>
        %dma_start3A_79 = tpu.memref_squeeze %dma_start3A_78 : memref<1x256x1024xf32, #tpu.memory_space<vmem>> -> memref<256x1024xf32, #tpu.memory_space<vmem>>
        %dma_start3A_80 = arith.constant 0 : i32
        %dma_start3A_81 = arith.constant 0 : i32
        %dma_start3A_82 = tpu.memref_slice %arg1[%dma_start3A_80, %dma_start3A_81] : memref<6144x1024xf32, #tpu.memory_space<hbm>> -> memref<256x1024xf32, #tpu.memory_space<hbm>>
        tpu.enqueue_dma source(%dma_start3A_82 : memref<256x1024xf32, #tpu.memory_space<hbm>>) target(%dma_start3A_79 : memref<256x1024xf32, #tpu.memory_space<vmem>>) target_semaphore(%dma_start3A_75 : memref<!tpu.dma_semaphore, #tpu.memory_space<semaphore_mem>>)
        %add3A_83 = arith.constant 0 : i32
        %add3A_84 = arith.constant 1 : i32
        %add3A_85 = arith.addi %add3A_83, %add3A_84 : i32
        %select_n3A_86 = arith.constant true
        %select_n3A_87 = arith.constant 0 : i32
        %select_n3A_88 = arith.select %select_n3A_86, %add3A_85, %select_n3A_87 : i32
        %rem3A_89 = arith.constant 0 : i32
        %rem3A_90 = arith.constant 2 : i32
        %rem3A_91 = arith.remui %rem3A_89, %rem3A_90 : i32
        %dma_start3A_92 = tpu.memref_slice %run_scoped3A_4[%rem3A_91] : memref<2x!tpu.dma_semaphore, #tpu.memory_space<semaphore_mem>> -> memref<1x!tpu.dma_semaphore, #tpu.memory_space<semaphore_mem>>
        %dma_start3A_93 = tpu.memref_squeeze %dma_start3A_92 : memref<1x!tpu.dma_semaphore, #tpu.memory_space<semaphore_mem>> -> memref<!tpu.dma_semaphore, #tpu.memory_space<semaphore_mem>>
        %dma_start3A_94 = arith.constant 0 : i32
        %dma_start3A_95 = arith.constant 0 : i32
        %dma_start3A_96 = tpu.memref_slice %run_scoped3A_3[%rem3A_91, %dma_start3A_94, %dma_start3A_95] : memref<2x256x128xf32, #tpu.memory_space<vmem>> -> memref<1x256x128xf32, #tpu.memory_space<vmem>>
        %dma_start3A_97 = tpu.memref_squeeze %dma_start3A_96 : memref<1x256x128xf32, #tpu.memory_space<vmem>> -> memref<256x128xf32, #tpu.memory_space<vmem>>
        %dma_start3A_98 = arith.constant 0 : i32
        %dma_start3A_99 = arith.constant 0 : i32
        %dma_start3A_100 = tpu.memref_slice %arg2[%dma_start3A_98, %dma_start3A_99] : memref<6144x128xf32, #tpu.memory_space<hbm>> -> memref<256x128xf32, #tpu.memory_space<hbm>>
        tpu.enqueue_dma source(%dma_start3A_100 : memref<256x128xf32, #tpu.memory_space<hbm>>) target(%dma_start3A_97 : memref<256x128xf32, #tpu.memory_space<vmem>>) target_semaphore(%dma_start3A_93 : memref<!tpu.dma_semaphore, #tpu.memory_space<semaphore_mem>>)
        %add3A_101 = arith.constant 0 : i32
        %add3A_102 = arith.constant 1 : i32
        %add3A_103 = arith.addi %add3A_101, %add3A_102 : i32
        %select_n3A_104 = arith.constant true
        %select_n3A_105 = arith.constant 0 : i32
        %select_n3A_106 = arith.select %select_n3A_104, %add3A_103, %select_n3A_105 : i32
        %add3A_107 = arith.constant 0 : i32
        %add3A_108 = arith.constant 0 : i32
        %add3A_109 = arith.addi %add3A_107, %add3A_108 : i32
        %add3A_110 = arith.constant 0 : i32
        %add3A_111 = arith.constant 0 : i32
        %add3A_112 = arith.addi %add3A_110, %add3A_111 : i32
        %rem3A_113 = arith.constant 0 : i32
        %rem3A_114 = arith.constant 2 : i32
        %rem3A_115 = arith.remui %rem3A_113, %rem3A_114 : i32
        %get3A_116 = arith.index_cast %add3A_112 : i32 to index
        %get3A_117 = memref.load %arg0[%get3A_116] : memref<25xi32, #tpu.memory_space<smem>>
        %mul3A_118 = arith.constant 1 : i32
        %mul3A_119 = arith.muli %mul3A_118, %get3A_117 : i32
        %mul3A_120 = arith.constant 2048 : i32
        %mul3A_121 = arith.muli %mul3A_120, %add3A_109 : i32
        %dma_start3A_122 = tpu.memref_slice %run_scoped3A_6[%rem3A_115] : memref<2x!tpu.dma_semaphore, #tpu.memory_space<semaphore_mem>> -> memref<1x!tpu.dma_semaphore, #tpu.memory_space<semaphore_mem>>
        %dma_start3A_123 = tpu.memref_squeeze %dma_start3A_122 : memref<1x!tpu.dma_semaphore, #tpu.memory_space<semaphore_mem>> -> memref<!tpu.dma_semaphore, #tpu.memory_space<semaphore_mem>>
        %dma_start3A_124 = arith.constant 0 : i32
        %dma_start3A_125 = arith.constant 0 : i32
        %dma_start3A_126 = arith.constant 0 : i32
        %dma_start3A_127 = tpu.memref_slice %run_scoped3A_5[%rem3A_115, %dma_start3A_124, %dma_start3A_125, %dma_start3A_126] : memref<2x1x1024x2048xf32, #tpu.memory_space<vmem>> -> memref<1x1x1024x2048xf32, #tpu.memory_space<vmem>>
        %dma_start3A_128 = tpu.memref_squeeze %dma_start3A_127 : memref<1x1x1024x2048xf32, #tpu.memory_space<vmem>> -> memref<1x1024x2048xf32, #tpu.memory_space<vmem>>
        %dma_start3A_129 = arith.constant 0 : i32
        %dma_start3A_130 = tpu.memref_slice %arg3[%mul3A_119, %dma_start3A_129, %mul3A_121] : memref<8x1024x4096xf32, #tpu.memory_space<hbm>> -> memref<1x1024x2048xf32, #tpu.memory_space<hbm>>
        tpu.enqueue_dma source(%dma_start3A_130 : memref<1x1024x2048xf32, #tpu.memory_space<hbm>>) target(%dma_start3A_128 : memref<1x1024x2048xf32, #tpu.memory_space<vmem>>) target_semaphore(%dma_start3A_123 : memref<!tpu.dma_semaphore, #tpu.memory_space<semaphore_mem>>)
        %add3A_131 = arith.constant 0 : i32
        %add3A_132 = arith.constant 1 : i32
        %add3A_133 = arith.addi %add3A_131, %add3A_132 : i32
        %select_n3A_134 = arith.constant true
        %select_n3A_135 = arith.constant 0 : i32
        %select_n3A_136 = arith.select %select_n3A_134, %add3A_133, %select_n3A_135 : i32
        %add3A_137 = arith.constant 0 : i32
        %add3A_138 = arith.constant 0 : i32
        %add3A_139 = arith.addi %add3A_137, %add3A_138 : i32
        %add3A_140 = arith.constant 0 : i32
        %add3A_141 = arith.constant 0 : i32
        %add3A_142 = arith.addi %add3A_140, %add3A_141 : i32
        %rem3A_143 = arith.constant 0 : i32
        %rem3A_144 = arith.constant 2 : i32
        %rem3A_145 = arith.remui %rem3A_143, %rem3A_144 : i32
        %get3A_146 = arith.index_cast %add3A_142 : i32 to index
        %get3A_147 = memref.load %arg0[%get3A_146] : memref<25xi32, #tpu.memory_space<smem>>
        %mul3A_148 = arith.constant 1 : i32
        %mul3A_149 = arith.muli %mul3A_148, %get3A_147 : i32
        %mul3A_150 = arith.constant 2048 : i32
        %mul3A_151 = arith.muli %mul3A_150, %add3A_139 : i32
        %dma_start3A_152 = tpu.memref_slice %run_scoped3A_8[%rem3A_145] : memref<2x!tpu.dma_semaphore, #tpu.memory_space<semaphore_mem>> -> memref<1x!tpu.dma_semaphore, #tpu.memory_space<semaphore_mem>>
        %dma_start3A_153 = tpu.memref_squeeze %dma_start3A_152 : memref<1x!tpu.dma_semaphore, #tpu.memory_space<semaphore_mem>> -> memref<!tpu.dma_semaphore, #tpu.memory_space<semaphore_mem>>
        %dma_start3A_154 = arith.constant 0 : i32
        %dma_start3A_155 = arith.constant 0 : i32
        %dma_start3A_156 = arith.constant 0 : i32
        %dma_start3A_157 = tpu.memref_slice %run_scoped3A_7[%rem3A_145, %dma_start3A_154, %dma_start3A_155, %dma_start3A_156] : memref<2x1x1024x2048xf32, #tpu.memory_space<vmem>> -> memref<1x1x1024x2048xf32, #tpu.memory_space<vmem>>
        %dma_start3A_158 = tpu.memref_squeeze %dma_start3A_157 : memref<1x1x1024x2048xf32, #tpu.memory_space<vmem>> -> memref<1x1024x2048xf32, #tpu.memory_space<vmem>>
        %dma_start3A_159 = arith.constant 0 : i32
        %dma_start3A_160 = tpu.memref_slice %arg4[%mul3A_149, %dma_start3A_159, %mul3A_151] : memref<8x1024x4096xf32, #tpu.memory_space<hbm>> -> memref<1x1024x2048xf32, #tpu.memory_space<hbm>>
        tpu.enqueue_dma source(%dma_start3A_160 : memref<1x1024x2048xf32, #tpu.memory_space<hbm>>) target(%dma_start3A_158 : memref<1x1024x2048xf32, #tpu.memory_space<vmem>>) target_semaphore(%dma_start3A_153 : memref<!tpu.dma_semaphore, #tpu.memory_space<semaphore_mem>>)
        %add3A_161 = arith.constant 0 : i32
        %add3A_162 = arith.constant 1 : i32
        %add3A_163 = arith.addi %add3A_161, %add3A_162 : i32
        %select_n3A_164 = arith.constant true
        %select_n3A_165 = arith.constant 0 : i32
        %select_n3A_166 = arith.select %select_n3A_164, %add3A_163, %select_n3A_165 : i32
        %add3A_167 = arith.constant 0 : i32
        %add3A_168 = arith.constant 0 : i32
        %add3A_169 = arith.addi %add3A_167, %add3A_168 : i32
        %add3A_170 = arith.constant 0 : i32
        %add3A_171 = arith.constant 0 : i32
        %add3A_172 = arith.addi %add3A_170, %add3A_171 : i32
        %rem3A_173 = arith.constant 0 : i32
        %rem3A_174 = arith.constant 2 : i32
        %rem3A_175 = arith.remui %rem3A_173, %rem3A_174 : i32
        %get3A_176 = arith.index_cast %add3A_172 : i32 to index
        %get3A_177 = memref.load %arg0[%get3A_176] : memref<25xi32, #tpu.memory_space<smem>>
        %mul3A_178 = arith.constant 1 : i32
        %mul3A_179 = arith.muli %mul3A_178, %get3A_177 : i32
        %mul3A_180 = arith.constant 2048 : i32
        %mul3A_181 = arith.muli %mul3A_180, %add3A_169 : i32
        %dma_start3A_182 = tpu.memref_slice %run_scoped3A_10[%rem3A_175] : memref<2x!tpu.dma_semaphore, #tpu.memory_space<semaphore_mem>> -> memref<1x!tpu.dma_semaphore, #tpu.memory_space<semaphore_mem>>
        %dma_start3A_183 = tpu.memref_squeeze %dma_start3A_182 : memref<1x!tpu.dma_semaphore, #tpu.memory_space<semaphore_mem>> -> memref<!tpu.dma_semaphore, #tpu.memory_space<semaphore_mem>>
        %dma_start3A_184 = arith.constant 0 : i32
        %dma_start3A_185 = arith.constant 0 : i32
        %dma_start3A_186 = arith.constant 0 : i32
        %dma_start3A_187 = tpu.memref_slice %run_scoped3A_9[%rem3A_175, %dma_start3A_184, %dma_start3A_185, %dma_start3A_186] : memref<2x1x2048x1024xf32, #tpu.memory_space<vmem>> -> memref<1x1x2048x1024xf32, #tpu.memory_space<vmem>>
        %dma_start3A_188 = tpu.memref_squeeze %dma_start3A_187 : memref<1x1x2048x1024xf32, #tpu.memory_space<vmem>> -> memref<1x2048x1024xf32, #tpu.memory_space<vmem>>
        %dma_start3A_189 = arith.constant 0 : i32
        %dma_start3A_190 = tpu.memref_slice %arg5[%mul3A_179, %mul3A_181, %dma_start3A_189] : memref<8x4096x1024xf32, #tpu.memory_space<hbm>> -> memref<1x2048x1024xf32, #tpu.memory_space<hbm>>
        tpu.enqueue_dma source(%dma_start3A_190 : memref<1x2048x1024xf32, #tpu.memory_space<hbm>>) target(%dma_start3A_188 : memref<1x2048x1024xf32, #tpu.memory_space<vmem>>) target_semaphore(%dma_start3A_183 : memref<!tpu.dma_semaphore, #tpu.memory_space<semaphore_mem>>)
        %add3A_191 = arith.constant 0 : i32
        %add3A_192 = arith.constant 1 : i32
        %add3A_193 = arith.addi %add3A_191, %add3A_192 : i32
        %select_n3A_194 = arith.constant true
        %select_n3A_195 = arith.constant 0 : i32
        %select_n3A_196 = arith.select %select_n3A_194, %add3A_193, %select_n3A_195 : i32
        %while3A = arith.constant 0 : i32
        %while3A_197 = arith.constant 0 : i32
        %while3A_198 = arith.constant 0 : i32
        %while3A_199 = arith.constant 0 : i32
        %while3A_200 = arith.constant 0 : i32
        %while3A_201 = arith.constant 0 : i32
        %while3A_202 = arith.constant 0 : i32
        %while3A_203 = arith.constant 0 : i32
        %while3A_204 = arith.constant 0 : i32
        %while3A_205 = arith.constant 0 : i32
        %while3A_206 = arith.constant 0 : i32
        %while3A_207 = arith.constant 0 : i32
        %while3A_208 = arith.constant 0 : i32
        %while3A_209 = arith.constant 0 : i32
        %while3A_210 = arith.constant 0 : i32
        %while3A_211 = arith.constant 0 : i32
        "tpu.trace_stop"() : () -> ()
        %while3A_212 = arith.subi %mul3A_1, %while3A : i32
        %while3A_213 = arith.addi %while3A, %while3A_212 : i32
        %while3A_214 = arith.constant 1 : i32
        %while3A_215 = arith.divsi %while3A_212, %while3A_214 : i32
        %while3A_216 = arith.muli %while3A_215, %while3A_214 : i32
        %while3A_217 = arith.addi %while3A, %while3A_216 : i32
        %while3A_218 = arith.constant 1 : i32
        %while3A_219:20 = scf.for %while3A_325 = %while3A to %while3A_217 step %while3A_218 iter_args(%while3A_326 = %select_n3A_88, %while3A_327 = %while3A_197, %while3A_328 = %select_n3A_106, %while3A_329 = %while3A_198, %while3A_330 = %select_n3A_136, %while3A_331 = %while3A_199, %while3A_332 = %while3A_200, %while3A_333 = %while3A_201, %while3A_334 = %select_n3A_166, %while3A_335 = %while3A_202, %while3A_336 = %while3A_203, %while3A_337 = %while3A_204, %while3A_338 = %select_n3A_196, %while3A_339 = %while3A_205, %while3A_340 = %while3A_206, %while3A_341 = %while3A_207, %while3A_342 = %while3A_208, %while3A_343 = %while3A_209, %while3A_344 = %while3A_210, %while3A_345 = %while3A_211) -> (i32, i32, i32, i32, i32, i32, i32, i32, i32, i32, i32, i32, i32, i32, i32, i32, i32, i32, i32, i32)  : i32 {
          %mul3A_346 = arith.constant 2 : i32
          %mul3A_347 = arith.muli %mul3A_346, %get3A_0 : i32
          %eq3A_348 = arith.constant 0 : i32
          %eq3A_349 = arith.cmpi eq, %while3A_325, %eq3A_348 : i32
          %sub3A_350 = arith.constant 1 : i32
          %sub3A_351 = arith.subi %mul3A_347, %sub3A_350 : i32
          %eq3A_352 = arith.cmpi eq, %while3A_325, %sub3A_351 : i32
          %add3A_353 = arith.constant 0 : i32
          %add3A_354 = arith.addi %while3A_344, %add3A_353 : i32
          %add3A_355 = arith.constant 0 : i32
          %add3A_356 = arith.addi %while3A_345, %add3A_355 : i32
          %sub3A_357 = arith.constant 1 : i32
          %sub3A_358 = arith.subi %while3A_345, %sub3A_357 : i32
          %select_n3A_359 = arith.constant true
          %select_n3A_360 = arith.select %select_n3A_359, %sub3A_358, %while3A_345 : i32
          %eq3A_361 = arith.constant -1 : i32
          %eq3A_362 = arith.cmpi eq, %select_n3A_360, %eq3A_361 : i32
          %sub3A_363 = arith.constant 1 : i32
          %sub3A_364 = arith.subi %get3A_0, %sub3A_363 : i32
          %select_n3A_365 = arith.select %eq3A_362, %sub3A_364, %select_n3A_360 : i32
          %sub3A_366 = arith.constant 1 : i32
          %sub3A_367 = arith.subi %while3A_344, %sub3A_366 : i32
          %select_n3A_368 = arith.select %eq3A_362, %sub3A_367, %while3A_344 : i32
          %eq3A_369 = arith.constant -1 : i32
          %eq3A_370 = arith.cmpi eq, %select_n3A_368, %eq3A_369 : i32
          %select_n3A_371 = arith.constant 1 : i32
          %select_n3A_372 = arith.select %eq3A_370, %select_n3A_371, %select_n3A_368 : i32
          %add3A_373 = arith.constant 0 : i32
          %add3A_374 = arith.addi %select_n3A_372, %add3A_373 : i32
          %add3A_375 = arith.constant 0 : i32
          %add3A_376 = arith.addi %select_n3A_365, %add3A_375 : i32
          %add3A_377 = arith.constant 1 : i32
          %add3A_378 = arith.addi %while3A_345, %add3A_377 : i32
          %select_n3A_379 = arith.constant true
          %select_n3A_380 = arith.select %select_n3A_379, %add3A_378, %while3A_345 : i32
          %eq3A_381 = arith.cmpi eq, %select_n3A_380, %get3A_0 : i32
          %select_n3A_382 = arith.constant 0 : i32
          %select_n3A_383 = arith.select %eq3A_381, %select_n3A_382, %select_n3A_380 : i32
          %add3A_384 = arith.constant 1 : i32
          %add3A_385 = arith.addi %while3A_344, %add3A_384 : i32
          %select_n3A_386 = arith.select %eq3A_381, %add3A_385, %while3A_344 : i32
          %eq3A_387 = arith.constant 2 : i32
          %eq3A_388 = arith.cmpi eq, %select_n3A_386, %eq3A_387 : i32
          %select_n3A_389 = arith.constant 0 : i32
          %select_n3A_390 = arith.select %eq3A_388, %select_n3A_389, %select_n3A_386 : i32
          %add3A_391 = arith.constant 0 : i32
          %add3A_392 = arith.addi %select_n3A_390, %add3A_391 : i32
          %add3A_393 = arith.constant 0 : i32
          %add3A_394 = arith.addi %select_n3A_383, %add3A_393 : i32
          %add3A_395 = arith.constant 1 : i32
          %add3A_396 = arith.addi %select_n3A_383, %add3A_395 : i32
          %select_n3A_397 = arith.constant true
          %select_n3A_398 = arith.select %select_n3A_397, %add3A_396, %select_n3A_383 : i32
          %eq3A_399 = arith.cmpi eq, %select_n3A_398, %get3A_0 : i32
          %select_n3A_400 = arith.constant 0 : i32
          %select_n3A_401 = arith.select %eq3A_399, %select_n3A_400, %select_n3A_398 : i32
          %add3A_402 = arith.constant 1 : i32
          %add3A_403 = arith.addi %select_n3A_390, %add3A_402 : i32
          %select_n3A_404 = arith.select %eq3A_399, %add3A_403, %select_n3A_390 : i32
          %eq3A_405 = arith.constant 2 : i32
          %eq3A_406 = arith.cmpi eq, %select_n3A_404, %eq3A_405 : i32
          %select_n3A_407 = arith.constant 0 : i32
          %select_n3A_408 = arith.select %eq3A_406, %select_n3A_407, %select_n3A_404 : i32
          %add3A_409 = arith.constant 0 : i32
          %add3A_410 = arith.addi %select_n3A_408, %add3A_409 : i32
          %add3A_411 = arith.constant 0 : i32
          %add3A_412 = arith.addi %select_n3A_401, %add3A_411 : i32
          %ne3A = arith.cmpi ne, %add3A_356, %add3A_394 : i32
          %or3A = arith.constant false
          %or3A_413 = arith.ori %or3A, %ne3A : i1
          %or3A_414 = arith.constant false
          %or3A_415 = arith.ori %or3A_413, %or3A_414 : i1
          %sub3A_416 = arith.constant 2 : i32
          %sub3A_417 = arith.subi %mul3A_347, %sub3A_416 : i32
          %add3A_418 = arith.constant 1 : i32
          %add3A_419 = arith.addi %sub3A_417, %add3A_418 : i32
          %ge3A = arith.cmpi sge, %while3A_325, %add3A_419 : i32
          %not3A = arith.constant true
          %not3A_420 = arith.xori %ge3A, %not3A : i1
          %and3A = arith.andi %or3A_415, %not3A_420 : i1
          %convert_element_type3A_421 = arith.extui %and3A : i1 to i32
          %cond3A_422 = arith.constant 0 : i32
          %cond3A_423 = arith.cmpi ne, %convert_element_type3A_421, %cond3A_422 : i32
          scf.if %cond3A_423 {
            "tpu.trace_start"() <{level = 10 : i32, message = "ep_copy_in"}> : () -> ()
            %rem3A_1003 = arith.constant 2 : i32
            %rem3A_1004 = arith.remui %while3A_326, %rem3A_1003 : i32
            %mul3A_1005 = arith.constant 256 : i32
            %mul3A_1006 = arith.muli %mul3A_1005, %add3A_394 : i32
            %dma_start3A_1007 = tpu.memref_slice %run_scoped3A_2[%rem3A_1004] : memref<2x!tpu.dma_semaphore, #tpu.memory_space<semaphore_mem>> -> memref<1x!tpu.dma_semaphore, #tpu.memory_space<semaphore_mem>>
            %dma_start3A_1008 = tpu.memref_squeeze %dma_start3A_1007 : memref<1x!tpu.dma_semaphore, #tpu.memory_space<semaphore_mem>> -> memref<!tpu.dma_semaphore, #tpu.memory_space<semaphore_mem>>
            %dma_start3A_1009 = arith.constant 0 : i32
            %dma_start3A_1010 = arith.constant 0 : i32
            %dma_start3A_1011 = tpu.memref_slice %run_scoped3A[%rem3A_1004, %dma_start3A_1009, %dma_start3A_1010] : memref<2x256x1024xf32, #tpu.memory_space<vmem>> -> memref<1x256x1024xf32, #tpu.memory_space<vmem>>
            %dma_start3A_1012 = tpu.memref_squeeze %dma_start3A_1011 : memref<1x256x1024xf32, #tpu.memory_space<vmem>> -> memref<256x1024xf32, #tpu.memory_space<vmem>>
            %dma_start3A_1013 = arith.constant 0 : i32
            %dma_start3A_1014 = tpu.memref_slice %arg1[%mul3A_1006, %dma_start3A_1013] : memref<6144x1024xf32, #tpu.memory_space<hbm>> -> memref<256x1024xf32, #tpu.memory_space<hbm>>
            tpu.enqueue_dma source(%dma_start3A_1014 : memref<256x1024xf32, #tpu.memory_space<hbm>>) target(%dma_start3A_1012 : memref<256x1024xf32, #tpu.memory_space<vmem>>) target_semaphore(%dma_start3A_1008 : memref<!tpu.dma_semaphore, #tpu.memory_space<semaphore_mem>>)
            "tpu.trace_stop"() : () -> ()
          } else {
          }
          %and3A_424 = arith.constant true
          %and3A_425 = arith.andi %and3A, %and3A_424 : i1
          %add3A_426 = arith.constant 1 : i32
          %add3A_427 = arith.addi %while3A_326, %add3A_426 : i32
          %select_n3A_428 = arith.select %and3A_425, %add3A_427, %while3A_326 : i32
          %ne3A_429 = arith.cmpi ne, %add3A_356, %add3A_394 : i32
          %or3A_430 = arith.constant false
          %or3A_431 = arith.ori %or3A_430, %ne3A_429 : i1
          %or3A_432 = arith.constant false
          %or3A_433 = arith.ori %or3A_431, %or3A_432 : i1
          %sub3A_434 = arith.constant 2 : i32
          %sub3A_435 = arith.subi %mul3A_347, %sub3A_434 : i32
          %add3A_436 = arith.constant 1 : i32
          %add3A_437 = arith.addi %sub3A_435, %add3A_436 : i32
          %ge3A_438 = arith.cmpi sge, %while3A_325, %add3A_437 : i32
          %not3A_439 = arith.constant true
          %not3A_440 = arith.xori %ge3A_438, %not3A_439 : i1
          %and3A_441 = arith.andi %or3A_433, %not3A_440 : i1
          %convert_element_type3A_442 = arith.extui %and3A_441 : i1 to i32
          %cond3A_443 = arith.constant 0 : i32
          %cond3A_444 = arith.cmpi ne, %convert_element_type3A_442, %cond3A_443 : i32
          scf.if %cond3A_444 {
            "tpu.trace_start"() <{level = 10 : i32, message = "ep_copy_in"}> : () -> ()
            %rem3A_1003 = arith.constant 2 : i32
            %rem3A_1004 = arith.remui %while3A_328, %rem3A_1003 : i32
            %mul3A_1005 = arith.constant 256 : i32
            %mul3A_1006 = arith.muli %mul3A_1005, %add3A_394 : i32
            %dma_start3A_1007 = tpu.memref_slice %run_scoped3A_4[%rem3A_1004] : memref<2x!tpu.dma_semaphore, #tpu.memory_space<semaphore_mem>> -> memref<1x!tpu.dma_semaphore, #tpu.memory_space<semaphore_mem>>
            %dma_start3A_1008 = tpu.memref_squeeze %dma_start3A_1007 : memref<1x!tpu.dma_semaphore, #tpu.memory_space<semaphore_mem>> -> memref<!tpu.dma_semaphore, #tpu.memory_space<semaphore_mem>>
            %dma_start3A_1009 = arith.constant 0 : i32
            %dma_start3A_1010 = arith.constant 0 : i32
            %dma_start3A_1011 = tpu.memref_slice %run_scoped3A_3[%rem3A_1004, %dma_start3A_1009, %dma_start3A_1010] : memref<2x256x128xf32, #tpu.memory_space<vmem>> -> memref<1x256x128xf32, #tpu.memory_space<vmem>>
            %dma_start3A_1012 = tpu.memref_squeeze %dma_start3A_1011 : memref<1x256x128xf32, #tpu.memory_space<vmem>> -> memref<256x128xf32, #tpu.memory_space<vmem>>
            %dma_start3A_1013 = arith.constant 0 : i32
            %dma_start3A_1014 = tpu.memref_slice %arg2[%mul3A_1006, %dma_start3A_1013] : memref<6144x128xf32, #tpu.memory_space<hbm>> -> memref<256x128xf32, #tpu.memory_space<hbm>>
            tpu.enqueue_dma source(%dma_start3A_1014 : memref<256x128xf32, #tpu.memory_space<hbm>>) target(%dma_start3A_1012 : memref<256x128xf32, #tpu.memory_space<vmem>>) target_semaphore(%dma_start3A_1008 : memref<!tpu.dma_semaphore, #tpu.memory_space<semaphore_mem>>)
            "tpu.trace_stop"() : () -> ()
          } else {
          }
          %and3A_445 = arith.constant true
          %and3A_446 = arith.andi %and3A_441, %and3A_445 : i1
          %add3A_447 = arith.constant 1 : i32
          %add3A_448 = arith.addi %while3A_328, %add3A_447 : i32
          %select_n3A_449 = arith.select %and3A_446, %add3A_448, %while3A_328 : i32
          %get3A_450 = arith.index_cast %add3A_356 : i32 to index
          %get3A_451 = memref.load %arg0[%get3A_450] : memref<25xi32, #tpu.memory_space<smem>>
          %get3A_452 = arith.index_cast %add3A_394 : i32 to index
          %get3A_453 = memref.load %arg0[%get3A_452] : memref<25xi32, #tpu.memory_space<smem>>
          %ne3A_454 = arith.cmpi ne, %get3A_451, %get3A_453 : i32
          %ne3A_455 = arith.cmpi ne, %add3A_354, %add3A_392 : i32
          %or3A_456 = arith.constant false
          %or3A_457 = arith.ori %or3A_456, %ne3A_454 : i1
          %or3A_458 = arith.constant false
          %or3A_459 = arith.ori %or3A_457, %or3A_458 : i1
          %or3A_460 = arith.ori %or3A_459, %ne3A_455 : i1
          %sub3A_461 = arith.constant 2 : i32
          %sub3A_462 = arith.subi %mul3A_347, %sub3A_461 : i32
          %add3A_463 = arith.constant 1 : i32
          %add3A_464 = arith.addi %sub3A_462, %add3A_463 : i32
          %ge3A_465 = arith.cmpi sge, %while3A_325, %add3A_464 : i32
          %not3A_466 = arith.constant true
          %not3A_467 = arith.xori %ge3A_465, %not3A_466 : i1
          %and3A_468 = arith.andi %or3A_460, %not3A_467 : i1
          %add3A_469 = arith.constant 2 : i32
          %add3A_470 = arith.addi %while3A_331, %add3A_469 : i32
          %add3A_471 = arith.constant 1 : i32
          %add3A_472 = arith.addi %while3A_333, %add3A_471 : i32
          %select_n3A_473 = arith.constant true
          %select_n3A_474 = arith.select %select_n3A_473, %add3A_472, %while3A_333 : i32
          %eq3A_475 = arith.cmpi eq, %select_n3A_474, %get3A_0 : i32
          %select_n3A_476 = arith.constant 0 : i32
          %select_n3A_477 = arith.select %eq3A_475, %select_n3A_476, %select_n3A_474 : i32
          %add3A_478 = arith.constant 1 : i32
          %add3A_479 = arith.addi %while3A_332, %add3A_478 : i32
          %select_n3A_480 = arith.select %eq3A_475, %add3A_479, %while3A_332 : i32
          %select_n3A_481 = arith.constant false
          %select_n3A_482 = arith.constant 0 : i32
          %select_n3A_483 = arith.select %select_n3A_481, %select_n3A_482, %select_n3A_480 : i32
          %while3A_484:5 = scf.while (%while3A_1003 = %while3A_332, %while3A_1004 = %while3A_333, %while3A_1005 = %select_n3A_483, %while3A_1006 = %select_n3A_477, %while3A_1007 = %while3A_330) : (i32, i32, i32, i32, i32) -> (i32, i32, i32, i32, i32) {
            %lt3A = arith.cmpi ult, %while3A_1007, %add3A_470 : i32
            %lt3A_1008 = arith.constant 2 : i32
            %lt3A_1009 = arith.cmpi slt, %while3A_1005, %lt3A_1008 : i32
            %lt3A_1010 = arith.cmpi slt, %while3A_1006, %get3A_0 : i32
            %and3A_1011 = arith.constant true
            %and3A_1012 = arith.andi %and3A_1011, %lt3A_1009 : i1
            %and3A_1013 = arith.andi %and3A_1012, %lt3A_1010 : i1
            %and3A_1014 = arith.constant true
            %and3A_1015 = arith.andi %and3A_1014, %lt3A : i1
            %and3A_1016 = arith.andi %and3A_1015, %and3A_1013 : i1
            scf.condition(%and3A_1016) %while3A_1003, %while3A_1004, %while3A_1005, %while3A_1006, %while3A_1007 : i32, i32, i32, i32, i32
          } do {
          ^bb0(%while3A_1003: i32, %while3A_1004: i32, %while3A_1005: i32, %while3A_1006: i32, %while3A_1007: i32):
            %add3A_1008 = arith.constant 0 : i32
            %add3A_1009 = arith.addi %while3A_1003, %add3A_1008 : i32
            %add3A_1010 = arith.constant 0 : i32
            %add3A_1011 = arith.addi %while3A_1004, %add3A_1010 : i32
            %add3A_1012 = arith.constant 0 : i32
            %add3A_1013 = arith.addi %while3A_1005, %add3A_1012 : i32
            %add3A_1014 = arith.constant 0 : i32
            %add3A_1015 = arith.addi %while3A_1006, %add3A_1014 : i32
            %get3A_1016 = arith.index_cast %add3A_1011 : i32 to index
            %get3A_1017 = memref.load %arg0[%get3A_1016] : memref<25xi32, #tpu.memory_space<smem>>
            %get3A_1018 = arith.index_cast %add3A_1015 : i32 to index
            %get3A_1019 = memref.load %arg0[%get3A_1018] : memref<25xi32, #tpu.memory_space<smem>>
            %ne3A_1020 = arith.cmpi ne, %get3A_1017, %get3A_1019 : i32
            %ne3A_1021 = arith.cmpi ne, %add3A_1009, %add3A_1013 : i32
            %or3A_1022 = arith.constant false
            %or3A_1023 = arith.ori %or3A_1022, %ne3A_1020 : i1
            %or3A_1024 = arith.constant false
            %or3A_1025 = arith.ori %or3A_1023, %or3A_1024 : i1
            %or3A_1026 = arith.ori %or3A_1025, %ne3A_1021 : i1
            %convert_element_type3A_1027 = arith.extui %or3A_1026 : i1 to i32
            %cond3A_1028 = arith.constant 0 : i32
            %cond3A_1029 = arith.cmpi ne, %convert_element_type3A_1027, %cond3A_1028 : i32
            scf.if %cond3A_1029 {
              %rem3A_1045 = arith.constant 2 : i32
              %rem3A_1046 = arith.remui %while3A_1007, %rem3A_1045 : i32
              %get3A_1047 = arith.index_cast %add3A_1015 : i32 to index
              %get3A_1048 = memref.load %arg0[%get3A_1047] : memref<25xi32, #tpu.memory_space<smem>>
              %mul3A_1049 = arith.constant 1 : i32
              %mul3A_1050 = arith.muli %mul3A_1049, %get3A_1048 : i32
              %mul3A_1051 = arith.constant 2048 : i32
              %mul3A_1052 = arith.muli %mul3A_1051, %add3A_1013 : i32
              %dma_start3A_1053 = tpu.memref_slice %run_scoped3A_6[%rem3A_1046] : memref<2x!tpu.dma_semaphore, #tpu.memory_space<semaphore_mem>> -> memref<1x!tpu.dma_semaphore, #tpu.memory_space<semaphore_mem>>
              %dma_start3A_1054 = tpu.memref_squeeze %dma_start3A_1053 : memref<1x!tpu.dma_semaphore, #tpu.memory_space<semaphore_mem>> -> memref<!tpu.dma_semaphore, #tpu.memory_space<semaphore_mem>>
              %dma_start3A_1055 = arith.constant 0 : i32
              %dma_start3A_1056 = arith.constant 0 : i32
              %dma_start3A_1057 = arith.constant 0 : i32
              %dma_start3A_1058 = tpu.memref_slice %run_scoped3A_5[%rem3A_1046, %dma_start3A_1055, %dma_start3A_1056, %dma_start3A_1057] : memref<2x1x1024x2048xf32, #tpu.memory_space<vmem>> -> memref<1x1x1024x2048xf32, #tpu.memory_space<vmem>>
              %dma_start3A_1059 = tpu.memref_squeeze %dma_start3A_1058 : memref<1x1x1024x2048xf32, #tpu.memory_space<vmem>> -> memref<1x1024x2048xf32, #tpu.memory_space<vmem>>
              %dma_start3A_1060 = arith.constant 0 : i32
              %dma_start3A_1061 = tpu.memref_slice %arg3[%mul3A_1050, %dma_start3A_1060, %mul3A_1052] : memref<8x1024x4096xf32, #tpu.memory_space<hbm>> -> memref<1x1024x2048xf32, #tpu.memory_space<hbm>>
              tpu.enqueue_dma source(%dma_start3A_1061 : memref<1x1024x2048xf32, #tpu.memory_space<hbm>>) target(%dma_start3A_1059 : memref<1x1024x2048xf32, #tpu.memory_space<vmem>>) target_semaphore(%dma_start3A_1054 : memref<!tpu.dma_semaphore, #tpu.memory_space<semaphore_mem>>)
            } else {
            }
            %convert_element_type3A_1030 = arith.extui %or3A_1026 : i1 to i32
            %add3A_1031 = arith.addi %while3A_1007, %convert_element_type3A_1030 : i32
            %add3A_1032 = arith.constant 1 : i32
            %add3A_1033 = arith.addi %while3A_1006, %add3A_1032 : i32
            %select_n3A_1034 = arith.constant true
            %select_n3A_1035 = arith.select %select_n3A_1034, %add3A_1033, %while3A_1006 : i32
            %eq3A_1036 = arith.cmpi eq, %select_n3A_1035, %get3A_0 : i32
            %select_n3A_1037 = arith.constant 0 : i32
            %select_n3A_1038 = arith.select %eq3A_1036, %select_n3A_1037, %select_n3A_1035 : i32
            %add3A_1039 = arith.constant 1 : i32
            %add3A_1040 = arith.addi %while3A_1005, %add3A_1039 : i32
            %select_n3A_1041 = arith.select %eq3A_1036, %add3A_1040, %while3A_1005 : i32
            %select_n3A_1042 = arith.constant false
            %select_n3A_1043 = arith.constant 0 : i32
            %select_n3A_1044 = arith.select %select_n3A_1042, %select_n3A_1043, %select_n3A_1041 : i32
            scf.yield %while3A_1005, %while3A_1006, %select_n3A_1044, %select_n3A_1038, %add3A_1031 : i32, i32, i32, i32, i32
          }
          %get3A_485 = arith.index_cast %add3A_356 : i32 to index
          %get3A_486 = memref.load %arg0[%get3A_485] : memref<25xi32, #tpu.memory_space<smem>>
          %get3A_487 = arith.index_cast %add3A_394 : i32 to index
          %get3A_488 = memref.load %arg0[%get3A_487] : memref<25xi32, #tpu.memory_space<smem>>
          %ne3A_489 = arith.cmpi ne, %get3A_486, %get3A_488 : i32
          %ne3A_490 = arith.cmpi ne, %add3A_354, %add3A_392 : i32
          %or3A_491 = arith.constant false
          %or3A_492 = arith.ori %or3A_491, %ne3A_489 : i1
          %or3A_493 = arith.constant false
          %or3A_494 = arith.ori %or3A_492, %or3A_493 : i1
          %or3A_495 = arith.ori %or3A_494, %ne3A_490 : i1
          %sub3A_496 = arith.constant 2 : i32
          %sub3A_497 = arith.subi %mul3A_347, %sub3A_496 : i32
          %add3A_498 = arith.constant 1 : i32
          %add3A_499 = arith.addi %sub3A_497, %add3A_498 : i32
          %ge3A_500 = arith.cmpi sge, %while3A_325, %add3A_499 : i32
          %not3A_501 = arith.constant true
          %not3A_502 = arith.xori %ge3A_500, %not3A_501 : i1
          %and3A_503 = arith.andi %or3A_495, %not3A_502 : i1
          %add3A_504 = arith.constant 2 : i32
          %add3A_505 = arith.addi %while3A_335, %add3A_504 : i32
          %add3A_506 = arith.constant 1 : i32
          %add3A_507 = arith.addi %while3A_337, %add3A_506 : i32
          %select_n3A_508 = arith.constant true
          %select_n3A_509 = arith.select %select_n3A_508, %add3A_507, %while3A_337 : i32
          %eq3A_510 = arith.cmpi eq, %select_n3A_509, %get3A_0 : i32
          %select_n3A_511 = arith.constant 0 : i32
          %select_n3A_512 = arith.select %eq3A_510, %select_n3A_511, %select_n3A_509 : i32
          %add3A_513 = arith.constant 1 : i32
          %add3A_514 = arith.addi %while3A_336, %add3A_513 : i32
          %select_n3A_515 = arith.select %eq3A_510, %add3A_514, %while3A_336 : i32
          %select_n3A_516 = arith.constant false
          %select_n3A_517 = arith.constant 0 : i32
          %select_n3A_518 = arith.select %select_n3A_516, %select_n3A_517, %select_n3A_515 : i32
          %while3A_519:5 = scf.while (%while3A_1003 = %while3A_336, %while3A_1004 = %while3A_337, %while3A_1005 = %select_n3A_518, %while3A_1006 = %select_n3A_512, %while3A_1007 = %while3A_334) : (i32, i32, i32, i32, i32) -> (i32, i32, i32, i32, i32) {
            %lt3A = arith.cmpi ult, %while3A_1007, %add3A_505 : i32
            %lt3A_1008 = arith.constant 2 : i32
            %lt3A_1009 = arith.cmpi slt, %while3A_1005, %lt3A_1008 : i32
            %lt3A_1010 = arith.cmpi slt, %while3A_1006, %get3A_0 : i32
            %and3A_1011 = arith.constant true
            %and3A_1012 = arith.andi %and3A_1011, %lt3A_1009 : i1
            %and3A_1013 = arith.andi %and3A_1012, %lt3A_1010 : i1
            %and3A_1014 = arith.constant true
            %and3A_1015 = arith.andi %and3A_1014, %lt3A : i1
            %and3A_1016 = arith.andi %and3A_1015, %and3A_1013 : i1
            scf.condition(%and3A_1016) %while3A_1003, %while3A_1004, %while3A_1005, %while3A_1006, %while3A_1007 : i32, i32, i32, i32, i32
          } do {
          ^bb0(%while3A_1003: i32, %while3A_1004: i32, %while3A_1005: i32, %while3A_1006: i32, %while3A_1007: i32):
            %add3A_1008 = arith.constant 0 : i32
            %add3A_1009 = arith.addi %while3A_1003, %add3A_1008 : i32
            %add3A_1010 = arith.constant 0 : i32
            %add3A_1011 = arith.addi %while3A_1004, %add3A_1010 : i32
            %add3A_1012 = arith.constant 0 : i32
            %add3A_1013 = arith.addi %while3A_1005, %add3A_1012 : i32
            %add3A_1014 = arith.constant 0 : i32
            %add3A_1015 = arith.addi %while3A_1006, %add3A_1014 : i32
            %get3A_1016 = arith.index_cast %add3A_1011 : i32 to index
            %get3A_1017 = memref.load %arg0[%get3A_1016] : memref<25xi32, #tpu.memory_space<smem>>
            %get3A_1018 = arith.index_cast %add3A_1015 : i32 to index
            %get3A_1019 = memref.load %arg0[%get3A_1018] : memref<25xi32, #tpu.memory_space<smem>>
            %ne3A_1020 = arith.cmpi ne, %get3A_1017, %get3A_1019 : i32
            %ne3A_1021 = arith.cmpi ne, %add3A_1009, %add3A_1013 : i32
            %or3A_1022 = arith.constant false
            %or3A_1023 = arith.ori %or3A_1022, %ne3A_1020 : i1
            %or3A_1024 = arith.constant false
            %or3A_1025 = arith.ori %or3A_1023, %or3A_1024 : i1
            %or3A_1026 = arith.ori %or3A_1025, %ne3A_1021 : i1
            %convert_element_type3A_1027 = arith.extui %or3A_1026 : i1 to i32
            %cond3A_1028 = arith.constant 0 : i32
            %cond3A_1029 = arith.cmpi ne, %convert_element_type3A_1027, %cond3A_1028 : i32
            scf.if %cond3A_1029 {
              %rem3A_1045 = arith.constant 2 : i32
              %rem3A_1046 = arith.remui %while3A_1007, %rem3A_1045 : i32
              %get3A_1047 = arith.index_cast %add3A_1015 : i32 to index
              %get3A_1048 = memref.load %arg0[%get3A_1047] : memref<25xi32, #tpu.memory_space<smem>>
              %mul3A_1049 = arith.constant 1 : i32
              %mul3A_1050 = arith.muli %mul3A_1049, %get3A_1048 : i32
              %mul3A_1051 = arith.constant 2048 : i32
              %mul3A_1052 = arith.muli %mul3A_1051, %add3A_1013 : i32
              %dma_start3A_1053 = tpu.memref_slice %run_scoped3A_8[%rem3A_1046] : memref<2x!tpu.dma_semaphore, #tpu.memory_space<semaphore_mem>> -> memref<1x!tpu.dma_semaphore, #tpu.memory_space<semaphore_mem>>
              %dma_start3A_1054 = tpu.memref_squeeze %dma_start3A_1053 : memref<1x!tpu.dma_semaphore, #tpu.memory_space<semaphore_mem>> -> memref<!tpu.dma_semaphore, #tpu.memory_space<semaphore_mem>>
              %dma_start3A_1055 = arith.constant 0 : i32
              %dma_start3A_1056 = arith.constant 0 : i32
              %dma_start3A_1057 = arith.constant 0 : i32
              %dma_start3A_1058 = tpu.memref_slice %run_scoped3A_7[%rem3A_1046, %dma_start3A_1055, %dma_start3A_1056, %dma_start3A_1057] : memref<2x1x1024x2048xf32, #tpu.memory_space<vmem>> -> memref<1x1x1024x2048xf32, #tpu.memory_space<vmem>>
              %dma_start3A_1059 = tpu.memref_squeeze %dma_start3A_1058 : memref<1x1x1024x2048xf32, #tpu.memory_space<vmem>> -> memref<1x1024x2048xf32, #tpu.memory_space<vmem>>
              %dma_start3A_1060 = arith.constant 0 : i32
              %dma_start3A_1061 = tpu.memref_slice %arg4[%mul3A_1050, %dma_start3A_1060, %mul3A_1052] : memref<8x1024x4096xf32, #tpu.memory_space<hbm>> -> memref<1x1024x2048xf32, #tpu.memory_space<hbm>>
              tpu.enqueue_dma source(%dma_start3A_1061 : memref<1x1024x2048xf32, #tpu.memory_space<hbm>>) target(%dma_start3A_1059 : memref<1x1024x2048xf32, #tpu.memory_space<vmem>>) target_semaphore(%dma_start3A_1054 : memref<!tpu.dma_semaphore, #tpu.memory_space<semaphore_mem>>)
            } else {
            }
            %convert_element_type3A_1030 = arith.extui %or3A_1026 : i1 to i32
            %add3A_1031 = arith.addi %while3A_1007, %convert_element_type3A_1030 : i32
            %add3A_1032 = arith.constant 1 : i32
            %add3A_1033 = arith.addi %while3A_1006, %add3A_1032 : i32
            %select_n3A_1034 = arith.constant true
            %select_n3A_1035 = arith.select %select_n3A_1034, %add3A_1033, %while3A_1006 : i32
            %eq3A_1036 = arith.cmpi eq, %select_n3A_1035, %get3A_0 : i32
            %select_n3A_1037 = arith.constant 0 : i32
            %select_n3A_1038 = arith.select %eq3A_1036, %select_n3A_1037, %select_n3A_1035 : i32
            %add3A_1039 = arith.constant 1 : i32
            %add3A_1040 = arith.addi %while3A_1005, %add3A_1039 : i32
            %select_n3A_1041 = arith.select %eq3A_1036, %add3A_1040, %while3A_1005 : i32
            %select_n3A_1042 = arith.constant false
            %select_n3A_1043 = arith.constant 0 : i32
            %select_n3A_1044 = arith.select %select_n3A_1042, %select_n3A_1043, %select_n3A_1041 : i32
            scf.yield %while3A_1005, %while3A_1006, %select_n3A_1044, %select_n3A_1038, %add3A_1031 : i32, i32, i32, i32, i32
          }
          %get3A_520 = arith.index_cast %add3A_356 : i32 to index
          %get3A_521 = memref.load %arg0[%get3A_520] : memref<25xi32, #tpu.memory_space<smem>>
          %get3A_522 = arith.index_cast %add3A_394 : i32 to index
          %get3A_523 = memref.load %arg0[%get3A_522] : memref<25xi32, #tpu.memory_space<smem>>
          %ne3A_524 = arith.cmpi ne, %get3A_521, %get3A_523 : i32
          %ne3A_525 = arith.cmpi ne, %add3A_354, %add3A_392 : i32
          %or3A_526 = arith.constant false
          %or3A_527 = arith.ori %or3A_526, %ne3A_524 : i1
          %or3A_528 = arith.ori %or3A_527, %ne3A_525 : i1
          %or3A_529 = arith.constant false
          %or3A_530 = arith.ori %or3A_528, %or3A_529 : i1
          %sub3A_531 = arith.constant 2 : i32
          %sub3A_532 = arith.subi %mul3A_347, %sub3A_531 : i32
          %add3A_533 = arith.constant 1 : i32
          %add3A_534 = arith.addi %sub3A_532, %add3A_533 : i32
          %ge3A_535 = arith.cmpi sge, %while3A_325, %add3A_534 : i32
          %not3A_536 = arith.constant true
          %not3A_537 = arith.xori %ge3A_535, %not3A_536 : i1
          %and3A_538 = arith.andi %or3A_530, %not3A_537 : i1
          %add3A_539 = arith.constant 2 : i32
          %add3A_540 = arith.addi %while3A_339, %add3A_539 : i32
          %add3A_541 = arith.constant 1 : i32
          %add3A_542 = arith.addi %while3A_341, %add3A_541 : i32
          %select_n3A_543 = arith.constant true
          %select_n3A_544 = arith.select %select_n3A_543, %add3A_542, %while3A_341 : i32
          %eq3A_545 = arith.cmpi eq, %select_n3A_544, %get3A_0 : i32
          %select_n3A_546 = arith.constant 0 : i32
          %select_n3A_547 = arith.select %eq3A_545, %select_n3A_546, %select_n3A_544 : i32
          %add3A_548 = arith.constant 1 : i32
          %add3A_549 = arith.addi %while3A_340, %add3A_548 : i32
          %select_n3A_550 = arith.select %eq3A_545, %add3A_549, %while3A_340 : i32
          %select_n3A_551 = arith.constant false
          %select_n3A_552 = arith.constant 0 : i32
          %select_n3A_553 = arith.select %select_n3A_551, %select_n3A_552, %select_n3A_550 : i32
          %while3A_554:5 = scf.while (%while3A_1003 = %while3A_340, %while3A_1004 = %while3A_341, %while3A_1005 = %select_n3A_553, %while3A_1006 = %select_n3A_547, %while3A_1007 = %while3A_338) : (i32, i32, i32, i32, i32) -> (i32, i32, i32, i32, i32) {
            %lt3A = arith.cmpi ult, %while3A_1007, %add3A_540 : i32
            %lt3A_1008 = arith.constant 2 : i32
            %lt3A_1009 = arith.cmpi slt, %while3A_1005, %lt3A_1008 : i32
            %lt3A_1010 = arith.cmpi slt, %while3A_1006, %get3A_0 : i32
            %and3A_1011 = arith.constant true
            %and3A_1012 = arith.andi %and3A_1011, %lt3A_1009 : i1
            %and3A_1013 = arith.andi %and3A_1012, %lt3A_1010 : i1
            %and3A_1014 = arith.constant true
            %and3A_1015 = arith.andi %and3A_1014, %lt3A : i1
            %and3A_1016 = arith.andi %and3A_1015, %and3A_1013 : i1
            scf.condition(%and3A_1016) %while3A_1003, %while3A_1004, %while3A_1005, %while3A_1006, %while3A_1007 : i32, i32, i32, i32, i32
          } do {
          ^bb0(%while3A_1003: i32, %while3A_1004: i32, %while3A_1005: i32, %while3A_1006: i32, %while3A_1007: i32):
            %add3A_1008 = arith.constant 0 : i32
            %add3A_1009 = arith.addi %while3A_1003, %add3A_1008 : i32
            %add3A_1010 = arith.constant 0 : i32
            %add3A_1011 = arith.addi %while3A_1004, %add3A_1010 : i32
            %add3A_1012 = arith.constant 0 : i32
            %add3A_1013 = arith.addi %while3A_1005, %add3A_1012 : i32
            %add3A_1014 = arith.constant 0 : i32
            %add3A_1015 = arith.addi %while3A_1006, %add3A_1014 : i32
            %get3A_1016 = arith.index_cast %add3A_1011 : i32 to index
            %get3A_1017 = memref.load %arg0[%get3A_1016] : memref<25xi32, #tpu.memory_space<smem>>
            %get3A_1018 = arith.index_cast %add3A_1015 : i32 to index
            %get3A_1019 = memref.load %arg0[%get3A_1018] : memref<25xi32, #tpu.memory_space<smem>>
            %ne3A_1020 = arith.cmpi ne, %get3A_1017, %get3A_1019 : i32
            %ne3A_1021 = arith.cmpi ne, %add3A_1009, %add3A_1013 : i32
            %or3A_1022 = arith.constant false
            %or3A_1023 = arith.ori %or3A_1022, %ne3A_1020 : i1
            %or3A_1024 = arith.ori %or3A_1023, %ne3A_1021 : i1
            %or3A_1025 = arith.constant false
            %or3A_1026 = arith.ori %or3A_1024, %or3A_1025 : i1
            %convert_element_type3A_1027 = arith.extui %or3A_1026 : i1 to i32
            %cond3A_1028 = arith.constant 0 : i32
            %cond3A_1029 = arith.cmpi ne, %convert_element_type3A_1027, %cond3A_1028 : i32
            scf.if %cond3A_1029 {
              %rem3A_1045 = arith.constant 2 : i32
              %rem3A_1046 = arith.remui %while3A_1007, %rem3A_1045 : i32
              %get3A_1047 = arith.index_cast %add3A_1015 : i32 to index
              %get3A_1048 = memref.load %arg0[%get3A_1047] : memref<25xi32, #tpu.memory_space<smem>>
              %mul3A_1049 = arith.constant 1 : i32
              %mul3A_1050 = arith.muli %mul3A_1049, %get3A_1048 : i32
              %mul3A_1051 = arith.constant 2048 : i32
              %mul3A_1052 = arith.muli %mul3A_1051, %add3A_1013 : i32
              %dma_start3A_1053 = tpu.memref_slice %run_scoped3A_10[%rem3A_1046] : memref<2x!tpu.dma_semaphore, #tpu.memory_space<semaphore_mem>> -> memref<1x!tpu.dma_semaphore, #tpu.memory_space<semaphore_mem>>
              %dma_start3A_1054 = tpu.memref_squeeze %dma_start3A_1053 : memref<1x!tpu.dma_semaphore, #tpu.memory_space<semaphore_mem>> -> memref<!tpu.dma_semaphore, #tpu.memory_space<semaphore_mem>>
              %dma_start3A_1055 = arith.constant 0 : i32
              %dma_start3A_1056 = arith.constant 0 : i32
              %dma_start3A_1057 = arith.constant 0 : i32
              %dma_start3A_1058 = tpu.memref_slice %run_scoped3A_9[%rem3A_1046, %dma_start3A_1055, %dma_start3A_1056, %dma_start3A_1057] : memref<2x1x2048x1024xf32, #tpu.memory_space<vmem>> -> memref<1x1x2048x1024xf32, #tpu.memory_space<vmem>>
              %dma_start3A_1059 = tpu.memref_squeeze %dma_start3A_1058 : memref<1x1x2048x1024xf32, #tpu.memory_space<vmem>> -> memref<1x2048x1024xf32, #tpu.memory_space<vmem>>
              %dma_start3A_1060 = arith.constant 0 : i32
              %dma_start3A_1061 = tpu.memref_slice %arg5[%mul3A_1050, %mul3A_1052, %dma_start3A_1060] : memref<8x4096x1024xf32, #tpu.memory_space<hbm>> -> memref<1x2048x1024xf32, #tpu.memory_space<hbm>>
              tpu.enqueue_dma source(%dma_start3A_1061 : memref<1x2048x1024xf32, #tpu.memory_space<hbm>>) target(%dma_start3A_1059 : memref<1x2048x1024xf32, #tpu.memory_space<vmem>>) target_semaphore(%dma_start3A_1054 : memref<!tpu.dma_semaphore, #tpu.memory_space<semaphore_mem>>)
            } else {
            }
            %convert_element_type3A_1030 = arith.extui %or3A_1026 : i1 to i32
            %add3A_1031 = arith.addi %while3A_1007, %convert_element_type3A_1030 : i32
            %add3A_1032 = arith.constant 1 : i32
            %add3A_1033 = arith.addi %while3A_1006, %add3A_1032 : i32
            %select_n3A_1034 = arith.constant true
            %select_n3A_1035 = arith.select %select_n3A_1034, %add3A_1033, %while3A_1006 : i32
            %eq3A_1036 = arith.cmpi eq, %select_n3A_1035, %get3A_0 : i32
            %select_n3A_1037 = arith.constant 0 : i32
            %select_n3A_1038 = arith.select %eq3A_1036, %select_n3A_1037, %select_n3A_1035 : i32
            %add3A_1039 = arith.constant 1 : i32
            %add3A_1040 = arith.addi %while3A_1005, %add3A_1039 : i32
            %select_n3A_1041 = arith.select %eq3A_1036, %add3A_1040, %while3A_1005 : i32
            %select_n3A_1042 = arith.constant false
            %select_n3A_1043 = arith.constant 0 : i32
            %select_n3A_1044 = arith.select %select_n3A_1042, %select_n3A_1043, %select_n3A_1041 : i32
            scf.yield %while3A_1005, %while3A_1006, %select_n3A_1044, %select_n3A_1038, %add3A_1031 : i32, i32, i32, i32, i32
          }
          %ne3A_555 = arith.cmpi ne, %add3A_354, %add3A_392 : i32
          %ne3A_556 = arith.cmpi ne, %add3A_356, %add3A_394 : i32
          %or3A_557 = arith.constant false
          %or3A_558 = arith.ori %or3A_557, %ne3A_555 : i1
          %or3A_559 = arith.ori %or3A_558, %ne3A_556 : i1
          %or3A_560 = arith.constant false
          %or3A_561 = arith.ori %or3A_559, %or3A_560 : i1
          %sub3A_562 = arith.constant 2 : i32
          %sub3A_563 = arith.subi %mul3A_347, %sub3A_562 : i32
          %add3A_564 = arith.constant 1 : i32
          %add3A_565 = arith.addi %sub3A_563, %add3A_564 : i32
          %ge3A_566 = arith.cmpi sge, %while3A_325, %add3A_565 : i32
          %not3A_567 = arith.constant true
          %not3A_568 = arith.xori %ge3A_566, %not3A_567 : i1
          %and3A_569 = arith.andi %or3A_561, %not3A_568 : i1
          %ne3A_570 = arith.cmpi ne, %add3A_356, %add3A_376 : i32
          %or3A_571 = arith.constant false
          %or3A_572 = arith.ori %or3A_571, %ne3A_570 : i1
          %or3A_573 = arith.constant false
          %or3A_574 = arith.ori %or3A_572, %or3A_573 : i1
          %or3A_575 = arith.ori %or3A_574, %eq3A_349 : i1
          %convert_element_type3A_576 = arith.extui %or3A_575 : i1 to i32
          %cond3A_577 = arith.constant 0 : i32
          %cond3A_578 = arith.cmpi ne, %convert_element_type3A_576, %cond3A_577 : i32
          scf.if %cond3A_578 {
            "tpu.trace_start"() <{level = 10 : i32, message = "ep_wait_in"}> : () -> ()
            %mul3A_1003 = arith.constant 256 : i32
            %mul3A_1004 = arith.muli %mul3A_1003, %add3A_356 : i32
            %rem3A_1005 = arith.constant 2 : i32
            %rem3A_1006 = arith.remui %while3A_327, %rem3A_1005 : i32
            %dma_wait3A = tpu.memref_slice %run_scoped3A_2[%rem3A_1006] : memref<2x!tpu.dma_semaphore, #tpu.memory_space<semaphore_mem>> -> memref<1x!tpu.dma_semaphore, #tpu.memory_space<semaphore_mem>>
            %dma_wait3A_1007 = tpu.memref_squeeze %dma_wait3A : memref<1x!tpu.dma_semaphore, #tpu.memory_space<semaphore_mem>> -> memref<!tpu.dma_semaphore, #tpu.memory_space<semaphore_mem>>
            %dma_wait3A_1008 = arith.constant 0 : i32
            %dma_wait3A_1009 = arith.constant 0 : i32
            %dma_wait3A_1010 = tpu.memref_slice %run_scoped3A[%rem3A_1006, %dma_wait3A_1008, %dma_wait3A_1009] : memref<2x256x1024xf32, #tpu.memory_space<vmem>> -> memref<1x256x1024xf32, #tpu.memory_space<vmem>>
            %dma_wait3A_1011 = tpu.memref_squeeze %dma_wait3A_1010 : memref<1x256x1024xf32, #tpu.memory_space<vmem>> -> memref<256x1024xf32, #tpu.memory_space<vmem>>
            %dma_wait3A_1012 = arith.constant 0 : i32
            %dma_wait3A_1013 = tpu.memref_slice %arg1[%mul3A_1004, %dma_wait3A_1012] : memref<6144x1024xf32, #tpu.memory_space<hbm>> -> memref<256x1024xf32, #tpu.memory_space<hbm>>
            tpu.wait_dma2 semaphore(%dma_wait3A_1007 : memref<!tpu.dma_semaphore, #tpu.memory_space<semaphore_mem>>) src(%dma_wait3A_1013 : memref<256x1024xf32, #tpu.memory_space<hbm>>) dst(%dma_wait3A_1011 : memref<256x1024xf32, #tpu.memory_space<vmem>>)
            "tpu.trace_stop"() : () -> ()
          } else {
          }
          %ne3A_579 = arith.cmpi ne, %add3A_356, %add3A_376 : i32
          %or3A_580 = arith.constant false
          %or3A_581 = arith.ori %or3A_580, %ne3A_579 : i1
          %or3A_582 = arith.constant false
          %or3A_583 = arith.ori %or3A_581, %or3A_582 : i1
          %or3A_584 = arith.ori %or3A_583, %eq3A_349 : i1
          %convert_element_type3A_585 = arith.extui %or3A_584 : i1 to i32
          %cond3A_586 = arith.constant 0 : i32
          %cond3A_587 = arith.cmpi ne, %convert_element_type3A_585, %cond3A_586 : i32
          scf.if %cond3A_587 {
            "tpu.trace_start"() <{level = 10 : i32, message = "ep_wait_in"}> : () -> ()
            %mul3A_1003 = arith.constant 256 : i32
            %mul3A_1004 = arith.muli %mul3A_1003, %add3A_356 : i32
            %rem3A_1005 = arith.constant 2 : i32
            %rem3A_1006 = arith.remui %while3A_329, %rem3A_1005 : i32
            %dma_wait3A = tpu.memref_slice %run_scoped3A_4[%rem3A_1006] : memref<2x!tpu.dma_semaphore, #tpu.memory_space<semaphore_mem>> -> memref<1x!tpu.dma_semaphore, #tpu.memory_space<semaphore_mem>>
            %dma_wait3A_1007 = tpu.memref_squeeze %dma_wait3A : memref<1x!tpu.dma_semaphore, #tpu.memory_space<semaphore_mem>> -> memref<!tpu.dma_semaphore, #tpu.memory_space<semaphore_mem>>
            %dma_wait3A_1008 = arith.constant 0 : i32
            %dma_wait3A_1009 = arith.constant 0 : i32
            %dma_wait3A_1010 = tpu.memref_slice %run_scoped3A_3[%rem3A_1006, %dma_wait3A_1008, %dma_wait3A_1009] : memref<2x256x128xf32, #tpu.memory_space<vmem>> -> memref<1x256x128xf32, #tpu.memory_space<vmem>>
            %dma_wait3A_1011 = tpu.memref_squeeze %dma_wait3A_1010 : memref<1x256x128xf32, #tpu.memory_space<vmem>> -> memref<256x128xf32, #tpu.memory_space<vmem>>
            %dma_wait3A_1012 = arith.constant 0 : i32
            %dma_wait3A_1013 = tpu.memref_slice %arg2[%mul3A_1004, %dma_wait3A_1012] : memref<6144x128xf32, #tpu.memory_space<hbm>> -> memref<256x128xf32, #tpu.memory_space<hbm>>
            tpu.wait_dma2 semaphore(%dma_wait3A_1007 : memref<!tpu.dma_semaphore, #tpu.memory_space<semaphore_mem>>) src(%dma_wait3A_1013 : memref<256x128xf32, #tpu.memory_space<hbm>>) dst(%dma_wait3A_1011 : memref<256x128xf32, #tpu.memory_space<vmem>>)
            "tpu.trace_stop"() : () -> ()
          } else {
          }
          %get3A_588 = arith.index_cast %add3A_356 : i32 to index
          %get3A_589 = memref.load %arg0[%get3A_588] : memref<25xi32, #tpu.memory_space<smem>>
          %get3A_590 = arith.index_cast %add3A_376 : i32 to index
          %get3A_591 = memref.load %arg0[%get3A_590] : memref<25xi32, #tpu.memory_space<smem>>
          %ne3A_592 = arith.cmpi ne, %get3A_589, %get3A_591 : i32
          %ne3A_593 = arith.cmpi ne, %add3A_354, %add3A_374 : i32
          %or3A_594 = arith.constant false
          %or3A_595 = arith.ori %or3A_594, %ne3A_592 : i1
          %or3A_596 = arith.constant false
          %or3A_597 = arith.ori %or3A_595, %or3A_596 : i1
          %or3A_598 = arith.ori %or3A_597, %ne3A_593 : i1
          %or3A_599 = arith.ori %or3A_598, %eq3A_349 : i1
          %convert_element_type3A_600 = arith.extui %or3A_599 : i1 to i32
          %cond3A_601 = arith.constant 0 : i32
          %cond3A_602 = arith.cmpi ne, %convert_element_type3A_600, %cond3A_601 : i32
          scf.if %cond3A_602 {
            "tpu.trace_start"() <{level = 10 : i32, message = "ep_wait_in"}> : () -> ()
            %get3A_1003 = arith.index_cast %add3A_356 : i32 to index
            %get3A_1004 = memref.load %arg0[%get3A_1003] : memref<25xi32, #tpu.memory_space<smem>>
            %mul3A_1005 = arith.constant 1 : i32
            %mul3A_1006 = arith.muli %mul3A_1005, %get3A_1004 : i32
            %mul3A_1007 = arith.constant 2048 : i32
            %mul3A_1008 = arith.muli %mul3A_1007, %add3A_354 : i32
            %rem3A_1009 = arith.constant 2 : i32
            %rem3A_1010 = arith.remui %while3A_331, %rem3A_1009 : i32
            %dma_wait3A = tpu.memref_slice %run_scoped3A_6[%rem3A_1010] : memref<2x!tpu.dma_semaphore, #tpu.memory_space<semaphore_mem>> -> memref<1x!tpu.dma_semaphore, #tpu.memory_space<semaphore_mem>>
            %dma_wait3A_1011 = tpu.memref_squeeze %dma_wait3A : memref<1x!tpu.dma_semaphore, #tpu.memory_space<semaphore_mem>> -> memref<!tpu.dma_semaphore, #tpu.memory_space<semaphore_mem>>
            %dma_wait3A_1012 = arith.constant 0 : i32
            %dma_wait3A_1013 = arith.constant 0 : i32
            %dma_wait3A_1014 = arith.constant 0 : i32
            %dma_wait3A_1015 = tpu.memref_slice %run_scoped3A_5[%rem3A_1010, %dma_wait3A_1012, %dma_wait3A_1013, %dma_wait3A_1014] : memref<2x1x1024x2048xf32, #tpu.memory_space<vmem>> -> memref<1x1x1024x2048xf32, #tpu.memory_space<vmem>>
            %dma_wait3A_1016 = tpu.memref_squeeze %dma_wait3A_1015 : memref<1x1x1024x2048xf32, #tpu.memory_space<vmem>> -> memref<1x1024x2048xf32, #tpu.memory_space<vmem>>
            %dma_wait3A_1017 = arith.constant 0 : i32
            %dma_wait3A_1018 = tpu.memref_slice %arg3[%mul3A_1006, %dma_wait3A_1017, %mul3A_1008] : memref<8x1024x4096xf32, #tpu.memory_space<hbm>> -> memref<1x1024x2048xf32, #tpu.memory_space<hbm>>
            tpu.wait_dma2 semaphore(%dma_wait3A_1011 : memref<!tpu.dma_semaphore, #tpu.memory_space<semaphore_mem>>) src(%dma_wait3A_1018 : memref<1x1024x2048xf32, #tpu.memory_space<hbm>>) dst(%dma_wait3A_1016 : memref<1x1024x2048xf32, #tpu.memory_space<vmem>>)
            "tpu.trace_stop"() : () -> ()
          } else {
          }
          %get3A_603 = arith.index_cast %add3A_356 : i32 to index
          %get3A_604 = memref.load %arg0[%get3A_603] : memref<25xi32, #tpu.memory_space<smem>>
          %get3A_605 = arith.index_cast %add3A_376 : i32 to index
          %get3A_606 = memref.load %arg0[%get3A_605] : memref<25xi32, #tpu.memory_space<smem>>
          %ne3A_607 = arith.cmpi ne, %get3A_604, %get3A_606 : i32
          %ne3A_608 = arith.cmpi ne, %add3A_354, %add3A_374 : i32
          %or3A_609 = arith.constant false
          %or3A_610 = arith.ori %or3A_609, %ne3A_607 : i1
          %or3A_611 = arith.constant false
          %or3A_612 = arith.ori %or3A_610, %or3A_611 : i1
          %or3A_613 = arith.ori %or3A_612, %ne3A_608 : i1
          %or3A_614 = arith.ori %or3A_613, %eq3A_349 : i1
          %convert_element_type3A_615 = arith.extui %or3A_614 : i1 to i32
          %cond3A_616 = arith.constant 0 : i32
          %cond3A_617 = arith.cmpi ne, %convert_element_type3A_615, %cond3A_616 : i32
          scf.if %cond3A_617 {
            "tpu.trace_start"() <{level = 10 : i32, message = "ep_wait_in"}> : () -> ()
            %get3A_1003 = arith.index_cast %add3A_356 : i32 to index
            %get3A_1004 = memref.load %arg0[%get3A_1003] : memref<25xi32, #tpu.memory_space<smem>>
            %mul3A_1005 = arith.constant 1 : i32
            %mul3A_1006 = arith.muli %mul3A_1005, %get3A_1004 : i32
            %mul3A_1007 = arith.constant 2048 : i32
            %mul3A_1008 = arith.muli %mul3A_1007, %add3A_354 : i32
            %rem3A_1009 = arith.constant 2 : i32
            %rem3A_1010 = arith.remui %while3A_335, %rem3A_1009 : i32
            %dma_wait3A = tpu.memref_slice %run_scoped3A_8[%rem3A_1010] : memref<2x!tpu.dma_semaphore, #tpu.memory_space<semaphore_mem>> -> memref<1x!tpu.dma_semaphore, #tpu.memory_space<semaphore_mem>>
            %dma_wait3A_1011 = tpu.memref_squeeze %dma_wait3A : memref<1x!tpu.dma_semaphore, #tpu.memory_space<semaphore_mem>> -> memref<!tpu.dma_semaphore, #tpu.memory_space<semaphore_mem>>
            %dma_wait3A_1012 = arith.constant 0 : i32
            %dma_wait3A_1013 = arith.constant 0 : i32
            %dma_wait3A_1014 = arith.constant 0 : i32
            %dma_wait3A_1015 = tpu.memref_slice %run_scoped3A_7[%rem3A_1010, %dma_wait3A_1012, %dma_wait3A_1013, %dma_wait3A_1014] : memref<2x1x1024x2048xf32, #tpu.memory_space<vmem>> -> memref<1x1x1024x2048xf32, #tpu.memory_space<vmem>>
            %dma_wait3A_1016 = tpu.memref_squeeze %dma_wait3A_1015 : memref<1x1x1024x2048xf32, #tpu.memory_space<vmem>> -> memref<1x1024x2048xf32, #tpu.memory_space<vmem>>
            %dma_wait3A_1017 = arith.constant 0 : i32
            %dma_wait3A_1018 = tpu.memref_slice %arg4[%mul3A_1006, %dma_wait3A_1017, %mul3A_1008] : memref<8x1024x4096xf32, #tpu.memory_space<hbm>> -> memref<1x1024x2048xf32, #tpu.memory_space<hbm>>
            tpu.wait_dma2 semaphore(%dma_wait3A_1011 : memref<!tpu.dma_semaphore, #tpu.memory_space<semaphore_mem>>) src(%dma_wait3A_1018 : memref<1x1024x2048xf32, #tpu.memory_space<hbm>>) dst(%dma_wait3A_1016 : memref<1x1024x2048xf32, #tpu.memory_space<vmem>>)
            "tpu.trace_stop"() : () -> ()
          } else {
          }
          %get3A_618 = arith.index_cast %add3A_356 : i32 to index
          %get3A_619 = memref.load %arg0[%get3A_618] : memref<25xi32, #tpu.memory_space<smem>>
          %get3A_620 = arith.index_cast %add3A_376 : i32 to index
          %get3A_621 = memref.load %arg0[%get3A_620] : memref<25xi32, #tpu.memory_space<smem>>
          %ne3A_622 = arith.cmpi ne, %get3A_619, %get3A_621 : i32
          %ne3A_623 = arith.cmpi ne, %add3A_354, %add3A_374 : i32
          %or3A_624 = arith.constant false
          %or3A_625 = arith.ori %or3A_624, %ne3A_622 : i1
          %or3A_626 = arith.ori %or3A_625, %ne3A_623 : i1
          %or3A_627 = arith.constant false
          %or3A_628 = arith.ori %or3A_626, %or3A_627 : i1
          %or3A_629 = arith.ori %or3A_628, %eq3A_349 : i1
          %convert_element_type3A_630 = arith.extui %or3A_629 : i1 to i32
          %cond3A_631 = arith.constant 0 : i32
          %cond3A_632 = arith.cmpi ne, %convert_element_type3A_630, %cond3A_631 : i32
          scf.if %cond3A_632 {
            "tpu.trace_start"() <{level = 10 : i32, message = "ep_wait_in"}> : () -> ()
            %get3A_1003 = arith.index_cast %add3A_356 : i32 to index
            %get3A_1004 = memref.load %arg0[%get3A_1003] : memref<25xi32, #tpu.memory_space<smem>>
            %mul3A_1005 = arith.constant 1 : i32
            %mul3A_1006 = arith.muli %mul3A_1005, %get3A_1004 : i32
            %mul3A_1007 = arith.constant 2048 : i32
            %mul3A_1008 = arith.muli %mul3A_1007, %add3A_354 : i32
            %rem3A_1009 = arith.constant 2 : i32
            %rem3A_1010 = arith.remui %while3A_339, %rem3A_1009 : i32
            %dma_wait3A = tpu.memref_slice %run_scoped3A_10[%rem3A_1010] : memref<2x!tpu.dma_semaphore, #tpu.memory_space<semaphore_mem>> -> memref<1x!tpu.dma_semaphore, #tpu.memory_space<semaphore_mem>>
            %dma_wait3A_1011 = tpu.memref_squeeze %dma_wait3A : memref<1x!tpu.dma_semaphore, #tpu.memory_space<semaphore_mem>> -> memref<!tpu.dma_semaphore, #tpu.memory_space<semaphore_mem>>
            %dma_wait3A_1012 = arith.constant 0 : i32
            %dma_wait3A_1013 = arith.constant 0 : i32
            %dma_wait3A_1014 = arith.constant 0 : i32
            %dma_wait3A_1015 = tpu.memref_slice %run_scoped3A_9[%rem3A_1010, %dma_wait3A_1012, %dma_wait3A_1013, %dma_wait3A_1014] : memref<2x1x2048x1024xf32, #tpu.memory_space<vmem>> -> memref<1x1x2048x1024xf32, #tpu.memory_space<vmem>>
            %dma_wait3A_1016 = tpu.memref_squeeze %dma_wait3A_1015 : memref<1x1x2048x1024xf32, #tpu.memory_space<vmem>> -> memref<1x2048x1024xf32, #tpu.memory_space<vmem>>
            %dma_wait3A_1017 = arith.constant 0 : i32
            %dma_wait3A_1018 = tpu.memref_slice %arg5[%mul3A_1006, %mul3A_1008, %dma_wait3A_1017] : memref<8x4096x1024xf32, #tpu.memory_space<hbm>> -> memref<1x2048x1024xf32, #tpu.memory_space<hbm>>
            tpu.wait_dma2 semaphore(%dma_wait3A_1011 : memref<!tpu.dma_semaphore, #tpu.memory_space<semaphore_mem>>) src(%dma_wait3A_1018 : memref<1x2048x1024xf32, #tpu.memory_space<hbm>>) dst(%dma_wait3A_1016 : memref<1x2048x1024xf32, #tpu.memory_space<vmem>>)
            "tpu.trace_stop"() : () -> ()
          } else {
          }
          %ne3A_633 = arith.cmpi ne, %add3A_354, %add3A_374 : i32
          %ne3A_634 = arith.cmpi ne, %add3A_356, %add3A_376 : i32
          %or3A_635 = arith.constant false
          %or3A_636 = arith.ori %or3A_635, %ne3A_633 : i1
          %or3A_637 = arith.ori %or3A_636, %ne3A_634 : i1
          %or3A_638 = arith.constant false
          %or3A_639 = arith.ori %or3A_637, %or3A_638 : i1
          %or3A_640 = arith.ori %or3A_639, %eq3A_349 : i1
          %convert_element_type3A_641 = arith.extui %or3A_640 : i1 to i32
          %cond3A_642 = arith.constant 0 : i32
          %cond3A_643 = arith.cmpi ne, %convert_element_type3A_641, %cond3A_642 : i32
          scf.if %cond3A_643 {
          } else {
          }
          %rem3A_644 = arith.constant 2 : i32
          %rem3A_645 = arith.remui %while3A_327, %rem3A_644 : i32
          %rem3A_646 = arith.constant 2 : i32
          %rem3A_647 = arith.remui %while3A_329, %rem3A_646 : i32
          %rem3A_648 = arith.constant 2 : i32
          %rem3A_649 = arith.remui %while3A_331, %rem3A_648 : i32
          %rem3A_650 = arith.constant 2 : i32
          %rem3A_651 = arith.remui %while3A_335, %rem3A_650 : i32
          %rem3A_652 = arith.constant 2 : i32
          %rem3A_653 = arith.remui %while3A_339, %rem3A_652 : i32
          %rem3A_654 = arith.constant 2 : i32
          %rem3A_655 = arith.remui %while3A_342, %rem3A_654 : i32
          "tpu.trace_start"() <{level = 10 : i32, message = "ep_run_kernel"}> : () -> ()
          %get3A_656 = arith.index_cast %rem3A_645 : i32 to index
          %get3A_657 = arith.constant 0 : index
          %get3A_658 = arith.constant 0 : index
          %get3A_659 = vector.load %run_scoped3A[%get3A_656, %get3A_657, %get3A_658] : memref<2x256x1024xf32, #tpu.memory_space<vmem>>, vector<1x256x1024xf32>
          %get3A_660 = vector.shape_cast %get3A_659 : vector<1x256x1024xf32> to vector<256x1024xf32>
          %convert_element_type3A_661 = arith.truncf %get3A_660 : vector<256x1024xf32> to vector<256x1024xbf16>
          %get3A_662 = arith.constant 0 : i32
          %get3A_663 = arith.constant 0 : i32
          %get3A_664 = arith.constant 0 : i32
          %get3A_665 = tpu.memref_slice %run_scoped3A_5[%rem3A_649, %get3A_662, %get3A_663, %get3A_664] : memref<2x1x1024x2048xf32, #tpu.memory_space<vmem>> -> memref<1x1x1024x2048xf32, #tpu.memory_space<vmem>>
          %get3A_666 = tpu.memref_squeeze %get3A_665 : memref<1x1x1024x2048xf32, #tpu.memory_space<vmem>> -> memref<1x1024x2048xf32, #tpu.memory_space<vmem>>
          %get3A_667 = arith.constant 0 : index
          %get3A_668 = arith.constant 0 : index
          %get3A_669 = arith.constant 0 : index
          %get3A_670 = vector.load %get3A_666[%get3A_667, %get3A_668, %get3A_669] : memref<1x1024x2048xf32, #tpu.memory_space<vmem>>, vector<1x1024x2048xf32>
          %get3A_671 = vector.shape_cast %get3A_670 : vector<1x1024x2048xf32> to vector<1024x2048xf32>
          %convert_element_type3A_672 = arith.truncf %get3A_671 : vector<1024x2048xf32> to vector<1024x2048xbf16>
          %get3A_673 = arith.constant 0 : i32
          %get3A_674 = arith.constant 0 : i32
          %get3A_675 = arith.constant 0 : i32
          %get3A_676 = tpu.memref_slice %run_scoped3A_7[%rem3A_651, %get3A_673, %get3A_674, %get3A_675] : memref<2x1x1024x2048xf32, #tpu.memory_space<vmem>> -> memref<1x1x1024x2048xf32, #tpu.memory_space<vmem>>
          %get3A_677 = tpu.memref_squeeze %get3A_676 : memref<1x1x1024x2048xf32, #tpu.memory_space<vmem>> -> memref<1x1024x2048xf32, #tpu.memory_space<vmem>>
          %get3A_678 = arith.constant 0 : index
          %get3A_679 = arith.constant 0 : index
          %get3A_680 = arith.constant 0 : index
          %get3A_681 = vector.load %get3A_677[%get3A_678, %get3A_679, %get3A_680] : memref<1x1024x2048xf32, #tpu.memory_space<vmem>>, vector<1x1024x2048xf32>
          %get3A_682 = vector.shape_cast %get3A_681 : vector<1x1024x2048xf32> to vector<1024x2048xf32>
          %convert_element_type3A_683 = arith.truncf %get3A_682 : vector<1024x2048xf32> to vector<1024x2048xbf16>
          %dot_general3A = arith.constant dense<0.000000e+00> : vector<256x2048xf32>
          %dot_general3A_684 = tpu.matmul %convert_element_type3A_661, %convert_element_type3A_672, %dot_general3A {dimension_numbers = #tpu.dot_dimension_numbers<[1], [0], [0], [1], [0, 0, 1, 1], [], []>, transpose_lhs_hint = false} : vector<256x1024xbf16>, vector<1024x2048xbf16>, vector<256x2048xf32> -> vector<256x2048xf32>
          %dot_general3A_685 = arith.constant dense<0.000000e+00> : vector<256x2048xf32>
          %dot_general3A_686 = tpu.matmul %convert_element_type3A_661, %convert_element_type3A_683, %dot_general3A_685 {dimension_numbers = #tpu.dot_dimension_numbers<[1], [0], [0], [1], [0, 0, 1, 1], [], []>, transpose_lhs_hint = false} : vector<256x1024xbf16>, vector<1024x2048xbf16>, vector<256x2048xf32> -> vector<256x2048xf32>
          %integer_pow3A = arith.mulf %dot_general3A_684, %dot_general3A_684 : vector<256x2048xf32>
          %integer_pow3A_687 = arith.mulf %dot_general3A_684, %integer_pow3A : vector<256x2048xf32>
          %mul3A_688 = arith.constant 4.471500e-02 : f32
          %mul3A_689 = vector.broadcast %mul3A_688 : f32 to vector<256x2048xf32>
          %mul3A_690 = arith.mulf %mul3A_689, %integer_pow3A_687 : vector<256x2048xf32>
          %add3A_691 = arith.addf %dot_general3A_684, %mul3A_690 : vector<256x2048xf32>
          %mul3A_692 = arith.constant 0.797884583 : f32
          %mul3A_693 = vector.broadcast %mul3A_692 : f32 to vector<256x2048xf32>
          %mul3A_694 = arith.mulf %mul3A_693, %add3A_691 : vector<256x2048xf32>
          %tanh3A = math.tanh %mul3A_694 : vector<256x2048xf32>
          %add3A_695 = arith.constant 1.000000e+00 : f32
          %add3A_696 = vector.broadcast %add3A_695 : f32 to vector<256x2048xf32>
          %add3A_697 = arith.addf %add3A_696, %tanh3A : vector<256x2048xf32>
          %mul3A_698 = arith.constant 5.000000e-01 : f32
          %mul3A_699 = vector.broadcast %mul3A_698 : f32 to vector<256x2048xf32>
          %mul3A_700 = arith.mulf %mul3A_699, %add3A_697 : vector<256x2048xf32>
          %mul3A_701 = arith.mulf %dot_general3A_684, %mul3A_700 : vector<256x2048xf32>
          %mul3A_702 = arith.mulf %mul3A_701, %dot_general3A_686 : vector<256x2048xf32>
          %convert_element_type3A_703 = arith.truncf %mul3A_702 : vector<256x2048xf32> to vector<256x2048xbf16>
          %get3A_704 = arith.constant 0 : i32
          %get3A_705 = arith.constant 0 : i32
          %get3A_706 = arith.constant 0 : i32
          %get3A_707 = tpu.memref_slice %run_scoped3A_9[%rem3A_653, %get3A_704, %get3A_705, %get3A_706] : memref<2x1x2048x1024xf32, #tpu.memory_space<vmem>> -> memref<1x1x2048x1024xf32, #tpu.memory_space<vmem>>
          %get3A_708 = tpu.memref_squeeze %get3A_707 : memref<1x1x2048x1024xf32, #tpu.memory_space<vmem>> -> memref<1x2048x1024xf32, #tpu.memory_space<vmem>>
          %get3A_709 = arith.constant 0 : index
          %get3A_710 = arith.constant 0 : index
          %get3A_711 = arith.constant 0 : index
          %get3A_712 = vector.load %get3A_708[%get3A_709, %get3A_710, %get3A_711] : memref<1x2048x1024xf32, #tpu.memory_space<vmem>>, vector<1x2048x1024xf32>
          %get3A_713 = vector.shape_cast %get3A_712 : vector<1x2048x1024xf32> to vector<2048x1024xf32>
          %convert_element_type3A_714 = arith.truncf %get3A_713 : vector<2048x1024xf32> to vector<2048x1024xbf16>
          %dot_general3A_715 = arith.constant dense<0.000000e+00> : vector<256x1024xf32>
          %dot_general3A_716 = tpu.matmul %convert_element_type3A_703, %convert_element_type3A_714, %dot_general3A_715 {dimension_numbers = #tpu.dot_dimension_numbers<[1], [0], [0], [1], [0, 0, 1, 1], [], []>, transpose_lhs_hint = false} : vector<256x2048xbf16>, vector<2048x1024xbf16>, vector<256x1024xf32> -> vector<256x1024xf32>
          %get3A_717 = arith.constant 0 : i32
          %get3A_718 = arith.constant 0 : i32
          %get3A_719 = tpu.memref_slice %run_scoped3A_3[%rem3A_647, %get3A_717, %get3A_718] : memref<2x256x128xf32, #tpu.memory_space<vmem>> -> memref<1x256x128xf32, #tpu.memory_space<vmem>>
          %get3A_720 = tpu.memref_squeeze %get3A_719 : memref<1x256x128xf32, #tpu.memory_space<vmem>> -> memref<256x128xf32, #tpu.memory_space<vmem>>
          %get3A_721 = arith.constant 0 : index
          %get3A_722 = arith.constant 0 : index
          %get3A_723 = vector.load %get3A_720[%get3A_721, %get3A_722] : memref<256x128xf32, #tpu.memory_space<vmem>>, vector<256x1xf32>
          %mul3A_724 = vector.broadcast %get3A_723 : vector<256x1xf32> to vector<256x1024xf32>
          %mul3A_725 = arith.mulf %dot_general3A_716, %mul3A_724 : vector<256x1024xf32>
          %swap3A = arith.constant 0 : i32
          %swap3A_726 = arith.constant 0 : i32
          %swap3A_727 = arith.constant 0 : i32
          %swap3A_728 = tpu.memref_slice %run_scoped3A_11[%rem3A_655, %swap3A, %swap3A_726, %swap3A_727] : memref<2x1x256x1024xf32, #tpu.memory_space<vmem>> -> memref<1x1x256x1024xf32, #tpu.memory_space<vmem>>
          %swap3A_729 = tpu.memref_squeeze %swap3A_728 : memref<1x1x256x1024xf32, #tpu.memory_space<vmem>> -> memref<1x256x1024xf32, #tpu.memory_space<vmem>>
          %swap3A_730 = arith.constant 0 : index
          %swap3A_731 = arith.constant 0 : index
          %swap3A_732 = arith.constant 0 : index
          %swap3A_733 = vector.load %swap3A_729[%swap3A_730, %swap3A_731, %swap3A_732] : memref<1x256x1024xf32, #tpu.memory_space<vmem>>, vector<1x256x1024xf32>
          %swap3A_734 = vector.shape_cast %swap3A_733 : vector<1x256x1024xf32> to vector<256x1024xf32>
          %swap3A_735 = vector.shape_cast %mul3A_725 : vector<256x1024xf32> to vector<1x256x1024xf32>
          tpu.vector_store %swap3A_729[%swap3A_730, %swap3A_731, %swap3A_732], %swap3A_735 {strides = array<i32>} : memref<1x256x1024xf32, #tpu.memory_space<vmem>>, vector<1x256x1024xf32>,
          "tpu.trace_stop"() : () -> ()
          %ne3A_736 = arith.cmpi ne, %add3A_356, %add3A_394 : i32
          %or3A_737 = arith.constant false
          %or3A_738 = arith.ori %or3A_737, %ne3A_736 : i1
          %or3A_739 = arith.constant false
          %or3A_740 = arith.ori %or3A_738, %or3A_739 : i1
          %or3A_741 = arith.ori %or3A_740, %eq3A_352 : i1
          %convert_element_type3A_742 = arith.extui %or3A_741 : i1 to i32
          %cond3A_743 = arith.constant 0 : i32
          %cond3A_744 = arith.cmpi ne, %convert_element_type3A_742, %cond3A_743 : i32
          scf.if %cond3A_744 {
          } else {
          }
          %and3A_745 = arith.constant false
          %and3A_746 = arith.andi %or3A_741, %and3A_745 : i1
          %ne3A_747 = arith.cmpi ne, %add3A_356, %add3A_394 : i32
          %or3A_748 = arith.constant false
          %or3A_749 = arith.ori %or3A_748, %ne3A_747 : i1
          %or3A_750 = arith.constant false
          %or3A_751 = arith.ori %or3A_749, %or3A_750 : i1
          %or3A_752 = arith.ori %or3A_751, %eq3A_352 : i1
          %convert_element_type3A_753 = arith.extui %or3A_752 : i1 to i32
          %cond3A_754 = arith.constant 0 : i32
          %cond3A_755 = arith.cmpi ne, %convert_element_type3A_753, %cond3A_754 : i32
          scf.if %cond3A_755 {
          } else {
          }
          %and3A_756 = arith.constant false
          %and3A_757 = arith.andi %or3A_752, %and3A_756 : i1
          %get3A_758 = arith.index_cast %add3A_356 : i32 to index
          %get3A_759 = memref.load %arg0[%get3A_758] : memref<25xi32, #tpu.memory_space<smem>>
          %get3A_760 = arith.index_cast %add3A_394 : i32 to index
          %get3A_761 = memref.load %arg0[%get3A_760] : memref<25xi32, #tpu.memory_space<smem>>
          %ne3A_762 = arith.cmpi ne, %get3A_759, %get3A_761 : i32
          %ne3A_763 = arith.cmpi ne, %add3A_354, %add3A_392 : i32
          %or3A_764 = arith.constant false
          %or3A_765 = arith.ori %or3A_764, %ne3A_762 : i1
          %or3A_766 = arith.constant false
          %or3A_767 = arith.ori %or3A_765, %or3A_766 : i1
          %or3A_768 = arith.ori %or3A_767, %ne3A_763 : i1
          %or3A_769 = arith.ori %or3A_768, %eq3A_352 : i1
          %convert_element_type3A_770 = arith.extui %or3A_769 : i1 to i32
          %cond3A_771 = arith.constant 0 : i32
          %cond3A_772 = arith.cmpi ne, %convert_element_type3A_770, %cond3A_771 : i32
          scf.if %cond3A_772 {
          } else {
          }
          %and3A_773 = arith.constant false
          %and3A_774 = arith.andi %or3A_769, %and3A_773 : i1
          %get3A_775 = arith.index_cast %add3A_356 : i32 to index
          %get3A_776 = memref.load %arg0[%get3A_775] : memref<25xi32, #tpu.memory_space<smem>>
          %get3A_777 = arith.index_cast %add3A_394 : i32 to index
          %get3A_778 = memref.load %arg0[%get3A_777] : memref<25xi32, #tpu.memory_space<smem>>
          %ne3A_779 = arith.cmpi ne, %get3A_776, %get3A_778 : i32
          %ne3A_780 = arith.cmpi ne, %add3A_354, %add3A_392 : i32
          %or3A_781 = arith.constant false
          %or3A_782 = arith.ori %or3A_781, %ne3A_779 : i1
          %or3A_783 = arith.constant false
          %or3A_784 = arith.ori %or3A_782, %or3A_783 : i1
          %or3A_785 = arith.ori %or3A_784, %ne3A_780 : i1
          %or3A_786 = arith.ori %or3A_785, %eq3A_352 : i1
          %convert_element_type3A_787 = arith.extui %or3A_786 : i1 to i32
          %cond3A_788 = arith.constant 0 : i32
          %cond3A_789 = arith.cmpi ne, %convert_element_type3A_787, %cond3A_788 : i32
          scf.if %cond3A_789 {
          } else {
          }
          %and3A_790 = arith.constant false
          %and3A_791 = arith.andi %or3A_786, %and3A_790 : i1
          %get3A_792 = arith.index_cast %add3A_356 : i32 to index
          %get3A_793 = memref.load %arg0[%get3A_792] : memref<25xi32, #tpu.memory_space<smem>>
          %get3A_794 = arith.index_cast %add3A_394 : i32 to index
          %get3A_795 = memref.load %arg0[%get3A_794] : memref<25xi32, #tpu.memory_space<smem>>
          %ne3A_796 = arith.cmpi ne, %get3A_793, %get3A_795 : i32
          %ne3A_797 = arith.cmpi ne, %add3A_354, %add3A_392 : i32
          %or3A_798 = arith.constant false
          %or3A_799 = arith.ori %or3A_798, %ne3A_796 : i1
          %or3A_800 = arith.ori %or3A_799, %ne3A_797 : i1
          %or3A_801 = arith.constant false
          %or3A_802 = arith.ori %or3A_800, %or3A_801 : i1
          %or3A_803 = arith.ori %or3A_802, %eq3A_352 : i1
          %convert_element_type3A_804 = arith.extui %or3A_803 : i1 to i32
          %cond3A_805 = arith.constant 0 : i32
          %cond3A_806 = arith.cmpi ne, %convert_element_type3A_804, %cond3A_805 : i32
          scf.if %cond3A_806 {
          } else {
          }
          %and3A_807 = arith.constant false
          %and3A_808 = arith.andi %or3A_803, %and3A_807 : i1
          %ne3A_809 = arith.cmpi ne, %add3A_354, %add3A_392 : i32
          %ne3A_810 = arith.cmpi ne, %add3A_356, %add3A_394 : i32
          %or3A_811 = arith.constant false
          %or3A_812 = arith.ori %or3A_811, %ne3A_809 : i1
          %or3A_813 = arith.ori %or3A_812, %ne3A_810 : i1
          %or3A_814 = arith.constant false
          %or3A_815 = arith.ori %or3A_813, %or3A_814 : i1
          %or3A_816 = arith.ori %or3A_815, %eq3A_352 : i1
          %convert_element_type3A_817 = arith.extui %or3A_816 : i1 to i32
          %cond3A_818 = arith.constant 0 : i32
          %cond3A_819 = arith.cmpi ne, %convert_element_type3A_817, %cond3A_818 : i32
          scf.if %cond3A_819 {
            "tpu.trace_start"() <{level = 10 : i32, message = "ep_copy_out"}> : () -> ()
            %rem3A_1003 = arith.constant 2 : i32
            %rem3A_1004 = arith.remui %while3A_342, %rem3A_1003 : i32
            %mul3A_1005 = arith.constant 1 : i32
            %mul3A_1006 = arith.muli %mul3A_1005, %add3A_354 : i32
            %mul3A_1007 = arith.constant 256 : i32
            %mul3A_1008 = arith.muli %mul3A_1007, %add3A_356 : i32
            %dma_start3A_1009 = tpu.memref_slice %run_scoped3A_12[%rem3A_1004] : memref<2x!tpu.dma_semaphore, #tpu.memory_space<semaphore_mem>> -> memref<1x!tpu.dma_semaphore, #tpu.memory_space<semaphore_mem>>
            %dma_start3A_1010 = tpu.memref_squeeze %dma_start3A_1009 : memref<1x!tpu.dma_semaphore, #tpu.memory_space<semaphore_mem>> -> memref<!tpu.dma_semaphore, #tpu.memory_space<semaphore_mem>>
            %dma_start3A_1011 = arith.constant 0 : i32
            %dma_start3A_1012 = tpu.memref_slice %arg6[%mul3A_1006, %mul3A_1008, %dma_start3A_1011] : memref<2x6144x1024xf32, #tpu.memory_space<hbm>> -> memref<1x256x1024xf32, #tpu.memory_space<hbm>>
            %dma_start3A_1013 = arith.constant 0 : i32
            %dma_start3A_1014 = arith.constant 0 : i32
            %dma_start3A_1015 = arith.constant 0 : i32
            %dma_start3A_1016 = tpu.memref_slice %run_scoped3A_11[%rem3A_1004, %dma_start3A_1013, %dma_start3A_1014, %dma_start3A_1015] : memref<2x1x256x1024xf32, #tpu.memory_space<vmem>> -> memref<1x1x256x1024xf32, #tpu.memory_space<vmem>>
            %dma_start3A_1017 = tpu.memref_squeeze %dma_start3A_1016 : memref<1x1x256x1024xf32, #tpu.memory_space<vmem>> -> memref<1x256x1024xf32, #tpu.memory_space<vmem>>
            tpu.enqueue_dma source(%dma_start3A_1017 : memref<1x256x1024xf32, #tpu.memory_space<vmem>>) target(%dma_start3A_1012 : memref<1x256x1024xf32, #tpu.memory_space<hbm>>) target_semaphore(%dma_start3A_1010 : memref<!tpu.dma_semaphore, #tpu.memory_space<semaphore_mem>>)
            "tpu.trace_stop"() : () -> ()
          } else {
          }
          %and3A_820 = arith.constant true
          %and3A_821 = arith.andi %or3A_816, %and3A_820 : i1
          %add3A_822 = arith.constant 1 : i32
          %add3A_823 = arith.addi %while3A_342, %add3A_822 : i32
          %select_n3A_824 = arith.select %and3A_821, %add3A_823, %while3A_342 : i32
          %ne3A_825 = arith.cmpi ne, %add3A_356, %add3A_376 : i32
          %or3A_826 = arith.constant false
          %or3A_827 = arith.ori %or3A_826, %ne3A_825 : i1
          %or3A_828 = arith.constant false
          %or3A_829 = arith.ori %or3A_827, %or3A_828 : i1
          %not3A_830 = arith.constant true
          %not3A_831 = arith.xori %eq3A_349, %not3A_830 : i1
          %and3A_832 = arith.andi %or3A_829, %not3A_831 : i1
          %convert_element_type3A_833 = arith.extui %and3A_832 : i1 to i32
          %cond3A_834 = arith.constant 0 : i32
          %cond3A_835 = arith.cmpi ne, %convert_element_type3A_833, %cond3A_834 : i32
          scf.if %cond3A_835 {
          } else {
          }
          %and3A_836 = arith.constant false
          %and3A_837 = arith.andi %and3A_832, %and3A_836 : i1
          %ne3A_838 = arith.cmpi ne, %add3A_356, %add3A_376 : i32
          %or3A_839 = arith.constant false
          %or3A_840 = arith.ori %or3A_839, %ne3A_838 : i1
          %or3A_841 = arith.constant false
          %or3A_842 = arith.ori %or3A_840, %or3A_841 : i1
          %not3A_843 = arith.constant true
          %not3A_844 = arith.xori %eq3A_349, %not3A_843 : i1
          %and3A_845 = arith.andi %or3A_842, %not3A_844 : i1
          %convert_element_type3A_846 = arith.extui %and3A_845 : i1 to i32
          %cond3A_847 = arith.constant 0 : i32
          %cond3A_848 = arith.cmpi ne, %convert_element_type3A_846, %cond3A_847 : i32
          scf.if %cond3A_848 {
          } else {
          }
          %and3A_849 = arith.constant false
          %and3A_850 = arith.andi %and3A_845, %and3A_849 : i1
          %get3A_851 = arith.index_cast %add3A_356 : i32 to index
          %get3A_852 = memref.load %arg0[%get3A_851] : memref<25xi32, #tpu.memory_space<smem>>
          %get3A_853 = arith.index_cast %add3A_376 : i32 to index
          %get3A_854 = memref.load %arg0[%get3A_853] : memref<25xi32, #tpu.memory_space<smem>>
          %ne3A_855 = arith.cmpi ne, %get3A_852, %get3A_854 : i32
          %ne3A_856 = arith.cmpi ne, %add3A_354, %add3A_374 : i32
          %or3A_857 = arith.constant false
          %or3A_858 = arith.ori %or3A_857, %ne3A_855 : i1
          %or3A_859 = arith.constant false
          %or3A_860 = arith.ori %or3A_858, %or3A_859 : i1
          %or3A_861 = arith.ori %or3A_860, %ne3A_856 : i1
          %not3A_862 = arith.constant true
          %not3A_863 = arith.xori %eq3A_349, %not3A_862 : i1
          %and3A_864 = arith.andi %or3A_861, %not3A_863 : i1
          %convert_element_type3A_865 = arith.extui %and3A_864 : i1 to i32
          %cond3A_866 = arith.constant 0 : i32
          %cond3A_867 = arith.cmpi ne, %convert_element_type3A_865, %cond3A_866 : i32
          scf.if %cond3A_867 {
          } else {
          }
          %and3A_868 = arith.constant false
          %and3A_869 = arith.andi %and3A_864, %and3A_868 : i1
          %get3A_870 = arith.index_cast %add3A_356 : i32 to index
          %get3A_871 = memref.load %arg0[%get3A_870] : memref<25xi32, #tpu.memory_space<smem>>
          %get3A_872 = arith.index_cast %add3A_376 : i32 to index
          %get3A_873 = memref.load %arg0[%get3A_872] : memref<25xi32, #tpu.memory_space<smem>>
          %ne3A_874 = arith.cmpi ne, %get3A_871, %get3A_873 : i32
          %ne3A_875 = arith.cmpi ne, %add3A_354, %add3A_374 : i32
          %or3A_876 = arith.constant false
          %or3A_877 = arith.ori %or3A_876, %ne3A_874 : i1
          %or3A_878 = arith.constant false
          %or3A_879 = arith.ori %or3A_877, %or3A_878 : i1
          %or3A_880 = arith.ori %or3A_879, %ne3A_875 : i1
          %not3A_881 = arith.constant true
          %not3A_882 = arith.xori %eq3A_349, %not3A_881 : i1
          %and3A_883 = arith.andi %or3A_880, %not3A_882 : i1
          %convert_element_type3A_884 = arith.extui %and3A_883 : i1 to i32
          %cond3A_885 = arith.constant 0 : i32
          %cond3A_886 = arith.cmpi ne, %convert_element_type3A_884, %cond3A_885 : i32
          scf.if %cond3A_886 {
          } else {
          }
          %and3A_887 = arith.constant false
          %and3A_888 = arith.andi %and3A_883, %and3A_887 : i1
          %get3A_889 = arith.index_cast %add3A_356 : i32 to index
          %get3A_890 = memref.load %arg0[%get3A_889] : memref<25xi32, #tpu.memory_space<smem>>
          %get3A_891 = arith.index_cast %add3A_376 : i32 to index
          %get3A_892 = memref.load %arg0[%get3A_891] : memref<25xi32, #tpu.memory_space<smem>>
          %ne3A_893 = arith.cmpi ne, %get3A_890, %get3A_892 : i32
          %ne3A_894 = arith.cmpi ne, %add3A_354, %add3A_374 : i32
          %or3A_895 = arith.constant false
          %or3A_896 = arith.ori %or3A_895, %ne3A_893 : i1
          %or3A_897 = arith.ori %or3A_896, %ne3A_894 : i1
          %or3A_898 = arith.constant false
          %or3A_899 = arith.ori %or3A_897, %or3A_898 : i1
          %not3A_900 = arith.constant true
          %not3A_901 = arith.xori %eq3A_349, %not3A_900 : i1
          %and3A_902 = arith.andi %or3A_899, %not3A_901 : i1
          %convert_element_type3A_903 = arith.extui %and3A_902 : i1 to i32
          %cond3A_904 = arith.constant 0 : i32
          %cond3A_905 = arith.cmpi ne, %convert_element_type3A_903, %cond3A_904 : i32
          scf.if %cond3A_905 {
          } else {
          }
          %and3A_906 = arith.constant false
          %and3A_907 = arith.andi %and3A_902, %and3A_906 : i1
          %ne3A_908 = arith.cmpi ne, %add3A_354, %add3A_374 : i32
          %ne3A_909 = arith.cmpi ne, %add3A_356, %add3A_376 : i32
          %or3A_910 = arith.constant false
          %or3A_911 = arith.ori %or3A_910, %ne3A_908 : i1
          %or3A_912 = arith.ori %or3A_911, %ne3A_909 : i1
          %or3A_913 = arith.constant false
          %or3A_914 = arith.ori %or3A_912, %or3A_913 : i1
          %not3A_915 = arith.constant true
          %not3A_916 = arith.xori %eq3A_349, %not3A_915 : i1
          %and3A_917 = arith.andi %or3A_914, %not3A_916 : i1
          %convert_element_type3A_918 = arith.extui %and3A_917 : i1 to i32
          %cond3A_919 = arith.constant 0 : i32
          %cond3A_920 = arith.cmpi ne, %convert_element_type3A_918, %cond3A_919 : i32
          scf.if %cond3A_920 {
            "tpu.trace_start"() <{level = 10 : i32, message = "ep_wait_out"}> : () -> ()
            %rem3A_1003 = arith.constant 2 : i32
            %rem3A_1004 = arith.remui %while3A_343, %rem3A_1003 : i32
            %mul3A_1005 = arith.constant 1 : i32
            %mul3A_1006 = arith.muli %mul3A_1005, %add3A_374 : i32
            %mul3A_1007 = arith.constant 256 : i32
            %mul3A_1008 = arith.muli %mul3A_1007, %add3A_376 : i32
            %dma_wait3A = tpu.memref_slice %run_scoped3A_12[%rem3A_1004] : memref<2x!tpu.dma_semaphore, #tpu.memory_space<semaphore_mem>> -> memref<1x!tpu.dma_semaphore, #tpu.memory_space<semaphore_mem>>
            %dma_wait3A_1009 = tpu.memref_squeeze %dma_wait3A : memref<1x!tpu.dma_semaphore, #tpu.memory_space<semaphore_mem>> -> memref<!tpu.dma_semaphore, #tpu.memory_space<semaphore_mem>>
            %dma_wait3A_1010 = arith.constant 0 : i32
            %dma_wait3A_1011 = tpu.memref_slice %arg6[%mul3A_1006, %mul3A_1008, %dma_wait3A_1010] : memref<2x6144x1024xf32, #tpu.memory_space<hbm>> -> memref<1x256x1024xf32, #tpu.memory_space<hbm>>
            %dma_wait3A_1012 = arith.constant 0 : i32
            %dma_wait3A_1013 = arith.constant 0 : i32
            %dma_wait3A_1014 = arith.constant 0 : i32
            %dma_wait3A_1015 = tpu.memref_slice %run_scoped3A_11[%rem3A_1004, %dma_wait3A_1012, %dma_wait3A_1013, %dma_wait3A_1014] : memref<2x1x256x1024xf32, #tpu.memory_space<vmem>> -> memref<1x1x256x1024xf32, #tpu.memory_space<vmem>>
            %dma_wait3A_1016 = tpu.memref_squeeze %dma_wait3A_1015 : memref<1x1x256x1024xf32, #tpu.memory_space<vmem>> -> memref<1x256x1024xf32, #tpu.memory_space<vmem>>
            tpu.wait_dma2 semaphore(%dma_wait3A_1009 : memref<!tpu.dma_semaphore, #tpu.memory_space<semaphore_mem>>) src(%dma_wait3A_1016 : memref<1x256x1024xf32, #tpu.memory_space<vmem>>) dst(%dma_wait3A_1011 : memref<1x256x1024xf32, #tpu.memory_space<hbm>>)
            "tpu.trace_stop"() : () -> ()
          } else {
          }
          %and3A_921 = arith.constant true
          %and3A_922 = arith.andi %and3A_917, %and3A_921 : i1
          %add3A_923 = arith.constant 1 : i32
          %add3A_924 = arith.addi %while3A_343, %add3A_923 : i32
          %select_n3A_925 = arith.select %and3A_922, %add3A_924, %while3A_343 : i32
          %ne3A_926 = arith.cmpi ne, %add3A_356, %add3A_394 : i32
          %or3A_927 = arith.constant false
          %or3A_928 = arith.ori %or3A_927, %ne3A_926 : i1
          %or3A_929 = arith.constant false
          %or3A_930 = arith.ori %or3A_928, %or3A_929 : i1
          %or3A_931 = arith.ori %or3A_930, %eq3A_352 : i1
          %add3A_932 = arith.constant 1 : i32
          %add3A_933 = arith.addi %while3A_327, %add3A_932 : i32
          %select_n3A_934 = arith.select %or3A_931, %add3A_933, %while3A_327 : i32
          %ne3A_935 = arith.cmpi ne, %add3A_356, %add3A_394 : i32
          %or3A_936 = arith.constant false
          %or3A_937 = arith.ori %or3A_936, %ne3A_935 : i1
          %or3A_938 = arith.constant false
          %or3A_939 = arith.ori %or3A_937, %or3A_938 : i1
          %or3A_940 = arith.ori %or3A_939, %eq3A_352 : i1
          %add3A_941 = arith.constant 1 : i32
          %add3A_942 = arith.addi %while3A_329, %add3A_941 : i32
          %select_n3A_943 = arith.select %or3A_940, %add3A_942, %while3A_329 : i32
          %get3A_944 = arith.index_cast %add3A_356 : i32 to index
          %get3A_945 = memref.load %arg0[%get3A_944] : memref<25xi32, #tpu.memory_space<smem>>
          %get3A_946 = arith.index_cast %add3A_394 : i32 to index
          %get3A_947 = memref.load %arg0[%get3A_946] : memref<25xi32, #tpu.memory_space<smem>>
          %ne3A_948 = arith.cmpi ne, %get3A_945, %get3A_947 : i32
          %ne3A_949 = arith.cmpi ne, %add3A_354, %add3A_392 : i32
          %or3A_950 = arith.constant false
          %or3A_951 = arith.ori %or3A_950, %ne3A_948 : i1
          %or3A_952 = arith.constant false
          %or3A_953 = arith.ori %or3A_951, %or3A_952 : i1
          %or3A_954 = arith.ori %or3A_953, %ne3A_949 : i1
          %or3A_955 = arith.ori %or3A_954, %eq3A_352 : i1
          %add3A_956 = arith.constant 1 : i32
          %add3A_957 = arith.addi %while3A_331, %add3A_956 : i32
          %select_n3A_958 = arith.select %or3A_955, %add3A_957, %while3A_331 : i32
          %get3A_959 = arith.index_cast %add3A_356 : i32 to index
          %get3A_960 = memref.load %arg0[%get3A_959] : memref<25xi32, #tpu.memory_space<smem>>
          %get3A_961 = arith.index_cast %add3A_394 : i32 to index
          %get3A_962 = memref.load %arg0[%get3A_961] : memref<25xi32, #tpu.memory_space<smem>>
          %ne3A_963 = arith.cmpi ne, %get3A_960, %get3A_962 : i32
          %ne3A_964 = arith.cmpi ne, %add3A_354, %add3A_392 : i32
          %or3A_965 = arith.constant false
          %or3A_966 = arith.ori %or3A_965, %ne3A_963 : i1
          %or3A_967 = arith.constant false
          %or3A_968 = arith.ori %or3A_966, %or3A_967 : i1
          %or3A_969 = arith.ori %or3A_968, %ne3A_964 : i1
          %or3A_970 = arith.ori %or3A_969, %eq3A_352 : i1
          %add3A_971 = arith.constant 1 : i32
          %add3A_972 = arith.addi %while3A_335, %add3A_971 : i32
          %select_n3A_973 = arith.select %or3A_970, %add3A_972, %while3A_335 : i32
          %get3A_974 = arith.index_cast %add3A_356 : i32 to index
          %get3A_975 = memref.load %arg0[%get3A_974] : memref<25xi32, #tpu.memory_space<smem>>
          %get3A_976 = arith.index_cast %add3A_394 : i32 to index
          %get3A_977 = memref.load %arg0[%get3A_976] : memref<25xi32, #tpu.memory_space<smem>>
          %ne3A_978 = arith.cmpi ne, %get3A_975, %get3A_977 : i32
          %ne3A_979 = arith.cmpi ne, %add3A_354, %add3A_392 : i32
          %or3A_980 = arith.constant false
          %or3A_981 = arith.ori %or3A_980, %ne3A_978 : i1
          %or3A_982 = arith.ori %or3A_981, %ne3A_979 : i1
          %or3A_983 = arith.constant false
          %or3A_984 = arith.ori %or3A_982, %or3A_983 : i1
          %or3A_985 = arith.ori %or3A_984, %eq3A_352 : i1
          %add3A_986 = arith.constant 1 : i32
          %add3A_987 = arith.addi %while3A_339, %add3A_986 : i32
          %select_n3A_988 = arith.select %or3A_985, %add3A_987, %while3A_339 : i32
          %add3A_989 = arith.constant 1 : i32
          %add3A_990 = arith.addi %while3A_345, %add3A_989 : i32
          %select_n3A_991 = arith.constant true
          %select_n3A_992 = arith.select %select_n3A_991, %add3A_990, %while3A_345 : i32
          %eq3A_993 = arith.cmpi eq, %select_n3A_992, %get3A_0 : i32
          %select_n3A_994 = arith.constant 0 : i32
          %select_n3A_995 = arith.select %eq3A_993, %select_n3A_994, %select_n3A_992 : i32
          %add3A_996 = arith.constant 1 : i32
          %add3A_997 = arith.addi %while3A_344, %add3A_996 : i32
          %select_n3A_998 = arith.select %eq3A_993, %add3A_997, %while3A_344 : i32
          %eq3A_999 = arith.constant 2 : i32
          %eq3A_1000 = arith.cmpi eq, %select_n3A_998, %eq3A_999 : i32
          %select_n3A_1001 = arith.constant 0 : i32
          %select_n3A_1002 = arith.select %eq3A_1000, %select_n3A_1001, %select_n3A_998 : i32
          scf.yield %select_n3A_428, %select_n3A_934, %select_n3A_449, %select_n3A_943, %while3A_484#4, %select_n3A_958, %while3A_484#0, %while3A_484#1, %while3A_519#4, %select_n3A_973, %while3A_519#0, %while3A_519#1, %while3A_554#4, %select_n3A_988, %while3A_554#0, %while3A_554#1, %select_n3A_824, %select_n3A_925, %select_n3A_1002, %select_n3A_995 : i32, i32, i32, i32, i32, i32, i32, i32, i32, i32, i32, i32, i32, i32, i32, i32, i32, i32, i32, i32
        }
        %while3A_220 = arith.constant 1 : i32
        %while3A_221:20 = scf.for %while3A_325 = %while3A_217 to %while3A_213 step %while3A_220 iter_args(%while3A_326 = %while3A_219#0, %while3A_327 = %while3A_219#1, %while3A_328 = %while3A_219#2, %while3A_329 = %while3A_219#3, %while3A_330 = %while3A_219#4, %while3A_331 = %while3A_219#5, %while3A_332 = %while3A_219#6, %while3A_333 = %while3A_219#7, %while3A_334 = %while3A_219#8, %while3A_335 = %while3A_219#9, %while3A_336 = %while3A_219#10, %while3A_337 = %while3A_219#11, %while3A_338 = %while3A_219#12, %while3A_339 = %while3A_219#13, %while3A_340 = %while3A_219#14, %while3A_341 = %while3A_219#15, %while3A_342 = %while3A_219#16, %while3A_343 = %while3A_219#17, %while3A_344 = %while3A_219#18, %while3A_345 = %while3A_219#19) -> (i32, i32, i32, i32, i32, i32, i32, i32, i32, i32, i32, i32, i32, i32, i32, i32, i32, i32, i32, i32)  : i32 {
          %mul3A_346 = arith.constant 2 : i32
          %mul3A_347 = arith.muli %mul3A_346, %get3A_0 : i32
          %eq3A_348 = arith.constant 0 : i32
          %eq3A_349 = arith.cmpi eq, %while3A_325, %eq3A_348 : i32
          %sub3A_350 = arith.constant 1 : i32
          %sub3A_351 = arith.subi %mul3A_347, %sub3A_350 : i32
          %eq3A_352 = arith.cmpi eq, %while3A_325, %sub3A_351 : i32
          %add3A_353 = arith.constant 0 : i32
          %add3A_354 = arith.addi %while3A_344, %add3A_353 : i32
          %add3A_355 = arith.constant 0 : i32
          %add3A_356 = arith.addi %while3A_345, %add3A_355 : i32
          %sub3A_357 = arith.constant 1 : i32
          %sub3A_358 = arith.subi %while3A_345, %sub3A_357 : i32
          %select_n3A_359 = arith.constant true
          %select_n3A_360 = arith.select %select_n3A_359, %sub3A_358, %while3A_345 : i32
          %eq3A_361 = arith.constant -1 : i32
          %eq3A_362 = arith.cmpi eq, %select_n3A_360, %eq3A_361 : i32
          %sub3A_363 = arith.constant 1 : i32
          %sub3A_364 = arith.subi %get3A_0, %sub3A_363 : i32
          %select_n3A_365 = arith.select %eq3A_362, %sub3A_364, %select_n3A_360 : i32
          %sub3A_366 = arith.constant 1 : i32
          %sub3A_367 = arith.subi %while3A_344, %sub3A_366 : i32
          %select_n3A_368 = arith.select %eq3A_362, %sub3A_367, %while3A_344 : i32
          %eq3A_369 = arith.constant -1 : i32
          %eq3A_370 = arith.cmpi eq, %select_n3A_368, %eq3A_369 : i32
          %select_n3A_371 = arith.constant 1 : i32
          %select_n3A_372 = arith.select %eq3A_370, %select_n3A_371, %select_n3A_368 : i32
          %add3A_373 = arith.constant 0 : i32
          %add3A_374 = arith.addi %select_n3A_372, %add3A_373 : i32
          %add3A_375 = arith.constant 0 : i32
          %add3A_376 = arith.addi %select_n3A_365, %add3A_375 : i32
          %add3A_377 = arith.constant 1 : i32
          %add3A_378 = arith.addi %while3A_345, %add3A_377 : i32
          %select_n3A_379 = arith.constant true
          %select_n3A_380 = arith.select %select_n3A_379, %add3A_378, %while3A_345 : i32
          %eq3A_381 = arith.cmpi eq, %select_n3A_380, %get3A_0 : i32
          %select_n3A_382 = arith.constant 0 : i32
          %select_n3A_383 = arith.select %eq3A_381, %select_n3A_382, %select_n3A_380 : i32
          %add3A_384 = arith.constant 1 : i32
          %add3A_385 = arith.addi %while3A_344, %add3A_384 : i32
          %select_n3A_386 = arith.select %eq3A_381, %add3A_385, %while3A_344 : i32
          %eq3A_387 = arith.constant 2 : i32
          %eq3A_388 = arith.cmpi eq, %select_n3A_386, %eq3A_387 : i32
          %select_n3A_389 = arith.constant 0 : i32
          %select_n3A_390 = arith.select %eq3A_388, %select_n3A_389, %select_n3A_386 : i32
          %add3A_391 = arith.constant 0 : i32
          %add3A_392 = arith.addi %select_n3A_390, %add3A_391 : i32
          %add3A_393 = arith.constant 0 : i32
          %add3A_394 = arith.addi %select_n3A_383, %add3A_393 : i32
          %add3A_395 = arith.constant 1 : i32
          %add3A_396 = arith.addi %select_n3A_383, %add3A_395 : i32
          %select_n3A_397 = arith.constant true
          %select_n3A_398 = arith.select %select_n3A_397, %add3A_396, %select_n3A_383 : i32
          %eq3A_399 = arith.cmpi eq, %select_n3A_398, %get3A_0 : i32
          %select_n3A_400 = arith.constant 0 : i32
          %select_n3A_401 = arith.select %eq3A_399, %select_n3A_400, %select_n3A_398 : i32
          %add3A_402 = arith.constant 1 : i32
          %add3A_403 = arith.addi %select_n3A_390, %add3A_402 : i32
          %select_n3A_404 = arith.select %eq3A_399, %add3A_403, %select_n3A_390 : i32
          %eq3A_405 = arith.constant 2 : i32
          %eq3A_406 = arith.cmpi eq, %select_n3A_404, %eq3A_405 : i32
          %select_n3A_407 = arith.constant 0 : i32
          %select_n3A_408 = arith.select %eq3A_406, %select_n3A_407, %select_n3A_404 : i32
          %add3A_409 = arith.constant 0 : i32
          %add3A_410 = arith.addi %select_n3A_408, %add3A_409 : i32
          %add3A_411 = arith.constant 0 : i32
          %add3A_412 = arith.addi %select_n3A_401, %add3A_411 : i32
          %ne3A = arith.cmpi ne, %add3A_356, %add3A_394 : i32
          %or3A = arith.constant false
          %or3A_413 = arith.ori %or3A, %ne3A : i1
          %or3A_414 = arith.constant false
          %or3A_415 = arith.ori %or3A_413, %or3A_414 : i1
          %sub3A_416 = arith.constant 2 : i32
          %sub3A_417 = arith.subi %mul3A_347, %sub3A_416 : i32
          %add3A_418 = arith.constant 1 : i32
          %add3A_419 = arith.addi %sub3A_417, %add3A_418 : i32
          %ge3A = arith.cmpi sge, %while3A_325, %add3A_419 : i32
          %not3A = arith.constant true
          %not3A_420 = arith.xori %ge3A, %not3A : i1
          %and3A = arith.andi %or3A_415, %not3A_420 : i1
          %convert_element_type3A_421 = arith.extui %and3A : i1 to i32
          %cond3A_422 = arith.constant 0 : i32
          %cond3A_423 = arith.cmpi ne, %convert_element_type3A_421, %cond3A_422 : i32
          scf.if %cond3A_423 {
            "tpu.trace_start"() <{level = 10 : i32, message = "ep_copy_in"}> : () -> ()
            %rem3A_1003 = arith.constant 2 : i32
            %rem3A_1004 = arith.remui %while3A_326, %rem3A_1003 : i32
            %mul3A_1005 = arith.constant 256 : i32
            %mul3A_1006 = arith.muli %mul3A_1005, %add3A_394 : i32
            %dma_start3A_1007 = tpu.memref_slice %run_scoped3A_2[%rem3A_1004] : memref<2x!tpu.dma_semaphore, #tpu.memory_space<semaphore_mem>> -> memref<1x!tpu.dma_semaphore, #tpu.memory_space<semaphore_mem>>
            %dma_start3A_1008 = tpu.memref_squeeze %dma_start3A_1007 : memref<1x!tpu.dma_semaphore, #tpu.memory_space<semaphore_mem>> -> memref<!tpu.dma_semaphore, #tpu.memory_space<semaphore_mem>>
            %dma_start3A_1009 = arith.constant 0 : i32
            %dma_start3A_1010 = arith.constant 0 : i32
            %dma_start3A_1011 = tpu.memref_slice %run_scoped3A[%rem3A_1004, %dma_start3A_1009, %dma_start3A_1010] : memref<2x256x1024xf32, #tpu.memory_space<vmem>> -> memref<1x256x1024xf32, #tpu.memory_space<vmem>>
            %dma_start3A_1012 = tpu.memref_squeeze %dma_start3A_1011 : memref<1x256x1024xf32, #tpu.memory_space<vmem>> -> memref<256x1024xf32, #tpu.memory_space<vmem>>
            %dma_start3A_1013 = arith.constant 0 : i32
            %dma_start3A_1014 = tpu.memref_slice %arg1[%mul3A_1006, %dma_start3A_1013] : memref<6144x1024xf32, #tpu.memory_space<hbm>> -> memref<256x1024xf32, #tpu.memory_space<hbm>>
            tpu.enqueue_dma source(%dma_start3A_1014 : memref<256x1024xf32, #tpu.memory_space<hbm>>) target(%dma_start3A_1012 : memref<256x1024xf32, #tpu.memory_space<vmem>>) target_semaphore(%dma_start3A_1008 : memref<!tpu.dma_semaphore, #tpu.memory_space<semaphore_mem>>)
            "tpu.trace_stop"() : () -> ()
          } else {
          }
          %and3A_424 = arith.constant true
          %and3A_425 = arith.andi %and3A, %and3A_424 : i1
          %add3A_426 = arith.constant 1 : i32
          %add3A_427 = arith.addi %while3A_326, %add3A_426 : i32
          %select_n3A_428 = arith.select %and3A_425, %add3A_427, %while3A_326 : i32
          %ne3A_429 = arith.cmpi ne, %add3A_356, %add3A_394 : i32
          %or3A_430 = arith.constant false
          %or3A_431 = arith.ori %or3A_430, %ne3A_429 : i1
          %or3A_432 = arith.constant false
          %or3A_433 = arith.ori %or3A_431, %or3A_432 : i1
          %sub3A_434 = arith.constant 2 : i32
          %sub3A_435 = arith.subi %mul3A_347, %sub3A_434 : i32
          %add3A_436 = arith.constant 1 : i32
          %add3A_437 = arith.addi %sub3A_435, %add3A_436 : i32
          %ge3A_438 = arith.cmpi sge, %while3A_325, %add3A_437 : i32
          %not3A_439 = arith.constant true
          %not3A_440 = arith.xori %ge3A_438, %not3A_439 : i1
          %and3A_441 = arith.andi %or3A_433, %not3A_440 : i1
          %convert_element_type3A_442 = arith.extui %and3A_441 : i1 to i32
          %cond3A_443 = arith.constant 0 : i32
          %cond3A_444 = arith.cmpi ne, %convert_element_type3A_442, %cond3A_443 : i32
          scf.if %cond3A_444 {
            "tpu.trace_start"() <{level = 10 : i32, message = "ep_copy_in"}> : () -> ()
            %rem3A_1003 = arith.constant 2 : i32
            %rem3A_1004 = arith.remui %while3A_328, %rem3A_1003 : i32
            %mul3A_1005 = arith.constant 256 : i32
            %mul3A_1006 = arith.muli %mul3A_1005, %add3A_394 : i32
            %dma_start3A_1007 = tpu.memref_slice %run_scoped3A_4[%rem3A_1004] : memref<2x!tpu.dma_semaphore, #tpu.memory_space<semaphore_mem>> -> memref<1x!tpu.dma_semaphore, #tpu.memory_space<semaphore_mem>>
            %dma_start3A_1008 = tpu.memref_squeeze %dma_start3A_1007 : memref<1x!tpu.dma_semaphore, #tpu.memory_space<semaphore_mem>> -> memref<!tpu.dma_semaphore, #tpu.memory_space<semaphore_mem>>
            %dma_start3A_1009 = arith.constant 0 : i32
            %dma_start3A_1010 = arith.constant 0 : i32
            %dma_start3A_1011 = tpu.memref_slice %run_scoped3A_3[%rem3A_1004, %dma_start3A_1009, %dma_start3A_1010] : memref<2x256x128xf32, #tpu.memory_space<vmem>> -> memref<1x256x128xf32, #tpu.memory_space<vmem>>
            %dma_start3A_1012 = tpu.memref_squeeze %dma_start3A_1011 : memref<1x256x128xf32, #tpu.memory_space<vmem>> -> memref<256x128xf32, #tpu.memory_space<vmem>>
            %dma_start3A_1013 = arith.constant 0 : i32
            %dma_start3A_1014 = tpu.memref_slice %arg2[%mul3A_1006, %dma_start3A_1013] : memref<6144x128xf32, #tpu.memory_space<hbm>> -> memref<256x128xf32, #tpu.memory_space<hbm>>
            tpu.enqueue_dma source(%dma_start3A_1014 : memref<256x128xf32, #tpu.memory_space<hbm>>) target(%dma_start3A_1012 : memref<256x128xf32, #tpu.memory_space<vmem>>) target_semaphore(%dma_start3A_1008 : memref<!tpu.dma_semaphore, #tpu.memory_space<semaphore_mem>>)
            "tpu.trace_stop"() : () -> ()
          } else {
          }
          %and3A_445 = arith.constant true
          %and3A_446 = arith.andi %and3A_441, %and3A_445 : i1
          %add3A_447 = arith.constant 1 : i32
          %add3A_448 = arith.addi %while3A_328, %add3A_447 : i32
          %select_n3A_449 = arith.select %and3A_446, %add3A_448, %while3A_328 : i32
          %get3A_450 = arith.index_cast %add3A_356 : i32 to index
          %get3A_451 = memref.load %arg0[%get3A_450] : memref<25xi32, #tpu.memory_space<smem>>
          %get3A_452 = arith.index_cast %add3A_394 : i32 to index
          %get3A_453 = memref.load %arg0[%get3A_452] : memref<25xi32, #tpu.memory_space<smem>>
          %ne3A_454 = arith.cmpi ne, %get3A_451, %get3A_453 : i32
          %ne3A_455 = arith.cmpi ne, %add3A_354, %add3A_392 : i32
          %or3A_456 = arith.constant false
          %or3A_457 = arith.ori %or3A_456, %ne3A_454 : i1
          %or3A_458 = arith.constant false
          %or3A_459 = arith.ori %or3A_457, %or3A_458 : i1
          %or3A_460 = arith.ori %or3A_459, %ne3A_455 : i1
          %sub3A_461 = arith.constant 2 : i32
          %sub3A_462 = arith.subi %mul3A_347, %sub3A_461 : i32
          %add3A_463 = arith.constant 1 : i32
          %add3A_464 = arith.addi %sub3A_462, %add3A_463 : i32
          %ge3A_465 = arith.cmpi sge, %while3A_325, %add3A_464 : i32
          %not3A_466 = arith.constant true
          %not3A_467 = arith.xori %ge3A_465, %not3A_466 : i1
          %and3A_468 = arith.andi %or3A_460, %not3A_467 : i1
          %add3A_469 = arith.constant 2 : i32
          %add3A_470 = arith.addi %while3A_331, %add3A_469 : i32
          %add3A_471 = arith.constant 1 : i32
          %add3A_472 = arith.addi %while3A_333, %add3A_471 : i32
          %select_n3A_473 = arith.constant true
          %select_n3A_474 = arith.select %select_n3A_473, %add3A_472, %while3A_333 : i32
          %eq3A_475 = arith.cmpi eq, %select_n3A_474, %get3A_0 : i32
          %select_n3A_476 = arith.constant 0 : i32
          %select_n3A_477 = arith.select %eq3A_475, %select_n3A_476, %select_n3A_474 : i32
          %add3A_478 = arith.constant 1 : i32
          %add3A_479 = arith.addi %while3A_332, %add3A_478 : i32
          %select_n3A_480 = arith.select %eq3A_475, %add3A_479, %while3A_332 : i32
          %select_n3A_481 = arith.constant false
          %select_n3A_482 = arith.constant 0 : i32
          %select_n3A_483 = arith.select %select_n3A_481, %select_n3A_482, %select_n3A_480 : i32
          %while3A_484:5 = scf.while (%while3A_1003 = %while3A_332, %while3A_1004 = %while3A_333, %while3A_1005 = %select_n3A_483, %while3A_1006 = %select_n3A_477, %while3A_1007 = %while3A_330) : (i32, i32, i32, i32, i32) -> (i32, i32, i32, i32, i32) {
            %lt3A = arith.cmpi ult, %while3A_1007, %add3A_470 : i32
            %lt3A_1008 = arith.constant 2 : i32
            %lt3A_1009 = arith.cmpi slt, %while3A_1005, %lt3A_1008 : i32
            %lt3A_1010 = arith.cmpi slt, %while3A_1006, %get3A_0 : i32
            %and3A_1011 = arith.constant true
            %and3A_1012 = arith.andi %and3A_1011, %lt3A_1009 : i1
            %and3A_1013 = arith.andi %and3A_1012, %lt3A_1010 : i1
            %and3A_1014 = arith.constant true
            %and3A_1015 = arith.andi %and3A_1014, %lt3A : i1
            %and3A_1016 = arith.andi %and3A_1015, %and3A_1013 : i1
            scf.condition(%and3A_1016) %while3A_1003, %while3A_1004, %while3A_1005, %while3A_1006, %while3A_1007 : i32, i32, i32, i32, i32
          } do {
          ^bb0(%while3A_1003: i32, %while3A_1004: i32, %while3A_1005: i32, %while3A_1006: i32, %while3A_1007: i32):
            %add3A_1008 = arith.constant 0 : i32
            %add3A_1009 = arith.addi %while3A_1003, %add3A_1008 : i32
            %add3A_1010 = arith.constant 0 : i32
            %add3A_1011 = arith.addi %while3A_1004, %add3A_1010 : i32
            %add3A_1012 = arith.constant 0 : i32
            %add3A_1013 = arith.addi %while3A_1005, %add3A_1012 : i32
            %add3A_1014 = arith.constant 0 : i32
            %add3A_1015 = arith.addi %while3A_1006, %add3A_1014 : i32
            %get3A_1016 = arith.index_cast %add3A_1011 : i32 to index
            %get3A_1017 = memref.load %arg0[%get3A_1016] : memref<25xi32, #tpu.memory_space<smem>>
            %get3A_1018 = arith.index_cast %add3A_1015 : i32 to index
            %get3A_1019 = memref.load %arg0[%get3A_1018] : memref<25xi32, #tpu.memory_space<smem>>
            %ne3A_1020 = arith.cmpi ne, %get3A_1017, %get3A_1019 : i32
            %ne3A_1021 = arith.cmpi ne, %add3A_1009, %add3A_1013 : i32
            %or3A_1022 = arith.constant false
            %or3A_1023 = arith.ori %or3A_1022, %ne3A_1020 : i1
            %or3A_1024 = arith.constant false
            %or3A_1025 = arith.ori %or3A_1023, %or3A_1024 : i1
            %or3A_1026 = arith.ori %or3A_1025, %ne3A_1021 : i1
            %convert_element_type3A_1027 = arith.extui %or3A_1026 : i1 to i32
            %cond3A_1028 = arith.constant 0 : i32
            %cond3A_1029 = arith.cmpi ne, %convert_element_type3A_1027, %cond3A_1028 : i32
            scf.if %cond3A_1029 {
              %rem3A_1045 = arith.constant 2 : i32
              %rem3A_1046 = arith.remui %while3A_1007, %rem3A_1045 : i32
              %get3A_1047 = arith.index_cast %add3A_1015 : i32 to index
              %get3A_1048 = memref.load %arg0[%get3A_1047] : memref<25xi32, #tpu.memory_space<smem>>
              %mul3A_1049 = arith.constant 1 : i32
              %mul3A_1050 = arith.muli %mul3A_1049, %get3A_1048 : i32
              %mul3A_1051 = arith.constant 2048 : i32
              %mul3A_1052 = arith.muli %mul3A_1051, %add3A_1013 : i32
              %dma_start3A_1053 = tpu.memref_slice %run_scoped3A_6[%rem3A_1046] : memref<2x!tpu.dma_semaphore, #tpu.memory_space<semaphore_mem>> -> memref<1x!tpu.dma_semaphore, #tpu.memory_space<semaphore_mem>>
              %dma_start3A_1054 = tpu.memref_squeeze %dma_start3A_1053 : memref<1x!tpu.dma_semaphore, #tpu.memory_space<semaphore_mem>> -> memref<!tpu.dma_semaphore, #tpu.memory_space<semaphore_mem>>
              %dma_start3A_1055 = arith.constant 0 : i32
              %dma_start3A_1056 = arith.constant 0 : i32
              %dma_start3A_1057 = arith.constant 0 : i32
              %dma_start3A_1058 = tpu.memref_slice %run_scoped3A_5[%rem3A_1046, %dma_start3A_1055, %dma_start3A_1056, %dma_start3A_1057] : memref<2x1x1024x2048xf32, #tpu.memory_space<vmem>> -> memref<1x1x1024x2048xf32, #tpu.memory_space<vmem>>
              %dma_start3A_1059 = tpu.memref_squeeze %dma_start3A_1058 : memref<1x1x1024x2048xf32, #tpu.memory_space<vmem>> -> memref<1x1024x2048xf32, #tpu.memory_space<vmem>>
              %dma_start3A_1060 = arith.constant 0 : i32
              %dma_start3A_1061 = tpu.memref_slice %arg3[%mul3A_1050, %dma_start3A_1060, %mul3A_1052] : memref<8x1024x4096xf32, #tpu.memory_space<hbm>> -> memref<1x1024x2048xf32, #tpu.memory_space<hbm>>
              tpu.enqueue_dma source(%dma_start3A_1061 : memref<1x1024x2048xf32, #tpu.memory_space<hbm>>) target(%dma_start3A_1059 : memref<1x1024x2048xf32, #tpu.memory_space<vmem>>) target_semaphore(%dma_start3A_1054 : memref<!tpu.dma_semaphore, #tpu.memory_space<semaphore_mem>>)
            } else {
            }
            %convert_element_type3A_1030 = arith.extui %or3A_1026 : i1 to i32
            %add3A_1031 = arith.addi %while3A_1007, %convert_element_type3A_1030 : i32
            %add3A_1032 = arith.constant 1 : i32
            %add3A_1033 = arith.addi %while3A_1006, %add3A_1032 : i32
            %select_n3A_1034 = arith.constant true
            %select_n3A_1035 = arith.select %select_n3A_1034, %add3A_1033, %while3A_1006 : i32
            %eq3A_1036 = arith.cmpi eq, %select_n3A_1035, %get3A_0 : i32
            %select_n3A_1037 = arith.constant 0 : i32
            %select_n3A_1038 = arith.select %eq3A_1036, %select_n3A_1037, %select_n3A_1035 : i32
            %add3A_1039 = arith.constant 1 : i32
            %add3A_1040 = arith.addi %while3A_1005, %add3A_1039 : i32
            %select_n3A_1041 = arith.select %eq3A_1036, %add3A_1040, %while3A_1005 : i32
            %select_n3A_1042 = arith.constant false
            %select_n3A_1043 = arith.constant 0 : i32
            %select_n3A_1044 = arith.select %select_n3A_1042, %select_n3A_1043, %select_n3A_1041 : i32
            scf.yield %while3A_1005, %while3A_1006, %select_n3A_1044, %select_n3A_1038, %add3A_1031 : i32, i32, i32, i32, i32
          }
          %get3A_485 = arith.index_cast %add3A_356 : i32 to index
          %get3A_486 = memref.load %arg0[%get3A_485] : memref<25xi32, #tpu.memory_space<smem>>
          %get3A_487 = arith.index_cast %add3A_394 : i32 to index
          %get3A_488 = memref.load %arg0[%get3A_487] : memref<25xi32, #tpu.memory_space<smem>>
          %ne3A_489 = arith.cmpi ne, %get3A_486, %get3A_488 : i32
          %ne3A_490 = arith.cmpi ne, %add3A_354, %add3A_392 : i32
          %or3A_491 = arith.constant false
          %or3A_492 = arith.ori %or3A_491, %ne3A_489 : i1
          %or3A_493 = arith.constant false
          %or3A_494 = arith.ori %or3A_492, %or3A_493 : i1
          %or3A_495 = arith.ori %or3A_494, %ne3A_490 : i1
          %sub3A_496 = arith.constant 2 : i32
          %sub3A_497 = arith.subi %mul3A_347, %sub3A_496 : i32
          %add3A_498 = arith.constant 1 : i32
          %add3A_499 = arith.addi %sub3A_497, %add3A_498 : i32
          %ge3A_500 = arith.cmpi sge, %while3A_325, %add3A_499 : i32
          %not3A_501 = arith.constant true
          %not3A_502 = arith.xori %ge3A_500, %not3A_501 : i1
          %and3A_503 = arith.andi %or3A_495, %not3A_502 : i1
          %add3A_504 = arith.constant 2 : i32
          %add3A_505 = arith.addi %while3A_335, %add3A_504 : i32
          %add3A_506 = arith.constant 1 : i32
          %add3A_507 = arith.addi %while3A_337, %add3A_506 : i32
          %select_n3A_508 = arith.constant true
          %select_n3A_509 = arith.select %select_n3A_508, %add3A_507, %while3A_337 : i32
          %eq3A_510 = arith.cmpi eq, %select_n3A_509, %get3A_0 : i32
          %select_n3A_511 = arith.constant 0 : i32
          %select_n3A_512 = arith.select %eq3A_510, %select_n3A_511, %select_n3A_509 : i32
          %add3A_513 = arith.constant 1 : i32
          %add3A_514 = arith.addi %while3A_336, %add3A_513 : i32
          %select_n3A_515 = arith.select %eq3A_510, %add3A_514, %while3A_336 : i32
          %select_n3A_516 = arith.constant false
          %select_n3A_517 = arith.constant 0 : i32
          %select_n3A_518 = arith.select %select_n3A_516, %select_n3A_517, %select_n3A_515 : i32
          %while3A_519:5 = scf.while (%while3A_1003 = %while3A_336, %while3A_1004 = %while3A_337, %while3A_1005 = %select_n3A_518, %while3A_1006 = %select_n3A_512, %while3A_1007 = %while3A_334) : (i32, i32, i32, i32, i32) -> (i32, i32, i32, i32, i32) {
            %lt3A = arith.cmpi ult, %while3A_1007, %add3A_505 : i32
            %lt3A_1008 = arith.constant 2 : i32
            %lt3A_1009 = arith.cmpi slt, %while3A_1005, %lt3A_1008 : i32
            %lt3A_1010 = arith.cmpi slt, %while3A_1006, %get3A_0 : i32
            %and3A_1011 = arith.constant true
            %and3A_1012 = arith.andi %and3A_1011, %lt3A_1009 : i1
            %and3A_1013 = arith.andi %and3A_1012, %lt3A_1010 : i1
            %and3A_1014 = arith.constant true
            %and3A_1015 = arith.andi %and3A_1014, %lt3A : i1
            %and3A_1016 = arith.andi %and3A_1015, %and3A_1013 : i1
            scf.condition(%and3A_1016) %while3A_1003, %while3A_1004, %while3A_1005, %while3A_1006, %while3A_1007 : i32, i32, i32, i32, i32
          } do {
          ^bb0(%while3A_1003: i32, %while3A_1004: i32, %while3A_1005: i32, %while3A_1006: i32, %while3A_1007: i32):
            %add3A_1008 = arith.constant 0 : i32
            %add3A_1009 = arith.addi %while3A_1003, %add3A_1008 : i32
            %add3A_1010 = arith.constant 0 : i32
            %add3A_1011 = arith.addi %while3A_1004, %add3A_1010 : i32
            %add3A_1012 = arith.constant 0 : i32
            %add3A_1013 = arith.addi %while3A_1005, %add3A_1012 : i32
            %add3A_1014 = arith.constant 0 : i32
            %add3A_1015 = arith.addi %while3A_1006, %add3A_1014 : i32
            %get3A_1016 = arith.index_cast %add3A_1011 : i32 to index
            %get3A_1017 = memref.load %arg0[%get3A_1016] : memref<25xi32, #tpu.memory_space<smem>>
            %get3A_1018 = arith.index_cast %add3A_1015 : i32 to index
            %get3A_1019 = memref.load %arg0[%get3A_1018] : memref<25xi32, #tpu.memory_space<smem>>
            %ne3A_1020 = arith.cmpi ne, %get3A_1017, %get3A_1019 : i32
            %ne3A_1021 = arith.cmpi ne, %add3A_1009, %add3A_1013 : i32
            %or3A_1022 = arith.constant false
            %or3A_1023 = arith.ori %or3A_1022, %ne3A_1020 : i1
            %or3A_1024 = arith.constant false
            %or3A_1025 = arith.ori %or3A_1023, %or3A_1024 : i1
            %or3A_1026 = arith.ori %or3A_1025, %ne3A_1021 : i1
            %convert_element_type3A_1027 = arith.extui %or3A_1026 : i1 to i32
            %cond3A_1028 = arith.constant 0 : i32
            %cond3A_1029 = arith.cmpi ne, %convert_element_type3A_1027, %cond3A_1028 : i32
            scf.if %cond3A_1029 {
              %rem3A_1045 = arith.constant 2 : i32
              %rem3A_1046 = arith.remui %while3A_1007, %rem3A_1045 : i32
              %get3A_1047 = arith.index_cast %add3A_1015 : i32 to index
              %get3A_1048 = memref.load %arg0[%get3A_1047] : memref<25xi32, #tpu.memory_space<smem>>
              %mul3A_1049 = arith.constant 1 : i32
              %mul3A_1050 = arith.muli %mul3A_1049, %get3A_1048 : i32
              %mul3A_1051 = arith.constant 2048 : i32
              %mul3A_1052 = arith.muli %mul3A_1051, %add3A_1013 : i32
              %dma_start3A_1053 = tpu.memref_slice %run_scoped3A_8[%rem3A_1046] : memref<2x!tpu.dma_semaphore, #tpu.memory_space<semaphore_mem>> -> memref<1x!tpu.dma_semaphore, #tpu.memory_space<semaphore_mem>>
              %dma_start3A_1054 = tpu.memref_squeeze %dma_start3A_1053 : memref<1x!tpu.dma_semaphore, #tpu.memory_space<semaphore_mem>> -> memref<!tpu.dma_semaphore, #tpu.memory_space<semaphore_mem>>
              %dma_start3A_1055 = arith.constant 0 : i32
              %dma_start3A_1056 = arith.constant 0 : i32
              %dma_start3A_1057 = arith.constant 0 : i32
              %dma_start3A_1058 = tpu.memref_slice %run_scoped3A_7[%rem3A_1046, %dma_start3A_1055, %dma_start3A_1056, %dma_start3A_1057] : memref<2x1x1024x2048xf32, #tpu.memory_space<vmem>> -> memref<1x1x1024x2048xf32, #tpu.memory_space<vmem>>
              %dma_start3A_1059 = tpu.memref_squeeze %dma_start3A_1058 : memref<1x1x1024x2048xf32, #tpu.memory_space<vmem>> -> memref<1x1024x2048xf32, #tpu.memory_space<vmem>>
              %dma_start3A_1060 = arith.constant 0 : i32
              %dma_start3A_1061 = tpu.memref_slice %arg4[%mul3A_1050, %dma_start3A_1060, %mul3A_1052] : memref<8x1024x4096xf32, #tpu.memory_space<hbm>> -> memref<1x1024x2048xf32, #tpu.memory_space<hbm>>
              tpu.enqueue_dma source(%dma_start3A_1061 : memref<1x1024x2048xf32, #tpu.memory_space<hbm>>) target(%dma_start3A_1059 : memref<1x1024x2048xf32, #tpu.memory_space<vmem>>) target_semaphore(%dma_start3A_1054 : memref<!tpu.dma_semaphore, #tpu.memory_space<semaphore_mem>>)
            } else {
            }
            %convert_element_type3A_1030 = arith.extui %or3A_1026 : i1 to i32
            %add3A_1031 = arith.addi %while3A_1007, %convert_element_type3A_1030 : i32
            %add3A_1032 = arith.constant 1 : i32
            %add3A_1033 = arith.addi %while3A_1006, %add3A_1032 : i32
            %select_n3A_1034 = arith.constant true
            %select_n3A_1035 = arith.select %select_n3A_1034, %add3A_1033, %while3A_1006 : i32
            %eq3A_1036 = arith.cmpi eq, %select_n3A_1035, %get3A_0 : i32
            %select_n3A_1037 = arith.constant 0 : i32
            %select_n3A_1038 = arith.select %eq3A_1036, %select_n3A_1037, %select_n3A_1035 : i32
            %add3A_1039 = arith.constant 1 : i32
            %add3A_1040 = arith.addi %while3A_1005, %add3A_1039 : i32
            %select_n3A_1041 = arith.select %eq3A_1036, %add3A_1040, %while3A_1005 : i32
            %select_n3A_1042 = arith.constant false
            %select_n3A_1043 = arith.constant 0 : i32
            %select_n3A_1044 = arith.select %select_n3A_1042, %select_n3A_1043, %select_n3A_1041 : i32
            scf.yield %while3A_1005, %while3A_1006, %select_n3A_1044, %select_n3A_1038, %add3A_1031 : i32, i32, i32, i32, i32
          }
          %get3A_520 = arith.index_cast %add3A_356 : i32 to index
          %get3A_521 = memref.load %arg0[%get3A_520] : memref<25xi32, #tpu.memory_space<smem>>
          %get3A_522 = arith.index_cast %add3A_394 : i32 to index
          %get3A_523 = memref.load %arg0[%get3A_522] : memref<25xi32, #tpu.memory_space<smem>>
          %ne3A_524 = arith.cmpi ne, %get3A_521, %get3A_523 : i32
          %ne3A_525 = arith.cmpi ne, %add3A_354, %add3A_392 : i32
          %or3A_526 = arith.constant false
          %or3A_527 = arith.ori %or3A_526, %ne3A_524 : i1
          %or3A_528 = arith.ori %or3A_527, %ne3A_525 : i1
          %or3A_529 = arith.constant false
          %or3A_530 = arith.ori %or3A_528, %or3A_529 : i1
          %sub3A_531 = arith.constant 2 : i32
          %sub3A_532 = arith.subi %mul3A_347, %sub3A_531 : i32
          %add3A_533 = arith.constant 1 : i32
          %add3A_534 = arith.addi %sub3A_532, %add3A_533 : i32
          %ge3A_535 = arith.cmpi sge, %while3A_325, %add3A_534 : i32
          %not3A_536 = arith.constant true
          %not3A_537 = arith.xori %ge3A_535, %not3A_536 : i1
          %and3A_538 = arith.andi %or3A_530, %not3A_537 : i1
          %add3A_539 = arith.constant 2 : i32
          %add3A_540 = arith.addi %while3A_339, %add3A_539 : i32
          %add3A_541 = arith.constant 1 : i32
          %add3A_542 = arith.addi %while3A_341, %add3A_541 : i32
          %select_n3A_543 = arith.constant true
          %select_n3A_544 = arith.select %select_n3A_543, %add3A_542, %while3A_341 : i32
          %eq3A_545 = arith.cmpi eq, %select_n3A_544, %get3A_0 : i32
          %select_n3A_546 = arith.constant 0 : i32
          %select_n3A_547 = arith.select %eq3A_545, %select_n3A_546, %select_n3A_544 : i32
          %add3A_548 = arith.constant 1 : i32
          %add3A_549 = arith.addi %while3A_340, %add3A_548 : i32
          %select_n3A_550 = arith.select %eq3A_545, %add3A_549, %while3A_340 : i32
          %select_n3A_551 = arith.constant false
          %select_n3A_552 = arith.constant 0 : i32
          %select_n3A_553 = arith.select %select_n3A_551, %select_n3A_552, %select_n3A_550 : i32
          %while3A_554:5 = scf.while (%while3A_1003 = %while3A_340, %while3A_1004 = %while3A_341, %while3A_1005 = %select_n3A_553, %while3A_1006 = %select_n3A_547, %while3A_1007 = %while3A_338) : (i32, i32, i32, i32, i32) -> (i32, i32, i32, i32, i32) {
            %lt3A = arith.cmpi ult, %while3A_1007, %add3A_540 : i32
            %lt3A_1008 = arith.constant 2 : i32
            %lt3A_1009 = arith.cmpi slt, %while3A_1005, %lt3A_1008 : i32
            %lt3A_1010 = arith.cmpi slt, %while3A_1006, %get3A_0 : i32
            %and3A_1011 = arith.constant true
            %and3A_1012 = arith.andi %and3A_1011, %lt3A_1009 : i1
            %and3A_1013 = arith.andi %and3A_1012, %lt3A_1010 : i1
            %and3A_1014 = arith.constant true
            %and3A_1015 = arith.andi %and3A_1014, %lt3A : i1
            %and3A_1016 = arith.andi %and3A_1015, %and3A_1013 : i1
            scf.condition(%and3A_1016) %while3A_1003, %while3A_1004, %while3A_1005, %while3A_1006, %while3A_1007 : i32, i32, i32, i32, i32
          } do {
          ^bb0(%while3A_1003: i32, %while3A_1004: i32, %while3A_1005: i32, %while3A_1006: i32, %while3A_1007: i32):
            %add3A_1008 = arith.constant 0 : i32
            %add3A_1009 = arith.addi %while3A_1003, %add3A_1008 : i32
            %add3A_1010 = arith.constant 0 : i32
            %add3A_1011 = arith.addi %while3A_1004, %add3A_1010 : i32
            %add3A_1012 = arith.constant 0 : i32
            %add3A_1013 = arith.addi %while3A_1005, %add3A_1012 : i32
            %add3A_1014 = arith.constant 0 : i32
            %add3A_1015 = arith.addi %while3A_1006, %add3A_1014 : i32
            %get3A_1016 = arith.index_cast %add3A_1011 : i32 to index
            %get3A_1017 = memref.load %arg0[%get3A_1016] : memref<25xi32, #tpu.memory_space<smem>>
            %get3A_1018 = arith.index_cast %add3A_1015 : i32 to index
            %get3A_1019 = memref.load %arg0[%get3A_1018] : memref<25xi32, #tpu.memory_space<smem>>
            %ne3A_1020 = arith.cmpi ne, %get3A_1017, %get3A_1019 : i32
            %ne3A_1021 = arith.cmpi ne, %add3A_1009, %add3A_1013 : i32
            %or3A_1022 = arith.constant false
            %or3A_1023 = arith.ori %or3A_1022, %ne3A_1020 : i1
            %or3A_1024 = arith.ori %or3A_1023, %ne3A_1021 : i1
            %or3A_1025 = arith.constant false
            %or3A_1026 = arith.ori %or3A_1024, %or3A_1025 : i1
            %convert_element_type3A_1027 = arith.extui %or3A_1026 : i1 to i32
            %cond3A_1028 = arith.constant 0 : i32
            %cond3A_1029 = arith.cmpi ne, %convert_element_type3A_1027, %cond3A_1028 : i32
            scf.if %cond3A_1029 {
              %rem3A_1045 = arith.constant 2 : i32
              %rem3A_1046 = arith.remui %while3A_1007, %rem3A_1045 : i32
              %get3A_1047 = arith.index_cast %add3A_1015 : i32 to index
              %get3A_1048 = memref.load %arg0[%get3A_1047] : memref<25xi32, #tpu.memory_space<smem>>
              %mul3A_1049 = arith.constant 1 : i32
              %mul3A_1050 = arith.muli %mul3A_1049, %get3A_1048 : i32
              %mul3A_1051 = arith.constant 2048 : i32
              %mul3A_1052 = arith.muli %mul3A_1051, %add3A_1013 : i32
              %dma_start3A_1053 = tpu.memref_slice %run_scoped3A_10[%rem3A_1046] : memref<2x!tpu.dma_semaphore, #tpu.memory_space<semaphore_mem>> -> memref<1x!tpu.dma_semaphore, #tpu.memory_space<semaphore_mem>>
              %dma_start3A_1054 = tpu.memref_squeeze %dma_start3A_1053 : memref<1x!tpu.dma_semaphore, #tpu.memory_space<semaphore_mem>> -> memref<!tpu.dma_semaphore, #tpu.memory_space<semaphore_mem>>
              %dma_start3A_1055 = arith.constant 0 : i32
              %dma_start3A_1056 = arith.constant 0 : i32
              %dma_start3A_1057 = arith.constant 0 : i32
              %dma_start3A_1058 = tpu.memref_slice %run_scoped3A_9[%rem3A_1046, %dma_start3A_1055, %dma_start3A_1056, %dma_start3A_1057] : memref<2x1x2048x1024xf32, #tpu.memory_space<vmem>> -> memref<1x1x2048x1024xf32, #tpu.memory_space<vmem>>
              %dma_start3A_1059 = tpu.memref_squeeze %dma_start3A_1058 : memref<1x1x2048x1024xf32, #tpu.memory_space<vmem>> -> memref<1x2048x1024xf32, #tpu.memory_space<vmem>>
              %dma_start3A_1060 = arith.constant 0 : i32
              %dma_start3A_1061 = tpu.memref_slice %arg5[%mul3A_1050, %mul3A_1052, %dma_start3A_1060] : memref<8x4096x1024xf32, #tpu.memory_space<hbm>> -> memref<1x2048x1024xf32, #tpu.memory_space<hbm>>
              tpu.enqueue_dma source(%dma_start3A_1061 : memref<1x2048x1024xf32, #tpu.memory_space<hbm>>) target(%dma_start3A_1059 : memref<1x2048x1024xf32, #tpu.memory_space<vmem>>) target_semaphore(%dma_start3A_1054 : memref<!tpu.dma_semaphore, #tpu.memory_space<semaphore_mem>>)
            } else {
            }
            %convert_element_type3A_1030 = arith.extui %or3A_1026 : i1 to i32
            %add3A_1031 = arith.addi %while3A_1007, %convert_element_type3A_1030 : i32
            %add3A_1032 = arith.constant 1 : i32
            %add3A_1033 = arith.addi %while3A_1006, %add3A_1032 : i32
            %select_n3A_1034 = arith.constant true
            %select_n3A_1035 = arith.select %select_n3A_1034, %add3A_1033, %while3A_1006 : i32
            %eq3A_1036 = arith.cmpi eq, %select_n3A_1035, %get3A_0 : i32
            %select_n3A_1037 = arith.constant 0 : i32
            %select_n3A_1038 = arith.select %eq3A_1036, %select_n3A_1037, %select_n3A_1035 : i32
            %add3A_1039 = arith.constant 1 : i32
            %add3A_1040 = arith.addi %while3A_1005, %add3A_1039 : i32
            %select_n3A_1041 = arith.select %eq3A_1036, %add3A_1040, %while3A_1005 : i32
            %select_n3A_1042 = arith.constant false
            %select_n3A_1043 = arith.constant 0 : i32
            %select_n3A_1044 = arith.select %select_n3A_1042, %select_n3A_1043, %select_n3A_1041 : i32
            scf.yield %while3A_1005, %while3A_1006, %select_n3A_1044, %select_n3A_1038, %add3A_1031 : i32, i32, i32, i32, i32
          }
          %ne3A_555 = arith.cmpi ne, %add3A_354, %add3A_392 : i32
          %ne3A_556 = arith.cmpi ne, %add3A_356, %add3A_394 : i32
          %or3A_557 = arith.constant false
          %or3A_558 = arith.ori %or3A_557, %ne3A_555 : i1
          %or3A_559 = arith.ori %or3A_558, %ne3A_556 : i1
          %or3A_560 = arith.constant false
          %or3A_561 = arith.ori %or3A_559, %or3A_560 : i1
          %sub3A_562 = arith.constant 2 : i32
          %sub3A_563 = arith.subi %mul3A_347, %sub3A_562 : i32
          %add3A_564 = arith.constant 1 : i32
          %add3A_565 = arith.addi %sub3A_563, %add3A_564 : i32
          %ge3A_566 = arith.cmpi sge, %while3A_325, %add3A_565 : i32
          %not3A_567 = arith.constant true
          %not3A_568 = arith.xori %ge3A_566, %not3A_567 : i1
          %and3A_569 = arith.andi %or3A_561, %not3A_568 : i1
          %ne3A_570 = arith.cmpi ne, %add3A_356, %add3A_376 : i32
          %or3A_571 = arith.constant false
          %or3A_572 = arith.ori %or3A_571, %ne3A_570 : i1
          %or3A_573 = arith.constant false
          %or3A_574 = arith.ori %or3A_572, %or3A_573 : i1
          %or3A_575 = arith.ori %or3A_574, %eq3A_349 : i1
          %convert_element_type3A_576 = arith.extui %or3A_575 : i1 to i32
          %cond3A_577 = arith.constant 0 : i32
          %cond3A_578 = arith.cmpi ne, %convert_element_type3A_576, %cond3A_577 : i32
          scf.if %cond3A_578 {
            "tpu.trace_start"() <{level = 10 : i32, message = "ep_wait_in"}> : () -> ()
            %mul3A_1003 = arith.constant 256 : i32
            %mul3A_1004 = arith.muli %mul3A_1003, %add3A_356 : i32
            %rem3A_1005 = arith.constant 2 : i32
            %rem3A_1006 = arith.remui %while3A_327, %rem3A_1005 : i32
            %dma_wait3A = tpu.memref_slice %run_scoped3A_2[%rem3A_1006] : memref<2x!tpu.dma_semaphore, #tpu.memory_space<semaphore_mem>> -> memref<1x!tpu.dma_semaphore, #tpu.memory_space<semaphore_mem>>
            %dma_wait3A_1007 = tpu.memref_squeeze %dma_wait3A : memref<1x!tpu.dma_semaphore, #tpu.memory_space<semaphore_mem>> -> memref<!tpu.dma_semaphore, #tpu.memory_space<semaphore_mem>>
            %dma_wait3A_1008 = arith.constant 0 : i32
            %dma_wait3A_1009 = arith.constant 0 : i32
            %dma_wait3A_1010 = tpu.memref_slice %run_scoped3A[%rem3A_1006, %dma_wait3A_1008, %dma_wait3A_1009] : memref<2x256x1024xf32, #tpu.memory_space<vmem>> -> memref<1x256x1024xf32, #tpu.memory_space<vmem>>
            %dma_wait3A_1011 = tpu.memref_squeeze %dma_wait3A_1010 : memref<1x256x1024xf32, #tpu.memory_space<vmem>> -> memref<256x1024xf32, #tpu.memory_space<vmem>>
            %dma_wait3A_1012 = arith.constant 0 : i32
            %dma_wait3A_1013 = tpu.memref_slice %arg1[%mul3A_1004, %dma_wait3A_1012] : memref<6144x1024xf32, #tpu.memory_space<hbm>> -> memref<256x1024xf32, #tpu.memory_space<hbm>>
            tpu.wait_dma2 semaphore(%dma_wait3A_1007 : memref<!tpu.dma_semaphore, #tpu.memory_space<semaphore_mem>>) src(%dma_wait3A_1013 : memref<256x1024xf32, #tpu.memory_space<hbm>>) dst(%dma_wait3A_1011 : memref<256x1024xf32, #tpu.memory_space<vmem>>)
            "tpu.trace_stop"() : () -> ()
          } else {
          }
          %ne3A_579 = arith.cmpi ne, %add3A_356, %add3A_376 : i32
          %or3A_580 = arith.constant false
          %or3A_581 = arith.ori %or3A_580, %ne3A_579 : i1
          %or3A_582 = arith.constant false
          %or3A_583 = arith.ori %or3A_581, %or3A_582 : i1
          %or3A_584 = arith.ori %or3A_583, %eq3A_349 : i1
          %convert_element_type3A_585 = arith.extui %or3A_584 : i1 to i32
          %cond3A_586 = arith.constant 0 : i32
          %cond3A_587 = arith.cmpi ne, %convert_element_type3A_585, %cond3A_586 : i32
          scf.if %cond3A_587 {
            "tpu.trace_start"() <{level = 10 : i32, message = "ep_wait_in"}> : () -> ()
            %mul3A_1003 = arith.constant 256 : i32
            %mul3A_1004 = arith.muli %mul3A_1003, %add3A_356 : i32
            %rem3A_1005 = arith.constant 2 : i32
            %rem3A_1006 = arith.remui %while3A_329, %rem3A_1005 : i32
            %dma_wait3A = tpu.memref_slice %run_scoped3A_4[%rem3A_1006] : memref<2x!tpu.dma_semaphore, #tpu.memory_space<semaphore_mem>> -> memref<1x!tpu.dma_semaphore, #tpu.memory_space<semaphore_mem>>
            %dma_wait3A_1007 = tpu.memref_squeeze %dma_wait3A : memref<1x!tpu.dma_semaphore, #tpu.memory_space<semaphore_mem>> -> memref<!tpu.dma_semaphore, #tpu.memory_space<semaphore_mem>>
            %dma_wait3A_1008 = arith.constant 0 : i32
            %dma_wait3A_1009 = arith.constant 0 : i32
            %dma_wait3A_1010 = tpu.memref_slice %run_scoped3A_3[%rem3A_1006, %dma_wait3A_1008, %dma_wait3A_1009] : memref<2x256x128xf32, #tpu.memory_space<vmem>> -> memref<1x256x128xf32, #tpu.memory_space<vmem>>
            %dma_wait3A_1011 = tpu.memref_squeeze %dma_wait3A_1010 : memref<1x256x128xf32, #tpu.memory_space<vmem>> -> memref<256x128xf32, #tpu.memory_space<vmem>>
            %dma_wait3A_1012 = arith.constant 0 : i32
            %dma_wait3A_1013 = tpu.memref_slice %arg2[%mul3A_1004, %dma_wait3A_1012] : memref<6144x128xf32, #tpu.memory_space<hbm>> -> memref<256x128xf32, #tpu.memory_space<hbm>>
            tpu.wait_dma2 semaphore(%dma_wait3A_1007 : memref<!tpu.dma_semaphore, #tpu.memory_space<semaphore_mem>>) src(%dma_wait3A_1013 : memref<256x128xf32, #tpu.memory_space<hbm>>) dst(%dma_wait3A_1011 : memref<256x128xf32, #tpu.memory_space<vmem>>)
            "tpu.trace_stop"() : () -> ()
          } else {
          }
          %get3A_588 = arith.index_cast %add3A_356 : i32 to index
          %get3A_589 = memref.load %arg0[%get3A_588] : memref<25xi32, #tpu.memory_space<smem>>
          %get3A_590 = arith.index_cast %add3A_376 : i32 to index
          %get3A_591 = memref.load %arg0[%get3A_590] : memref<25xi32, #tpu.memory_space<smem>>
          %ne3A_592 = arith.cmpi ne, %get3A_589, %get3A_591 : i32
          %ne3A_593 = arith.cmpi ne, %add3A_354, %add3A_374 : i32
          %or3A_594 = arith.constant false
          %or3A_595 = arith.ori %or3A_594, %ne3A_592 : i1
          %or3A_596 = arith.constant false
          %or3A_597 = arith.ori %or3A_595, %or3A_596 : i1
          %or3A_598 = arith.ori %or3A_597, %ne3A_593 : i1
          %or3A_599 = arith.ori %or3A_598, %eq3A_349 : i1
          %convert_element_type3A_600 = arith.extui %or3A_599 : i1 to i32
          %cond3A_601 = arith.constant 0 : i32
          %cond3A_602 = arith.cmpi ne, %convert_element_type3A_600, %cond3A_601 : i32
          scf.if %cond3A_602 {
            "tpu.trace_start"() <{level = 10 : i32, message = "ep_wait_in"}> : () -> ()
            %get3A_1003 = arith.index_cast %add3A_356 : i32 to index
            %get3A_1004 = memref.load %arg0[%get3A_1003] : memref<25xi32, #tpu.memory_space<smem>>
            %mul3A_1005 = arith.constant 1 : i32
            %mul3A_1006 = arith.muli %mul3A_1005, %get3A_1004 : i32
            %mul3A_1007 = arith.constant 2048 : i32
            %mul3A_1008 = arith.muli %mul3A_1007, %add3A_354 : i32
            %rem3A_1009 = arith.constant 2 : i32
            %rem3A_1010 = arith.remui %while3A_331, %rem3A_1009 : i32
            %dma_wait3A = tpu.memref_slice %run_scoped3A_6[%rem3A_1010] : memref<2x!tpu.dma_semaphore, #tpu.memory_space<semaphore_mem>> -> memref<1x!tpu.dma_semaphore, #tpu.memory_space<semaphore_mem>>
            %dma_wait3A_1011 = tpu.memref_squeeze %dma_wait3A : memref<1x!tpu.dma_semaphore, #tpu.memory_space<semaphore_mem>> -> memref<!tpu.dma_semaphore, #tpu.memory_space<semaphore_mem>>
            %dma_wait3A_1012 = arith.constant 0 : i32
            %dma_wait3A_1013 = arith.constant 0 : i32
            %dma_wait3A_1014 = arith.constant 0 : i32
            %dma_wait3A_1015 = tpu.memref_slice %run_scoped3A_5[%rem3A_1010, %dma_wait3A_1012, %dma_wait3A_1013, %dma_wait3A_1014] : memref<2x1x1024x2048xf32, #tpu.memory_space<vmem>> -> memref<1x1x1024x2048xf32, #tpu.memory_space<vmem>>
            %dma_wait3A_1016 = tpu.memref_squeeze %dma_wait3A_1015 : memref<1x1x1024x2048xf32, #tpu.memory_space<vmem>> -> memref<1x1024x2048xf32, #tpu.memory_space<vmem>>
            %dma_wait3A_1017 = arith.constant 0 : i32
            %dma_wait3A_1018 = tpu.memref_slice %arg3[%mul3A_1006, %dma_wait3A_1017, %mul3A_1008] : memref<8x1024x4096xf32, #tpu.memory_space<hbm>> -> memref<1x1024x2048xf32, #tpu.memory_space<hbm>>
            tpu.wait_dma2 semaphore(%dma_wait3A_1011 : memref<!tpu.dma_semaphore, #tpu.memory_space<semaphore_mem>>) src(%dma_wait3A_1018 : memref<1x1024x2048xf32, #tpu.memory_space<hbm>>) dst(%dma_wait3A_1016 : memref<1x1024x2048xf32, #tpu.memory_space<vmem>>)
            "tpu.trace_stop"() : () -> ()
          } else {
          }
          %get3A_603 = arith.index_cast %add3A_356 : i32 to index
          %get3A_604 = memref.load %arg0[%get3A_603] : memref<25xi32, #tpu.memory_space<smem>>
          %get3A_605 = arith.index_cast %add3A_376 : i32 to index
          %get3A_606 = memref.load %arg0[%get3A_605] : memref<25xi32, #tpu.memory_space<smem>>
          %ne3A_607 = arith.cmpi ne, %get3A_604, %get3A_606 : i32
          %ne3A_608 = arith.cmpi ne, %add3A_354, %add3A_374 : i32
          %or3A_609 = arith.constant false
          %or3A_610 = arith.ori %or3A_609, %ne3A_607 : i1
          %or3A_611 = arith.constant false
          %or3A_612 = arith.ori %or3A_610, %or3A_611 : i1
          %or3A_613 = arith.ori %or3A_612, %ne3A_608 : i1
          %or3A_614 = arith.ori %or3A_613, %eq3A_349 : i1
          %convert_element_type3A_615 = arith.extui %or3A_614 : i1 to i32
          %cond3A_616 = arith.constant 0 : i32
          %cond3A_617 = arith.cmpi ne, %convert_element_type3A_615, %cond3A_616 : i32
          scf.if %cond3A_617 {
            "tpu.trace_start"() <{level = 10 : i32, message = "ep_wait_in"}> : () -> ()
            %get3A_1003 = arith.index_cast %add3A_356 : i32 to index
            %get3A_1004 = memref.load %arg0[%get3A_1003] : memref<25xi32, #tpu.memory_space<smem>>
            %mul3A_1005 = arith.constant 1 : i32
            %mul3A_1006 = arith.muli %mul3A_1005, %get3A_1004 : i32
            %mul3A_1007 = arith.constant 2048 : i32
            %mul3A_1008 = arith.muli %mul3A_1007, %add3A_354 : i32
            %rem3A_1009 = arith.constant 2 : i32
            %rem3A_1010 = arith.remui %while3A_335, %rem3A_1009 : i32
            %dma_wait3A = tpu.memref_slice %run_scoped3A_8[%rem3A_1010] : memref<2x!tpu.dma_semaphore, #tpu.memory_space<semaphore_mem>> -> memref<1x!tpu.dma_semaphore, #tpu.memory_space<semaphore_mem>>
            %dma_wait3A_1011 = tpu.memref_squeeze %dma_wait3A : memref<1x!tpu.dma_semaphore, #tpu.memory_space<semaphore_mem>> -> memref<!tpu.dma_semaphore, #tpu.memory_space<semaphore_mem>>
            %dma_wait3A_1012 = arith.constant 0 : i32
            %dma_wait3A_1013 = arith.constant 0 : i32
            %dma_wait3A_1014 = arith.constant 0 : i32
            %dma_wait3A_1015 = tpu.memref_slice %run_scoped3A_7[%rem3A_1010, %dma_wait3A_1012, %dma_wait3A_1013, %dma_wait3A_1014] : memref<2x1x1024x2048xf32, #tpu.memory_space<vmem>> -> memref<1x1x1024x2048xf32, #tpu.memory_space<vmem>>
            %dma_wait3A_1016 = tpu.memref_squeeze %dma_wait3A_1015 : memref<1x1x1024x2048xf32, #tpu.memory_space<vmem>> -> memref<1x1024x2048xf32, #tpu.memory_space<vmem>>
            %dma_wait3A_1017 = arith.constant 0 : i32
            %dma_wait3A_1018 = tpu.memref_slice %arg4[%mul3A_1006, %dma_wait3A_1017, %mul3A_1008] : memref<8x1024x4096xf32, #tpu.memory_space<hbm>> -> memref<1x1024x2048xf32, #tpu.memory_space<hbm>>
            tpu.wait_dma2 semaphore(%dma_wait3A_1011 : memref<!tpu.dma_semaphore, #tpu.memory_space<semaphore_mem>>) src(%dma_wait3A_1018 : memref<1x1024x2048xf32, #tpu.memory_space<hbm>>) dst(%dma_wait3A_1016 : memref<1x1024x2048xf32, #tpu.memory_space<vmem>>)
            "tpu.trace_stop"() : () -> ()
          } else {
          }
          %get3A_618 = arith.index_cast %add3A_356 : i32 to index
          %get3A_619 = memref.load %arg0[%get3A_618] : memref<25xi32, #tpu.memory_space<smem>>
          %get3A_620 = arith.index_cast %add3A_376 : i32 to index
          %get3A_621 = memref.load %arg0[%get3A_620] : memref<25xi32, #tpu.memory_space<smem>>
          %ne3A_622 = arith.cmpi ne, %get3A_619, %get3A_621 : i32
          %ne3A_623 = arith.cmpi ne, %add3A_354, %add3A_374 : i32
          %or3A_624 = arith.constant false
          %or3A_625 = arith.ori %or3A_624, %ne3A_622 : i1
          %or3A_626 = arith.ori %or3A_625, %ne3A_623 : i1
          %or3A_627 = arith.constant false
          %or3A_628 = arith.ori %or3A_626, %or3A_627 : i1
          %or3A_629 = arith.ori %or3A_628, %eq3A_349 : i1
          %convert_element_type3A_630 = arith.extui %or3A_629 : i1 to i32
          %cond3A_631 = arith.constant 0 : i32
          %cond3A_632 = arith.cmpi ne, %convert_element_type3A_630, %cond3A_631 : i32
          scf.if %cond3A_632 {
            "tpu.trace_start"() <{level = 10 : i32, message = "ep_wait_in"}> : () -> ()
            %get3A_1003 = arith.index_cast %add3A_356 : i32 to index
            %get3A_1004 = memref.load %arg0[%get3A_1003] : memref<25xi32, #tpu.memory_space<smem>>
            %mul3A_1005 = arith.constant 1 : i32
            %mul3A_1006 = arith.muli %mul3A_1005, %get3A_1004 : i32
            %mul3A_1007 = arith.constant 2048 : i32
            %mul3A_1008 = arith.muli %mul3A_1007, %add3A_354 : i32
            %rem3A_1009 = arith.constant 2 : i32
            %rem3A_1010 = arith.remui %while3A_339, %rem3A_1009 : i32
            %dma_wait3A = tpu.memref_slice %run_scoped3A_10[%rem3A_1010] : memref<2x!tpu.dma_semaphore, #tpu.memory_space<semaphore_mem>> -> memref<1x!tpu.dma_semaphore, #tpu.memory_space<semaphore_mem>>
            %dma_wait3A_1011 = tpu.memref_squeeze %dma_wait3A : memref<1x!tpu.dma_semaphore, #tpu.memory_space<semaphore_mem>> -> memref<!tpu.dma_semaphore, #tpu.memory_space<semaphore_mem>>
            %dma_wait3A_1012 = arith.constant 0 : i32
            %dma_wait3A_1013 = arith.constant 0 : i32
            %dma_wait3A_1014 = arith.constant 0 : i32
            %dma_wait3A_1015 = tpu.memref_slice %run_scoped3A_9[%rem3A_1010, %dma_wait3A_1012, %dma_wait3A_1013, %dma_wait3A_1014] : memref<2x1x2048x1024xf32, #tpu.memory_space<vmem>> -> memref<1x1x2048x1024xf32, #tpu.memory_space<vmem>>
            %dma_wait3A_1016 = tpu.memref_squeeze %dma_wait3A_1015 : memref<1x1x2048x1024xf32, #tpu.memory_space<vmem>> -> memref<1x2048x1024xf32, #tpu.memory_space<vmem>>
            %dma_wait3A_1017 = arith.constant 0 : i32
            %dma_wait3A_1018 = tpu.memref_slice %arg5[%mul3A_1006, %mul3A_1008, %dma_wait3A_1017] : memref<8x4096x1024xf32, #tpu.memory_space<hbm>> -> memref<1x2048x1024xf32, #tpu.memory_space<hbm>>
            tpu.wait_dma2 semaphore(%dma_wait3A_1011 : memref<!tpu.dma_semaphore, #tpu.memory_space<semaphore_mem>>) src(%dma_wait3A_1018 : memref<1x2048x1024xf32, #tpu.memory_space<hbm>>) dst(%dma_wait3A_1016 : memref<1x2048x1024xf32, #tpu.memory_space<vmem>>)
            "tpu.trace_stop"() : () -> ()
          } else {
          }
          %ne3A_633 = arith.cmpi ne, %add3A_354, %add3A_374 : i32
          %ne3A_634 = arith.cmpi ne, %add3A_356, %add3A_376 : i32
          %or3A_635 = arith.constant false
          %or3A_636 = arith.ori %or3A_635, %ne3A_633 : i1
          %or3A_637 = arith.ori %or3A_636, %ne3A_634 : i1
          %or3A_638 = arith.constant false
          %or3A_639 = arith.ori %or3A_637, %or3A_638 : i1
          %or3A_640 = arith.ori %or3A_639, %eq3A_349 : i1
          %convert_element_type3A_641 = arith.extui %or3A_640 : i1 to i32
          %cond3A_642 = arith.constant 0 : i32
          %cond3A_643 = arith.cmpi ne, %convert_element_type3A_641, %cond3A_642 : i32
          scf.if %cond3A_643 {
          } else {
          }
          %rem3A_644 = arith.constant 2 : i32
          %rem3A_645 = arith.remui %while3A_327, %rem3A_644 : i32
          %rem3A_646 = arith.constant 2 : i32
          %rem3A_647 = arith.remui %while3A_329, %rem3A_646 : i32
          %rem3A_648 = arith.constant 2 : i32
          %rem3A_649 = arith.remui %while3A_331, %rem3A_648 : i32
          %rem3A_650 = arith.constant 2 : i32
          %rem3A_651 = arith.remui %while3A_335, %rem3A_650 : i32
          %rem3A_652 = arith.constant 2 : i32
          %rem3A_653 = arith.remui %while3A_339, %rem3A_652 : i32
          %rem3A_654 = arith.constant 2 : i32
          %rem3A_655 = arith.remui %while3A_342, %rem3A_654 : i32
          "tpu.trace_start"() <{level = 10 : i32, message = "ep_run_kernel"}> : () -> ()
          %get3A_656 = arith.index_cast %rem3A_645 : i32 to index
          %get3A_657 = arith.constant 0 : index
          %get3A_658 = arith.constant 0 : index
          %get3A_659 = vector.load %run_scoped3A[%get3A_656, %get3A_657, %get3A_658] : memref<2x256x1024xf32, #tpu.memory_space<vmem>>, vector<1x256x1024xf32>
          %get3A_660 = vector.shape_cast %get3A_659 : vector<1x256x1024xf32> to vector<256x1024xf32>
          %convert_element_type3A_661 = arith.truncf %get3A_660 : vector<256x1024xf32> to vector<256x1024xbf16>
          %get3A_662 = arith.constant 0 : i32
          %get3A_663 = arith.constant 0 : i32
          %get3A_664 = arith.constant 0 : i32
          %get3A_665 = tpu.memref_slice %run_scoped3A_5[%rem3A_649, %get3A_662, %get3A_663, %get3A_664] : memref<2x1x1024x2048xf32, #tpu.memory_space<vmem>> -> memref<1x1x1024x2048xf32, #tpu.memory_space<vmem>>
          %get3A_666 = tpu.memref_squeeze %get3A_665 : memref<1x1x1024x2048xf32, #tpu.memory_space<vmem>> -> memref<1x1024x2048xf32, #tpu.memory_space<vmem>>
          %get3A_667 = arith.constant 0 : index
          %get3A_668 = arith.constant 0 : index
          %get3A_669 = arith.constant 0 : index
          %get3A_670 = vector.load %get3A_666[%get3A_667, %get3A_668, %get3A_669] : memref<1x1024x2048xf32, #tpu.memory_space<vmem>>, vector<1x1024x2048xf32>
          %get3A_671 = vector.shape_cast %get3A_670 : vector<1x1024x2048xf32> to vector<1024x2048xf32>
          %convert_element_type3A_672 = arith.truncf %get3A_671 : vector<1024x2048xf32> to vector<1024x2048xbf16>
          %get3A_673 = arith.constant 0 : i32
          %get3A_674 = arith.constant 0 : i32
          %get3A_675 = arith.constant 0 : i32
          %get3A_676 = tpu.memref_slice %run_scoped3A_7[%rem3A_651, %get3A_673, %get3A_674, %get3A_675] : memref<2x1x1024x2048xf32, #tpu.memory_space<vmem>> -> memref<1x1x1024x2048xf32, #tpu.memory_space<vmem>>
          %get3A_677 = tpu.memref_squeeze %get3A_676 : memref<1x1x1024x2048xf32, #tpu.memory_space<vmem>> -> memref<1x1024x2048xf32, #tpu.memory_space<vmem>>
          %get3A_678 = arith.constant 0 : index
          %get3A_679 = arith.constant 0 : index
          %get3A_680 = arith.constant 0 : index
          %get3A_681 = vector.load %get3A_677[%get3A_678, %get3A_679, %get3A_680] : memref<1x1024x2048xf32, #tpu.memory_space<vmem>>, vector<1x1024x2048xf32>
          %get3A_682 = vector.shape_cast %get3A_681 : vector<1x1024x2048xf32> to vector<1024x2048xf32>
          %convert_element_type3A_683 = arith.truncf %get3A_682 : vector<1024x2048xf32> to vector<1024x2048xbf16>
          %dot_general3A = arith.constant dense<0.000000e+00> : vector<256x2048xf32>
          %dot_general3A_684 = tpu.matmul %convert_element_type3A_661, %convert_element_type3A_672, %dot_general3A {dimension_numbers = #tpu.dot_dimension_numbers<[1], [0], [0], [1], [0, 0, 1, 1], [], []>, transpose_lhs_hint = false} : vector<256x1024xbf16>, vector<1024x2048xbf16>, vector<256x2048xf32> -> vector<256x2048xf32>
          %dot_general3A_685 = arith.constant dense<0.000000e+00> : vector<256x2048xf32>
          %dot_general3A_686 = tpu.matmul %convert_element_type3A_661, %convert_element_type3A_683, %dot_general3A_685 {dimension_numbers = #tpu.dot_dimension_numbers<[1], [0], [0], [1], [0, 0, 1, 1], [], []>, transpose_lhs_hint = false} : vector<256x1024xbf16>, vector<1024x2048xbf16>, vector<256x2048xf32> -> vector<256x2048xf32>
          %integer_pow3A = arith.mulf %dot_general3A_684, %dot_general3A_684 : vector<256x2048xf32>
          %integer_pow3A_687 = arith.mulf %dot_general3A_684, %integer_pow3A : vector<256x2048xf32>
          %mul3A_688 = arith.constant 4.471500e-02 : f32
          %mul3A_689 = vector.broadcast %mul3A_688 : f32 to vector<256x2048xf32>
          %mul3A_690 = arith.mulf %mul3A_689, %integer_pow3A_687 : vector<256x2048xf32>
          %add3A_691 = arith.addf %dot_general3A_684, %mul3A_690 : vector<256x2048xf32>
          %mul3A_692 = arith.constant 0.797884583 : f32
          %mul3A_693 = vector.broadcast %mul3A_692 : f32 to vector<256x2048xf32>
          %mul3A_694 = arith.mulf %mul3A_693, %add3A_691 : vector<256x2048xf32>
          %tanh3A = math.tanh %mul3A_694 : vector<256x2048xf32>
          %add3A_695 = arith.constant 1.000000e+00 : f32
          %add3A_696 = vector.broadcast %add3A_695 : f32 to vector<256x2048xf32>
          %add3A_697 = arith.addf %add3A_696, %tanh3A : vector<256x2048xf32>
          %mul3A_698 = arith.constant 5.000000e-01 : f32
          %mul3A_699 = vector.broadcast %mul3A_698 : f32 to vector<256x2048xf32>
          %mul3A_700 = arith.mulf %mul3A_699, %add3A_697 : vector<256x2048xf32>
          %mul3A_701 = arith.mulf %dot_general3A_684, %mul3A_700 : vector<256x2048xf32>
          %mul3A_702 = arith.mulf %mul3A_701, %dot_general3A_686 : vector<256x2048xf32>
          %convert_element_type3A_703 = arith.truncf %mul3A_702 : vector<256x2048xf32> to vector<256x2048xbf16>
          %get3A_704 = arith.constant 0 : i32
          %get3A_705 = arith.constant 0 : i32
          %get3A_706 = arith.constant 0 : i32
          %get3A_707 = tpu.memref_slice %run_scoped3A_9[%rem3A_653, %get3A_704, %get3A_705, %get3A_706] : memref<2x1x2048x1024xf32, #tpu.memory_space<vmem>> -> memref<1x1x2048x1024xf32, #tpu.memory_space<vmem>>
          %get3A_708 = tpu.memref_squeeze %get3A_707 : memref<1x1x2048x1024xf32, #tpu.memory_space<vmem>> -> memref<1x2048x1024xf32, #tpu.memory_space<vmem>>
          %get3A_709 = arith.constant 0 : index
          %get3A_710 = arith.constant 0 : index
          %get3A_711 = arith.constant 0 : index
          %get3A_712 = vector.load %get3A_708[%get3A_709, %get3A_710, %get3A_711] : memref<1x2048x1024xf32, #tpu.memory_space<vmem>>, vector<1x2048x1024xf32>
          %get3A_713 = vector.shape_cast %get3A_712 : vector<1x2048x1024xf32> to vector<2048x1024xf32>
          %convert_element_type3A_714 = arith.truncf %get3A_713 : vector<2048x1024xf32> to vector<2048x1024xbf16>
          %dot_general3A_715 = arith.constant dense<0.000000e+00> : vector<256x1024xf32>
          %dot_general3A_716 = tpu.matmul %convert_element_type3A_703, %convert_element_type3A_714, %dot_general3A_715 {dimension_numbers = #tpu.dot_dimension_numbers<[1], [0], [0], [1], [0, 0, 1, 1], [], []>, transpose_lhs_hint = false} : vector<256x2048xbf16>, vector<2048x1024xbf16>, vector<256x1024xf32> -> vector<256x1024xf32>
          %get3A_717 = arith.constant 0 : i32
          %get3A_718 = arith.constant 0 : i32
          %get3A_719 = tpu.memref_slice %run_scoped3A_3[%rem3A_647, %get3A_717, %get3A_718] : memref<2x256x128xf32, #tpu.memory_space<vmem>> -> memref<1x256x128xf32, #tpu.memory_space<vmem>>
          %get3A_720 = tpu.memref_squeeze %get3A_719 : memref<1x256x128xf32, #tpu.memory_space<vmem>> -> memref<256x128xf32, #tpu.memory_space<vmem>>
          %get3A_721 = arith.constant 0 : index
          %get3A_722 = arith.constant 0 : index
          %get3A_723 = vector.load %get3A_720[%get3A_721, %get3A_722] : memref<256x128xf32, #tpu.memory_space<vmem>>, vector<256x1xf32>
          %mul3A_724 = vector.broadcast %get3A_723 : vector<256x1xf32> to vector<256x1024xf32>
          %mul3A_725 = arith.mulf %dot_general3A_716, %mul3A_724 : vector<256x1024xf32>
          %swap3A = arith.constant 0 : i32
          %swap3A_726 = arith.constant 0 : i32
          %swap3A_727 = arith.constant 0 : i32
          %swap3A_728 = tpu.memref_slice %run_scoped3A_11[%rem3A_655, %swap3A, %swap3A_726, %swap3A_727] : memref<2x1x256x1024xf32, #tpu.memory_space<vmem>> -> memref<1x1x256x1024xf32, #tpu.memory_space<vmem>>
          %swap3A_729 = tpu.memref_squeeze %swap3A_728 : memref<1x1x256x1024xf32, #tpu.memory_space<vmem>> -> memref<1x256x1024xf32, #tpu.memory_space<vmem>>
          %swap3A_730 = arith.constant 0 : index
          %swap3A_731 = arith.constant 0 : index
          %swap3A_732 = arith.constant 0 : index
          %swap3A_733 = vector.load %swap3A_729[%swap3A_730, %swap3A_731, %swap3A_732] : memref<1x256x1024xf32, #tpu.memory_space<vmem>>, vector<1x256x1024xf32>
          %swap3A_734 = vector.shape_cast %swap3A_733 : vector<1x256x1024xf32> to vector<256x1024xf32>
          %swap3A_735 = vector.shape_cast %mul3A_725 : vector<256x1024xf32> to vector<1x256x1024xf32>
          tpu.vector_store %swap3A_729[%swap3A_730, %swap3A_731, %swap3A_732], %swap3A_735 {strides = array<i32>} : memref<1x256x1024xf32, #tpu.memory_space<vmem>>, vector<1x256x1024xf32>,
          "tpu.trace_stop"() : () -> ()
          %ne3A_736 = arith.cmpi ne, %add3A_356, %add3A_394 : i32
          %or3A_737 = arith.constant false
          %or3A_738 = arith.ori %or3A_737, %ne3A_736 : i1
          %or3A_739 = arith.constant false
          %or3A_740 = arith.ori %or3A_738, %or3A_739 : i1
          %or3A_741 = arith.ori %or3A_740, %eq3A_352 : i1
          %convert_element_type3A_742 = arith.extui %or3A_741 : i1 to i32
          %cond3A_743 = arith.constant 0 : i32
          %cond3A_744 = arith.cmpi ne, %convert_element_type3A_742, %cond3A_743 : i32
          scf.if %cond3A_744 {
          } else {
          }
          %and3A_745 = arith.constant false
          %and3A_746 = arith.andi %or3A_741, %and3A_745 : i1
          %ne3A_747 = arith.cmpi ne, %add3A_356, %add3A_394 : i32
          %or3A_748 = arith.constant false
          %or3A_749 = arith.ori %or3A_748, %ne3A_747 : i1
          %or3A_750 = arith.constant false
          %or3A_751 = arith.ori %or3A_749, %or3A_750 : i1
          %or3A_752 = arith.ori %or3A_751, %eq3A_352 : i1
          %convert_element_type3A_753 = arith.extui %or3A_752 : i1 to i32
          %cond3A_754 = arith.constant 0 : i32
          %cond3A_755 = arith.cmpi ne, %convert_element_type3A_753, %cond3A_754 : i32
          scf.if %cond3A_755 {
          } else {
          }
          %and3A_756 = arith.constant false
          %and3A_757 = arith.andi %or3A_752, %and3A_756 : i1
          %get3A_758 = arith.index_cast %add3A_356 : i32 to index
          %get3A_759 = memref.load %arg0[%get3A_758] : memref<25xi32, #tpu.memory_space<smem>>
          %get3A_760 = arith.index_cast %add3A_394 : i32 to index
          %get3A_761 = memref.load %arg0[%get3A_760] : memref<25xi32, #tpu.memory_space<smem>>
          %ne3A_762 = arith.cmpi ne, %get3A_759, %get3A_761 : i32
          %ne3A_763 = arith.cmpi ne, %add3A_354, %add3A_392 : i32
          %or3A_764 = arith.constant false
          %or3A_765 = arith.ori %or3A_764, %ne3A_762 : i1
          %or3A_766 = arith.constant false
          %or3A_767 = arith.ori %or3A_765, %or3A_766 : i1
          %or3A_768 = arith.ori %or3A_767, %ne3A_763 : i1
          %or3A_769 = arith.ori %or3A_768, %eq3A_352 : i1
          %convert_element_type3A_770 = arith.extui %or3A_769 : i1 to i32
          %cond3A_771 = arith.constant 0 : i32
          %cond3A_772 = arith.cmpi ne, %convert_element_type3A_770, %cond3A_771 : i32
          scf.if %cond3A_772 {
          } else {
          }
          %and3A_773 = arith.constant false
          %and3A_774 = arith.andi %or3A_769, %and3A_773 : i1
          %get3A_775 = arith.index_cast %add3A_356 : i32 to index
          %get3A_776 = memref.load %arg0[%get3A_775] : memref<25xi32, #tpu.memory_space<smem>>
          %get3A_777 = arith.index_cast %add3A_394 : i32 to index
          %get3A_778 = memref.load %arg0[%get3A_777] : memref<25xi32, #tpu.memory_space<smem>>
          %ne3A_779 = arith.cmpi ne, %get3A_776, %get3A_778 : i32
          %ne3A_780 = arith.cmpi ne, %add3A_354, %add3A_392 : i32
          %or3A_781 = arith.constant false
          %or3A_782 = arith.ori %or3A_781, %ne3A_779 : i1
          %or3A_783 = arith.constant false
          %or3A_784 = arith.ori %or3A_782, %or3A_783 : i1
          %or3A_785 = arith.ori %or3A_784, %ne3A_780 : i1
          %or3A_786 = arith.ori %or3A_785, %eq3A_352 : i1
          %convert_element_type3A_787 = arith.extui %or3A_786 : i1 to i32
          %cond3A_788 = arith.constant 0 : i32
          %cond3A_789 = arith.cmpi ne, %convert_element_type3A_787, %cond3A_788 : i32
          scf.if %cond3A_789 {
          } else {
          }
          %and3A_790 = arith.constant false
          %and3A_791 = arith.andi %or3A_786, %and3A_790 : i1
          %get3A_792 = arith.index_cast %add3A_356 : i32 to index
          %get3A_793 = memref.load %arg0[%get3A_792] : memref<25xi32, #tpu.memory_space<smem>>
          %get3A_794 = arith.index_cast %add3A_394 : i32 to index
          %get3A_795 = memref.load %arg0[%get3A_794] : memref<25xi32, #tpu.memory_space<smem>>
          %ne3A_796 = arith.cmpi ne, %get3A_793, %get3A_795 : i32
          %ne3A_797 = arith.cmpi ne, %add3A_354, %add3A_392 : i32
          %or3A_798 = arith.constant false
          %or3A_799 = arith.ori %or3A_798, %ne3A_796 : i1
          %or3A_800 = arith.ori %or3A_799, %ne3A_797 : i1
          %or3A_801 = arith.constant false
          %or3A_802 = arith.ori %or3A_800, %or3A_801 : i1
          %or3A_803 = arith.ori %or3A_802, %eq3A_352 : i1
          %convert_element_type3A_804 = arith.extui %or3A_803 : i1 to i32
          %cond3A_805 = arith.constant 0 : i32
          %cond3A_806 = arith.cmpi ne, %convert_element_type3A_804, %cond3A_805 : i32
          scf.if %cond3A_806 {
          } else {
          }
          %and3A_807 = arith.constant false
          %and3A_808 = arith.andi %or3A_803, %and3A_807 : i1
          %ne3A_809 = arith.cmpi ne, %add3A_354, %add3A_392 : i32
          %ne3A_810 = arith.cmpi ne, %add3A_356, %add3A_394 : i32
          %or3A_811 = arith.constant false
          %or3A_812 = arith.ori %or3A_811, %ne3A_809 : i1
          %or3A_813 = arith.ori %or3A_812, %ne3A_810 : i1
          %or3A_814 = arith.constant false
          %or3A_815 = arith.ori %or3A_813, %or3A_814 : i1
          %or3A_816 = arith.ori %or3A_815, %eq3A_352 : i1
          %convert_element_type3A_817 = arith.extui %or3A_816 : i1 to i32
          %cond3A_818 = arith.constant 0 : i32
          %cond3A_819 = arith.cmpi ne, %convert_element_type3A_817, %cond3A_818 : i32
          scf.if %cond3A_819 {
            "tpu.trace_start"() <{level = 10 : i32, message = "ep_copy_out"}> : () -> ()
            %rem3A_1003 = arith.constant 2 : i32
            %rem3A_1004 = arith.remui %while3A_342, %rem3A_1003 : i32
            %mul3A_1005 = arith.constant 1 : i32
            %mul3A_1006 = arith.muli %mul3A_1005, %add3A_354 : i32
            %mul3A_1007 = arith.constant 256 : i32
            %mul3A_1008 = arith.muli %mul3A_1007, %add3A_356 : i32
            %dma_start3A_1009 = tpu.memref_slice %run_scoped3A_12[%rem3A_1004] : memref<2x!tpu.dma_semaphore, #tpu.memory_space<semaphore_mem>> -> memref<1x!tpu.dma_semaphore, #tpu.memory_space<semaphore_mem>>
            %dma_start3A_1010 = tpu.memref_squeeze %dma_start3A_1009 : memref<1x!tpu.dma_semaphore, #tpu.memory_space<semaphore_mem>> -> memref<!tpu.dma_semaphore, #tpu.memory_space<semaphore_mem>>
            %dma_start3A_1011 = arith.constant 0 : i32
            %dma_start3A_1012 = tpu.memref_slice %arg6[%mul3A_1006, %mul3A_1008, %dma_start3A_1011] : memref<2x6144x1024xf32, #tpu.memory_space<hbm>> -> memref<1x256x1024xf32, #tpu.memory_space<hbm>>
            %dma_start3A_1013 = arith.constant 0 : i32
            %dma_start3A_1014 = arith.constant 0 : i32
            %dma_start3A_1015 = arith.constant 0 : i32
            %dma_start3A_1016 = tpu.memref_slice %run_scoped3A_11[%rem3A_1004, %dma_start3A_1013, %dma_start3A_1014, %dma_start3A_1015] : memref<2x1x256x1024xf32, #tpu.memory_space<vmem>> -> memref<1x1x256x1024xf32, #tpu.memory_space<vmem>>
            %dma_start3A_1017 = tpu.memref_squeeze %dma_start3A_1016 : memref<1x1x256x1024xf32, #tpu.memory_space<vmem>> -> memref<1x256x1024xf32, #tpu.memory_space<vmem>>
            tpu.enqueue_dma source(%dma_start3A_1017 : memref<1x256x1024xf32, #tpu.memory_space<vmem>>) target(%dma_start3A_1012 : memref<1x256x1024xf32, #tpu.memory_space<hbm>>) target_semaphore(%dma_start3A_1010 : memref<!tpu.dma_semaphore, #tpu.memory_space<semaphore_mem>>)
            "tpu.trace_stop"() : () -> ()
          } else {
          }
          %and3A_820 = arith.constant true
          %and3A_821 = arith.andi %or3A_816, %and3A_820 : i1
          %add3A_822 = arith.constant 1 : i32
          %add3A_823 = arith.addi %while3A_342, %add3A_822 : i32
          %select_n3A_824 = arith.select %and3A_821, %add3A_823, %while3A_342 : i32
          %ne3A_825 = arith.cmpi ne, %add3A_356, %add3A_376 : i32
          %or3A_826 = arith.constant false
          %or3A_827 = arith.ori %or3A_826, %ne3A_825 : i1
          %or3A_828 = arith.constant false
          %or3A_829 = arith.ori %or3A_827, %or3A_828 : i1
          %not3A_830 = arith.constant true
          %not3A_831 = arith.xori %eq3A_349, %not3A_830 : i1
          %and3A_832 = arith.andi %or3A_829, %not3A_831 : i1
          %convert_element_type3A_833 = arith.extui %and3A_832 : i1 to i32
          %cond3A_834 = arith.constant 0 : i32
          %cond3A_835 = arith.cmpi ne, %convert_element_type3A_833, %cond3A_834 : i32
          scf.if %cond3A_835 {
          } else {
          }
          %and3A_836 = arith.constant false
          %and3A_837 = arith.andi %and3A_832, %and3A_836 : i1
          %ne3A_838 = arith.cmpi ne, %add3A_356, %add3A_376 : i32
          %or3A_839 = arith.constant false
          %or3A_840 = arith.ori %or3A_839, %ne3A_838 : i1
          %or3A_841 = arith.constant false
          %or3A_842 = arith.ori %or3A_840, %or3A_841 : i1
          %not3A_843 = arith.constant true
          %not3A_844 = arith.xori %eq3A_349, %not3A_843 : i1
          %and3A_845 = arith.andi %or3A_842, %not3A_844 : i1
          %convert_element_type3A_846 = arith.extui %and3A_845 : i1 to i32
          %cond3A_847 = arith.constant 0 : i32
          %cond3A_848 = arith.cmpi ne, %convert_element_type3A_846, %cond3A_847 : i32
          scf.if %cond3A_848 {
          } else {
          }
          %and3A_849 = arith.constant false
          %and3A_850 = arith.andi %and3A_845, %and3A_849 : i1
          %get3A_851 = arith.index_cast %add3A_356 : i32 to index
          %get3A_852 = memref.load %arg0[%get3A_851] : memref<25xi32, #tpu.memory_space<smem>>
          %get3A_853 = arith.index_cast %add3A_376 : i32 to index
          %get3A_854 = memref.load %arg0[%get3A_853] : memref<25xi32, #tpu.memory_space<smem>>
          %ne3A_855 = arith.cmpi ne, %get3A_852, %get3A_854 : i32
          %ne3A_856 = arith.cmpi ne, %add3A_354, %add3A_374 : i32
          %or3A_857 = arith.constant false
          %or3A_858 = arith.ori %or3A_857, %ne3A_855 : i1
          %or3A_859 = arith.constant false
          %or3A_860 = arith.ori %or3A_858, %or3A_859 : i1
          %or3A_861 = arith.ori %or3A_860, %ne3A_856 : i1
          %not3A_862 = arith.constant true
          %not3A_863 = arith.xori %eq3A_349, %not3A_862 : i1
          %and3A_864 = arith.andi %or3A_861, %not3A_863 : i1
          %convert_element_type3A_865 = arith.extui %and3A_864 : i1 to i32
          %cond3A_866 = arith.constant 0 : i32
          %cond3A_867 = arith.cmpi ne, %convert_element_type3A_865, %cond3A_866 : i32
          scf.if %cond3A_867 {
          } else {
          }
          %and3A_868 = arith.constant false
          %and3A_869 = arith.andi %and3A_864, %and3A_868 : i1
          %get3A_870 = arith.index_cast %add3A_356 : i32 to index
          %get3A_871 = memref.load %arg0[%get3A_870] : memref<25xi32, #tpu.memory_space<smem>>
          %get3A_872 = arith.index_cast %add3A_376 : i32 to index
          %get3A_873 = memref.load %arg0[%get3A_872] : memref<25xi32, #tpu.memory_space<smem>>
          %ne3A_874 = arith.cmpi ne, %get3A_871, %get3A_873 : i32
          %ne3A_875 = arith.cmpi ne, %add3A_354, %add3A_374 : i32
          %or3A_876 = arith.constant false
          %or3A_877 = arith.ori %or3A_876, %ne3A_874 : i1
          %or3A_878 = arith.constant false
          %or3A_879 = arith.ori %or3A_877, %or3A_878 : i1
          %or3A_880 = arith.ori %or3A_879, %ne3A_875 : i1
          %not3A_881 = arith.constant true
          %not3A_882 = arith.xori %eq3A_349, %not3A_881 : i1
          %and3A_883 = arith.andi %or3A_880, %not3A_882 : i1
          %convert_element_type3A_884 = arith.extui %and3A_883 : i1 to i32
          %cond3A_885 = arith.constant 0 : i32
          %cond3A_886 = arith.cmpi ne, %convert_element_type3A_884, %cond3A_885 : i32
          scf.if %cond3A_886 {
          } else {
          }
          %and3A_887 = arith.constant false
          %and3A_888 = arith.andi %and3A_883, %and3A_887 : i1
          %get3A_889 = arith.index_cast %add3A_356 : i32 to index
          %get3A_890 = memref.load %arg0[%get3A_889] : memref<25xi32, #tpu.memory_space<smem>>
          %get3A_891 = arith.index_cast %add3A_376 : i32 to index
          %get3A_892 = memref.load %arg0[%get3A_891] : memref<25xi32, #tpu.memory_space<smem>>
          %ne3A_893 = arith.cmpi ne, %get3A_890, %get3A_892 : i32
          %ne3A_894 = arith.cmpi ne, %add3A_354, %add3A_374 : i32
          %or3A_895 = arith.constant false
          %or3A_896 = arith.ori %or3A_895, %ne3A_893 : i1
          %or3A_897 = arith.ori %or3A_896, %ne3A_894 : i1
          %or3A_898 = arith.constant false
          %or3A_899 = arith.ori %or3A_897, %or3A_898 : i1
          %not3A_900 = arith.constant true
          %not3A_901 = arith.xori %eq3A_349, %not3A_900 : i1
          %and3A_902 = arith.andi %or3A_899, %not3A_901 : i1
          %convert_element_type3A_903 = arith.extui %and3A_902 : i1 to i32
          %cond3A_904 = arith.constant 0 : i32
          %cond3A_905 = arith.cmpi ne, %convert_element_type3A_903, %cond3A_904 : i32
          scf.if %cond3A_905 {
          } else {
          }
          %and3A_906 = arith.constant false
          %and3A_907 = arith.andi %and3A_902, %and3A_906 : i1
          %ne3A_908 = arith.cmpi ne, %add3A_354, %add3A_374 : i32
          %ne3A_909 = arith.cmpi ne, %add3A_356, %add3A_376 : i32
          %or3A_910 = arith.constant false
          %or3A_911 = arith.ori %or3A_910, %ne3A_908 : i1
          %or3A_912 = arith.ori %or3A_911, %ne3A_909 : i1
          %or3A_913 = arith.constant false
          %or3A_914 = arith.ori %or3A_912, %or3A_913 : i1
          %not3A_915 = arith.constant true
          %not3A_916 = arith.xori %eq3A_349, %not3A_915 : i1
          %and3A_917 = arith.andi %or3A_914, %not3A_916 : i1
          %convert_element_type3A_918 = arith.extui %and3A_917 : i1 to i32
          %cond3A_919 = arith.constant 0 : i32
          %cond3A_920 = arith.cmpi ne, %convert_element_type3A_918, %cond3A_919 : i32
          scf.if %cond3A_920 {
            "tpu.trace_start"() <{level = 10 : i32, message = "ep_wait_out"}> : () -> ()
            %rem3A_1003 = arith.constant 2 : i32
            %rem3A_1004 = arith.remui %while3A_343, %rem3A_1003 : i32
            %mul3A_1005 = arith.constant 1 : i32
            %mul3A_1006 = arith.muli %mul3A_1005, %add3A_374 : i32
            %mul3A_1007 = arith.constant 256 : i32
            %mul3A_1008 = arith.muli %mul3A_1007, %add3A_376 : i32
            %dma_wait3A = tpu.memref_slice %run_scoped3A_12[%rem3A_1004] : memref<2x!tpu.dma_semaphore, #tpu.memory_space<semaphore_mem>> -> memref<1x!tpu.dma_semaphore, #tpu.memory_space<semaphore_mem>>
            %dma_wait3A_1009 = tpu.memref_squeeze %dma_wait3A : memref<1x!tpu.dma_semaphore, #tpu.memory_space<semaphore_mem>> -> memref<!tpu.dma_semaphore, #tpu.memory_space<semaphore_mem>>
            %dma_wait3A_1010 = arith.constant 0 : i32
            %dma_wait3A_1011 = tpu.memref_slice %arg6[%mul3A_1006, %mul3A_1008, %dma_wait3A_1010] : memref<2x6144x1024xf32, #tpu.memory_space<hbm>> -> memref<1x256x1024xf32, #tpu.memory_space<hbm>>
            %dma_wait3A_1012 = arith.constant 0 : i32
            %dma_wait3A_1013 = arith.constant 0 : i32
            %dma_wait3A_1014 = arith.constant 0 : i32
            %dma_wait3A_1015 = tpu.memref_slice %run_scoped3A_11[%rem3A_1004, %dma_wait3A_1012, %dma_wait3A_1013, %dma_wait3A_1014] : memref<2x1x256x1024xf32, #tpu.memory_space<vmem>> -> memref<1x1x256x1024xf32, #tpu.memory_space<vmem>>
            %dma_wait3A_1016 = tpu.memref_squeeze %dma_wait3A_1015 : memref<1x1x256x1024xf32, #tpu.memory_space<vmem>> -> memref<1x256x1024xf32, #tpu.memory_space<vmem>>
            tpu.wait_dma2 semaphore(%dma_wait3A_1009 : memref<!tpu.dma_semaphore, #tpu.memory_space<semaphore_mem>>) src(%dma_wait3A_1016 : memref<1x256x1024xf32, #tpu.memory_space<vmem>>) dst(%dma_wait3A_1011 : memref<1x256x1024xf32, #tpu.memory_space<hbm>>)
            "tpu.trace_stop"() : () -> ()
          } else {
          }
          %and3A_921 = arith.constant true
          %and3A_922 = arith.andi %and3A_917, %and3A_921 : i1
          %add3A_923 = arith.constant 1 : i32
          %add3A_924 = arith.addi %while3A_343, %add3A_923 : i32
          %select_n3A_925 = arith.select %and3A_922, %add3A_924, %while3A_343 : i32
          %ne3A_926 = arith.cmpi ne, %add3A_356, %add3A_394 : i32
          %or3A_927 = arith.constant false
          %or3A_928 = arith.ori %or3A_927, %ne3A_926 : i1
          %or3A_929 = arith.constant false
          %or3A_930 = arith.ori %or3A_928, %or3A_929 : i1
          %or3A_931 = arith.ori %or3A_930, %eq3A_352 : i1
          %add3A_932 = arith.constant 1 : i32
          %add3A_933 = arith.addi %while3A_327, %add3A_932 : i32
          %select_n3A_934 = arith.select %or3A_931, %add3A_933, %while3A_327 : i32
          %ne3A_935 = arith.cmpi ne, %add3A_356, %add3A_394 : i32
          %or3A_936 = arith.constant false
          %or3A_937 = arith.ori %or3A_936, %ne3A_935 : i1
          %or3A_938 = arith.constant false
          %or3A_939 = arith.ori %or3A_937, %or3A_938 : i1
          %or3A_940 = arith.ori %or3A_939, %eq3A_352 : i1
          %add3A_941 = arith.constant 1 : i32
          %add3A_942 = arith.addi %while3A_329, %add3A_941 : i32
          %select_n3A_943 = arith.select %or3A_940, %add3A_942, %while3A_329 : i32
          %get3A_944 = arith.index_cast %add3A_356 : i32 to index
          %get3A_945 = memref.load %arg0[%get3A_944] : memref<25xi32, #tpu.memory_space<smem>>
          %get3A_946 = arith.index_cast %add3A_394 : i32 to index
          %get3A_947 = memref.load %arg0[%get3A_946] : memref<25xi32, #tpu.memory_space<smem>>
          %ne3A_948 = arith.cmpi ne, %get3A_945, %get3A_947 : i32
          %ne3A_949 = arith.cmpi ne, %add3A_354, %add3A_392 : i32
          %or3A_950 = arith.constant false
          %or3A_951 = arith.ori %or3A_950, %ne3A_948 : i1
          %or3A_952 = arith.constant false
          %or3A_953 = arith.ori %or3A_951, %or3A_952 : i1
          %or3A_954 = arith.ori %or3A_953, %ne3A_949 : i1
          %or3A_955 = arith.ori %or3A_954, %eq3A_352 : i1
          %add3A_956 = arith.constant 1 : i32
          %add3A_957 = arith.addi %while3A_331, %add3A_956 : i32
          %select_n3A_958 = arith.select %or3A_955, %add3A_957, %while3A_331 : i32
          %get3A_959 = arith.index_cast %add3A_356 : i32 to index
          %get3A_960 = memref.load %arg0[%get3A_959] : memref<25xi32, #tpu.memory_space<smem>>
          %get3A_961 = arith.index_cast %add3A_394 : i32 to index
          %get3A_962 = memref.load %arg0[%get3A_961] : memref<25xi32, #tpu.memory_space<smem>>
          %ne3A_963 = arith.cmpi ne, %get3A_960, %get3A_962 : i32
          %ne3A_964 = arith.cmpi ne, %add3A_354, %add3A_392 : i32
          %or3A_965 = arith.constant false
          %or3A_966 = arith.ori %or3A_965, %ne3A_963 : i1
          %or3A_967 = arith.constant false
          %or3A_968 = arith.ori %or3A_966, %or3A_967 : i1
          %or3A_969 = arith.ori %or3A_968, %ne3A_964 : i1
          %or3A_970 = arith.ori %or3A_969, %eq3A_352 : i1
          %add3A_971 = arith.constant 1 : i32
          %add3A_972 = arith.addi %while3A_335, %add3A_971 : i32
          %select_n3A_973 = arith.select %or3A_970, %add3A_972, %while3A_335 : i32
          %get3A_974 = arith.index_cast %add3A_356 : i32 to index
          %get3A_975 = memref.load %arg0[%get3A_974] : memref<25xi32, #tpu.memory_space<smem>>
          %get3A_976 = arith.index_cast %add3A_394 : i32 to index
          %get3A_977 = memref.load %arg0[%get3A_976] : memref<25xi32, #tpu.memory_space<smem>>
          %ne3A_978 = arith.cmpi ne, %get3A_975, %get3A_977 : i32
          %ne3A_979 = arith.cmpi ne, %add3A_354, %add3A_392 : i32
          %or3A_980 = arith.constant false
          %or3A_981 = arith.ori %or3A_980, %ne3A_978 : i1
          %or3A_982 = arith.ori %or3A_981, %ne3A_979 : i1
          %or3A_983 = arith.constant false
          %or3A_984 = arith.ori %or3A_982, %or3A_983 : i1
          %or3A_985 = arith.ori %or3A_984, %eq3A_352 : i1
          %add3A_986 = arith.constant 1 : i32
          %add3A_987 = arith.addi %while3A_339, %add3A_986 : i32
          %select_n3A_988 = arith.select %or3A_985, %add3A_987, %while3A_339 : i32
          %add3A_989 = arith.constant 1 : i32
          %add3A_990 = arith.addi %while3A_345, %add3A_989 : i32
          %select_n3A_991 = arith.constant true
          %select_n3A_992 = arith.select %select_n3A_991, %add3A_990, %while3A_345 : i32
          %eq3A_993 = arith.cmpi eq, %select_n3A_992, %get3A_0 : i32
          %select_n3A_994 = arith.constant 0 : i32
          %select_n3A_995 = arith.select %eq3A_993, %select_n3A_994, %select_n3A_992 : i32
          %add3A_996 = arith.constant 1 : i32
          %add3A_997 = arith.addi %while3A_344, %add3A_996 : i32
          %select_n3A_998 = arith.select %eq3A_993, %add3A_997, %while3A_344 : i32
          %eq3A_999 = arith.constant 2 : i32
          %eq3A_1000 = arith.cmpi eq, %select_n3A_998, %eq3A_999 : i32
          %select_n3A_1001 = arith.constant 0 : i32
          %select_n3A_1002 = arith.select %eq3A_1000, %select_n3A_1001, %select_n3A_998 : i32
          scf.yield %select_n3A_428, %select_n3A_934, %select_n3A_449, %select_n3A_943, %while3A_484#4, %select_n3A_958, %while3A_484#0, %while3A_484#1, %while3A_519#4, %select_n3A_973, %while3A_519#0, %while3A_519#1, %while3A_554#4, %select_n3A_988, %while3A_554#0, %while3A_554#1, %select_n3A_824, %select_n3A_925, %select_n3A_1002, %select_n3A_995 : i32, i32, i32, i32, i32, i32, i32, i32, i32, i32, i32, i32, i32, i32, i32, i32, i32, i32, i32, i32
        }
        %sub3A_222 = arith.constant 1 : i32
        %sub3A_223 = arith.subi %while3A_221#19, %sub3A_222 : i32
        %select_n3A_224 = arith.constant true
        %select_n3A_225 = arith.select %select_n3A_224, %sub3A_223, %while3A_221#19 : i32
        %eq3A_226 = arith.constant -1 : i32
        %eq3A_227 = arith.cmpi eq, %select_n3A_225, %eq3A_226 : i32
        %sub3A_228 = arith.constant 1 : i32
        %sub3A_229 = arith.subi %get3A_0, %sub3A_228 : i32
        %select_n3A_230 = arith.select %eq3A_227, %sub3A_229, %select_n3A_225 : i32
        %sub3A_231 = arith.constant 1 : i32
        %sub3A_232 = arith.subi %while3A_221#18, %sub3A_231 : i32
        %select_n3A_233 = arith.select %eq3A_227, %sub3A_232, %while3A_221#18 : i32
        %eq3A_234 = arith.constant -1 : i32
        %eq3A_235 = arith.cmpi eq, %select_n3A_233, %eq3A_234 : i32
        %select_n3A_236 = arith.constant 1 : i32
        %select_n3A_237 = arith.select %eq3A_235, %select_n3A_236, %select_n3A_233 : i32
        %sub3A_238 = arith.constant 1 : i32
        %sub3A_239 = arith.subi %mul3A_1, %sub3A_238 : i32
        %mul3A_240 = arith.constant 2 : i32
        %mul3A_241 = arith.muli %mul3A_240, %get3A_0 : i32
        %eq3A_242 = arith.constant 0 : i32
        %eq3A_243 = arith.cmpi eq, %sub3A_239, %eq3A_242 : i32
        %sub3A_244 = arith.constant 1 : i32
        %sub3A_245 = arith.subi %mul3A_241, %sub3A_244 : i32
        %eq3A_246 = arith.cmpi eq, %sub3A_239, %sub3A_245 : i32
        %add3A_247 = arith.constant 0 : i32
        %add3A_248 = arith.addi %select_n3A_237, %add3A_247 : i32
        %add3A_249 = arith.constant 0 : i32
        %add3A_250 = arith.addi %select_n3A_230, %add3A_249 : i32
        %sub3A_251 = arith.constant 1 : i32
        %sub3A_252 = arith.subi %select_n3A_230, %sub3A_251 : i32
        %select_n3A_253 = arith.constant true
        %select_n3A_254 = arith.select %select_n3A_253, %sub3A_252, %select_n3A_230 : i32
        %eq3A_255 = arith.constant -1 : i32
        %eq3A_256 = arith.cmpi eq, %select_n3A_254, %eq3A_255 : i32
        %sub3A_257 = arith.constant 1 : i32
        %sub3A_258 = arith.subi %get3A_0, %sub3A_257 : i32
        %select_n3A_259 = arith.select %eq3A_256, %sub3A_258, %select_n3A_254 : i32
        %sub3A_260 = arith.constant 1 : i32
        %sub3A_261 = arith.subi %select_n3A_237, %sub3A_260 : i32
        %select_n3A_262 = arith.select %eq3A_256, %sub3A_261, %select_n3A_237 : i32
        %eq3A_263 = arith.constant -1 : i32
        %eq3A_264 = arith.cmpi eq, %select_n3A_262, %eq3A_263 : i32
        %select_n3A_265 = arith.constant 1 : i32
        %select_n3A_266 = arith.select %eq3A_264, %select_n3A_265, %select_n3A_262 : i32
        %add3A_267 = arith.constant 0 : i32
        %add3A_268 = arith.addi %select_n3A_266, %add3A_267 : i32
        %add3A_269 = arith.constant 0 : i32
        %add3A_270 = arith.addi %select_n3A_259, %add3A_269 : i32
        %add3A_271 = arith.constant 1 : i32
        %add3A_272 = arith.addi %select_n3A_230, %add3A_271 : i32
        %select_n3A_273 = arith.constant true
        %select_n3A_274 = arith.select %select_n3A_273, %add3A_272, %select_n3A_230 : i32
        %eq3A_275 = arith.cmpi eq, %select_n3A_274, %get3A_0 : i32
        %select_n3A_276 = arith.constant 0 : i32
        %select_n3A_277 = arith.select %eq3A_275, %select_n3A_276, %select_n3A_274 : i32
        %add3A_278 = arith.constant 1 : i32
        %add3A_279 = arith.addi %select_n3A_237, %add3A_278 : i32
        %select_n3A_280 = arith.select %eq3A_275, %add3A_279, %select_n3A_237 : i32
        %eq3A_281 = arith.constant 2 : i32
        %eq3A_282 = arith.cmpi eq, %select_n3A_280, %eq3A_281 : i32
        %select_n3A_283 = arith.constant 0 : i32
        %select_n3A_284 = arith.select %eq3A_282, %select_n3A_283, %select_n3A_280 : i32
        %add3A_285 = arith.constant 0 : i32
        %add3A_286 = arith.addi %select_n3A_284, %add3A_285 : i32
        %add3A_287 = arith.constant 0 : i32
        %add3A_288 = arith.addi %select_n3A_277, %add3A_287 : i32
        %add3A_289 = arith.constant 1 : i32
        %add3A_290 = arith.addi %select_n3A_277, %add3A_289 : i32
        %select_n3A_291 = arith.constant true
        %select_n3A_292 = arith.select %select_n3A_291, %add3A_290, %select_n3A_277 : i32
        %eq3A_293 = arith.cmpi eq, %select_n3A_292, %get3A_0 : i32
        %select_n3A_294 = arith.constant 0 : i32
        %select_n3A_295 = arith.select %eq3A_293, %select_n3A_294, %select_n3A_292 : i32
        %add3A_296 = arith.constant 1 : i32
        %add3A_297 = arith.addi %select_n3A_284, %add3A_296 : i32
        %select_n3A_298 = arith.select %eq3A_293, %add3A_297, %select_n3A_284 : i32
        %eq3A_299 = arith.constant 2 : i32
        %eq3A_300 = arith.cmpi eq, %select_n3A_298, %eq3A_299 : i32
        %select_n3A_301 = arith.constant 0 : i32
        %select_n3A_302 = arith.select %eq3A_300, %select_n3A_301, %select_n3A_298 : i32
        %add3A_303 = arith.constant 0 : i32
        %add3A_304 = arith.addi %select_n3A_302, %add3A_303 : i32
        %add3A_305 = arith.constant 0 : i32
        %add3A_306 = arith.addi %select_n3A_295, %add3A_305 : i32
        %convert_element_type3A_307 = arith.extui %eq3A_246 : i1 to i32
        %cond3A_308 = arith.constant 0 : i32
        %cond3A_309 = arith.cmpi ne, %convert_element_type3A_307, %cond3A_308 : i32
        scf.if %cond3A_309 {
        } else {
        }
        %convert_element_type3A_310 = arith.extui %eq3A_246 : i1 to i32
        %cond3A_311 = arith.constant 0 : i32
        %cond3A_312 = arith.cmpi ne, %convert_element_type3A_310, %cond3A_311 : i32
        scf.if %cond3A_312 {
        } else {
        }
        %convert_element_type3A_313 = arith.extui %eq3A_246 : i1 to i32
        %cond3A_314 = arith.constant 0 : i32
        %cond3A_315 = arith.cmpi ne, %convert_element_type3A_313, %cond3A_314 : i32
        scf.if %cond3A_315 {
        } else {
        }
        %convert_element_type3A_316 = arith.extui %eq3A_246 : i1 to i32
        %cond3A_317 = arith.constant 0 : i32
        %cond3A_318 = arith.cmpi ne, %convert_element_type3A_316, %cond3A_317 : i32
        scf.if %cond3A_318 {
        } else {
        }
        %convert_element_type3A_319 = arith.extui %eq3A_246 : i1 to i32
        %cond3A_320 = arith.constant 0 : i32
        %cond3A_321 = arith.cmpi ne, %convert_element_type3A_319, %cond3A_320 : i32
        scf.if %cond3A_321 {
        } else {
        }
        %convert_element_type3A_322 = arith.extui %eq3A_246 : i1 to i32
        %cond3A_323 = arith.constant 0 : i32
        %cond3A_324 = arith.cmpi ne, %convert_element_type3A_322, %cond3A_323 : i32
        scf.if %cond3A_324 {
          "tpu.trace_start"() <{level = 10 : i32, message = "ep_finalize"}> : () -> ()
          %rem3A_325 = arith.constant 2 : i32
          %rem3A_326 = arith.remui %while3A_221#17, %rem3A_325 : i32
          %mul3A_327 = arith.constant 1 : i32
          %mul3A_328 = arith.muli %mul3A_327, %add3A_248 : i32
          %mul3A_329 = arith.constant 256 : i32
          %mul3A_330 = arith.muli %mul3A_329, %add3A_250 : i32
          %dma_wait3A = tpu.memref_slice %run_scoped3A_12[%rem3A_326] : memref<2x!tpu.dma_semaphore, #tpu.memory_space<semaphore_mem>> -> memref<1x!tpu.dma_semaphore, #tpu.memory_space<semaphore_mem>>
          %dma_wait3A_331 = tpu.memref_squeeze %dma_wait3A : memref<1x!tpu.dma_semaphore, #tpu.memory_space<semaphore_mem>> -> memref<!tpu.dma_semaphore, #tpu.memory_space<semaphore_mem>>
          %dma_wait3A_332 = arith.constant 0 : i32
          %dma_wait3A_333 = tpu.memref_slice %arg6[%mul3A_328, %mul3A_330, %dma_wait3A_332] : memref<2x6144x1024xf32, #tpu.memory_space<hbm>> -> memref<1x256x1024xf32, #tpu.memory_space<hbm>>
          %dma_wait3A_334 = arith.constant 0 : i32
          %dma_wait3A_335 = arith.constant 0 : i32
          %dma_wait3A_336 = arith.constant 0 : i32
          %dma_wait3A_337 = tpu.memref_slice %run_scoped3A_11[%rem3A_326, %dma_wait3A_334, %dma_wait3A_335, %dma_wait3A_336] : memref<2x1x256x1024xf32, #tpu.memory_space<vmem>> -> memref<1x1x256x1024xf32, #tpu.memory_space<vmem>>
          %dma_wait3A_338 = tpu.memref_squeeze %dma_wait3A_337 : memref<1x1x256x1024xf32, #tpu.memory_space<vmem>> -> memref<1x256x1024xf32, #tpu.memory_space<vmem>>
          tpu.wait_dma2 semaphore(%dma_wait3A_331 : memref<!tpu.dma_semaphore, #tpu.memory_space<semaphore_mem>>) src(%dma_wait3A_338 : memref<1x256x1024xf32, #tpu.memory_space<vmem>>) dst(%dma_wait3A_333 : memref<1x256x1024xf32, #tpu.memory_space<hbm>>)
          "tpu.trace_stop"() : () -> ()
        } else {
        }
      } else {
      }
      tpu.yield
    }) : () -> ()
    return
  }
}

</mosaic_0001>

<sc_bundles>
// kernel: kernel.6.cloned.1.call-start
scs
__scs_entry_jumppad:
0x0: {  	(pc) =	sbr.rel $0x88, $3  }
0x1: {  	(tag) =	ssettag $0x0;
	lr =	simm.s32 $0x1  }
0x2: {  	[smem:$0x3F9C] =	sst lr;
	_ =	strace $0xD0000000  }
0x3: {  	_ = 	snop  }
0x4: {  	_ = 	snop  }
0x5: {  	_ = 	snop  }
0x6: {  	_ = 	snop  }
0x7: {  	_ = 	snop  }
__scs_overlays_trampoline_lowered:
0x8: {  	[smem:$0x3FAB] =	sst s0  }
0x9: {  	[smem:$0x3FAC] =	sst s1  }
0xa: {  	[smem:$0x3FAD] =	sst s2  }
0xb: {  	[smem:$0x3FAE] =	sst s3  }
0xc: {  	[smem:$0x3FAF] =	sst s4  }
0xd: {  	[smem:$0x3FB0] =	sst s5  }
0xe: {  	[smem:$0x3FB1] =	sst s6  }
0xf: {  	[smem:$0x3FB2] =	sst s7  }
0x10: {  	[smem:$0x3FB3] =	sst s8  }
0x11: {  	[smem:$0x3FB4] =	sst s9;
	s0 =	simm.s32 @!p0 $0x0  }
0x12: {  	s1 =	sld [smem:$0x3F9A];
	s0 =	simm.s32 @p0 $0x1  }
0x13: {  	[smem:$0x3FB5] =	sst s0;
	s0 =	simm.s32 @!p1 $0x0  }
0x14: {  	s2 =	sld [smem:$0x3F99];
	s0 =	simm.s32 @p1 $0x1  }
0x15: {  	[smem:$0x3FB6] =	sst s0;
	s0 =	simm.s32 @!p2 $0x0  }
0x16: {  	s3 =	sld [smem:$0x3FDB];
	s0 =	simm.s32 @p2 $0x1  }
0x17: {  	s4 =	simm.s32 $0x1BF5;
	[smem:$0x3FB8] =	sst s0  }
0x18: {  	s0 =	sld [smem:$0x3F9B];
	_ =	swait.ge [sflag:s4], $0x0  }
0x19: {  	s7 =	sld [smem:$0x3F9C]  }
0x1a: {  	s8 =	sadd.s32 $0xFFFFE003, lr  }
0x1b: {  	s9 =	sadd.s32 $0xFFFFFEF7, lr;
	s5 =	simm.s32 $0xFFFFFFFF;
	p2 =	slt.u32 s8, $0xFFFFF086  }
0x1c: {  	p1 =	slt.u32 s9, $0xF7A;
	s5 =	simm.s32 @!p2 $0x0  }
0x1d: {  	s5 =	simm.s32 @p1 $0x1;
	p0 =	seq.s32 s7, s2  }
0x1e: {  	s7 =	smul.u32 @!p0 $0xF7A, s2;
	p2 =	seq.s32 @!p0 s5, $0x0  }
0x1f: {  	s9 =	smul.u32 $0xF7A, s1;
	s8 =	simm.s32 @!p0 $0x1BF5;
	p2 =	por !p2, p0  }
0x20: {  	[sflag:s8] =	ssyncset.s32 @!p0 $0xFFFFF086;
	s6 =	sadd.s32 @!p0 s3, s7;
	s7 =	simm.s32 @!p0 $0x108  }
0x21: {  	s3 =	sadd.s32 s3, s9;
	s6 =	sadd.s32 @!p0 $0x88, s6;
	s7 =	simm.s32 @p2 $0x1082  }
0x22: {  	[simem:s7], [sflag:s8] =	dma.local @!p0 [hbm:s6], $0xF7A  }
0x23: {  	s9 =	sor.u32 $0xD0000000, s2;
	s6 =	simm.s32 $0x108;
	_ =	swait.ge @!p0 [sflag:s8], $0x0  }
0x24: {  	s3 =	sadd.s32 $0x88, s3;
	s6 =	simm.s32 @!p1 $0x1082;
	[sflag:s4] =	ssyncset.s32 $0xFFFFF086  }
0x25: {  	[simem:s6], [sflag:s4] =	dma.local [hbm:s3], $0xF7A  }
0x26: {  	[smem:$0x3F9C] =	sst s1;
	(tag) =	ssettag s2;
	_ =	strace s9  }
0x27: {  	s1 =	sld [smem:$0x3FAC]  }
0x28: {  	s2 =	sld [smem:$0x3FAD]  }
0x29: {  	s4 =	sld [smem:$0x3FAF]  }
0x2a: {  	p0 =	seq.s32 s5, $0x0;
	s5 =	sld [smem:$0x3FB0]  }
0x2b: {  	s6 =	sld [smem:$0x3FB1]  }
0x2c: {  	s7 =	sld [smem:$0x3FB2]  }
0x2d: {  	s3 =	simm.s32 $0x108;
	s8 =	sld [smem:$0x3FB3]  }
0x2e: {  	s3 =	simm.s32 @!p0 $0x1082;
	s9 =	sld [smem:$0x3FB4]  }
0x2f: {  	lr =	sadd.s32 s0, s3;
	s0 =	sld [smem:$0x3FAB]  }
0x30: {  	s3 =	sld [smem:$0x3FAE]  }
0x31: {  	[smem:$0x3FB7] =	sst s10  }
0x32: {  	s10 =	sld [smem:$0x3FB5];
	_ =	sdelay $0x3  }
0x33: {  	p0 =	seq.s32 s10, $0x1;
	s10 =	sld [smem:$0x3FB7];
	_ =	sdelay $0x3  }
0x34: {  	[smem:$0x3FB7] =	sst s10  }
0x35: {  	s10 =	sld [smem:$0x3FB6];
	_ =	sdelay $0x3  }
0x36: {  	p1 =	seq.s32 s10, $0x1;
	s10 =	sld [smem:$0x3FB7];
	_ =	sdelay $0x3  }
0x37: {  	[smem:$0x3FB7] =	sst s10  }
0x38: {  	s10 =	sld [smem:$0x3FB8]  }
0x39: {  	_ = 	snop;
	(pc) =	sbr.ind lr, $3  }
0x3a: {  	_ = 	snop  }
0x3b: {  	_ = 	snop  }
0x3c: {  	p2 =	seq.s32 s10, $0x1;
	s10 =	sld [smem:$0x3FB7]  }
0x3d: {  	_ =	shalt  }
0x3e: {  	_ =	shalt  }
0x3f: {  	_ =	shalt  }
0x40: {  	_ =	shalt  }
0x41: {  	_ =	shalt  }
0x42: {  	_ =	shalt  }
0x43: {  	_ =	shalt  }
0x44: {  	_ =	shalt  }
0x45: {  	_ =	shalt  }
0x46: {  	_ =	shalt  }
0x47: {  	_ =	shalt  }
0x48: {  	_ =	shalt  }
0x49: {  	_ =	shalt  }
0x4a: {  	_ =	shalt  }
0x4b: {  	_ =	shalt  }
0x4c: {  	_ =	shalt  }
0x4d: {  	_ =	shalt  }
0x4e: {  	_ =	shalt  }
0x4f: {  	_ =	shalt  }
0x50: {  	_ =	shalt  }
0x51: {  	_ =	shalt  }
0x52: {  	_ =	shalt  }
0x53: {  	_ =	shalt  }
0x54: {  	_ =	shalt  }
0x55: {  	_ =	shalt  }
0x56: {  	_ =	shalt  }
0x57: {  	_ =	shalt  }
0x58: {  	_ =	shalt  }
0x59: {  	_ =	shalt  }
0x5a: {  	_ =	shalt  }
0x5b: {  	_ =	shalt  }
0x5c: {  	_ =	shalt  }
0x5d: {  	_ =	shalt  }
0x5e: {  	_ =	shalt  }
0x5f: {  	_ =	shalt  }
0x60: {  	_ =	shalt  }
0x61: {  	_ =	shalt  }
0x62: {  	_ =	shalt  }
0x63: {  	_ =	shalt  }
0x64: {  	_ =	shalt  }
0x65: {  	_ =	shalt  }
0x66: {  	_ =	shalt  }
0x67: {  	_ =	shalt  }
0x68: {  	_ =	shalt  }
0x69: {  	_ =	shalt  }
0x6a: {  	_ =	shalt  }
0x6b: {  	_ =	shalt  }
0x6c: {  	_ =	shalt  }
0x6d: {  	_ =	shalt  }
0x6e: {  	_ =	shalt  }
0x6f: {  	_ =	shalt  }
0x70: {  	_ =	shalt  }
0x71: {  	_ =	shalt  }
0x72: {  	_ =	shalt  }
0x73: {  	_ =	shalt  }
0x74: {  	_ =	shalt  }
0x75: {  	_ =	shalt  }
0x76: {  	_ =	shalt  }
0x77: {  	_ =	shalt  }
0x78: {  	_ =	shalt  }
0x79: {  	_ =	shalt  }
0x7a: {  	_ =	shalt  }
0x7b: {  	_ =	shalt  }
0x7c: {  	_ =	shalt  }
0x7d: {  	_ =	shalt  }
0x7e: {  	_ =	shalt  }
0x7f: {  	_ =	shalt  }
0x80: {  	_ =	shalt  }
0x81: {  	_ =	shalt  }
0x82: {  	_ =	shalt  }
0x83: {  	_ =	shalt  }
0x84: {  	_ =	shalt  }
0x85: {  	_ =	shalt  }
0x86: {  	_ =	shalt  }
0x87: {  	_ =	shalt  }
.Lfunc_end0:
.L_simem_size_0:
called_computation_lowered:
.L_overlay_start_0:
0x88: {  	s2 =	sld [smem:$0x3FD9]  }
0x89: {  	s3 =	sld [smem:$0x3FFE];
	_ =	sdelay $0x1  }
0x8a: {  	s1 =	srdreg.scid  }
0x8b: {  	s0 =	sand.u32 $0x1, s1  }
0x8c: {  	s17 =	sshll.u32 s0, $0xA;
	s2 =	sadd.s32 s3, s2  }
0x8d: {  	s2 =	sadd.s32 s2, s17  }
0x8e: {  	[smem:$0x3FC3] =	sst s2  }
0x8f: {  	_ = 	snop  }
0x90: {  	s2 =	sld [smem:$0x3FC9]  }
0x91: {  	s18 =	sld [smem:$0x3FD0];
	(tm) =	ssettm $0x1  }
0x92: {  	s4 =	sld [smem:$0x3FFB];
	_ =	sdelay $0x3  }
0x93: {  	_ =	strace s4  }
0x94: {  	s4 =	sld [smem:$0x3FFC];
	_ =	sdelay $0x3  }
0x95: {  	_ =	strace s4  }
0x96: {  	s4 =	sld [smem:$0x3FFD];
	_ =	sdelay $0x3  }
0x97: {  	_ =	strace s4  }
0x98: {  	_ =	strace $0x8FFFFFFF  }
0x99: {  	s19 =	sld [smem:$0x3FDB];
	_ =	sdelay $0x1  }
0x9a: {  	s5 =	simm.s32 $_scs_section_size  }
0x9b: {  	s6 =	simm.s32 $_size__tile_overlayer_lowered;
	s7 =	simm.s32 $_tile_overlayer_lowered  }
0x9c: {  	s22 =	simm.s32 $0x1BFF;
	s21 =	sshll.u32 s7, $0x1;
	s4 =	sadd.s32 s5, s19  }
0x9d: {  	s8 =	simm.s32 $0x0;
	s20 =	sshll.u32 s6, $0x1;
	s6 =	sadd.s32 s21, s4  }
0x9e: {  	[timem:s8], [sflag:s22] =	dma.local [hbm:s6], s20  }
0x9f: {  	_ =	swait.ge [sflag:s22], s20  }
0xa0: {  	s5 =	ssub.s32 $0x0, s20;
	[sflag:s22] =	ssyncset.done $0x0  }
0xa1: {  	[sflag:s22] =	ssyncadd.s32 s5;
	_ =	sdelay $0x1  }
0xa2: {  	s23 =	simm.s32 $0x1B8B  }
0xa3: {  	_ =	swait.ge [sflag:s23], $0x1  }
0xa4: {  	[sflag:s23] =	ssyncset.done $0x0  }
0xa5: {  	s25 =	simm.s32 $0x1B8E;
	s24 =	sld [smem:$0x3FFE];
	[sflag:s23] =	ssyncadd.s32 $0xFFFFFFFF  }
0xa6: {  	s26 =	simm.s32 $execute0_lowered;
	[smem:$0x3FD2] =	sst s25  }
0xa7: {  	s6 =	sshll.u32 s26, $0x1;
	_ =	strace $0x80000046;
	[dreg:$0x1] =	wrdreg $0xFFFFFFFF  }
0xa8: {  	s28 =	simm.s32 $_size_execute0_lowered;
	s4 =	sadd.s32 s4, s6;
	[dreg:$0x0] =	wrdreg $0x0  }
0xa9: {  	s6 =	sshll.u32 s28, $0x1;
	[dreg:$0x2] =	wrdreg s4  }
0xaa: {  	[dreg:$0x3] =	wrdreg s6  }
0xab: {  	[dreg:$0x4] =	wrdreg $0xC0  }
0xac: {  	_ =	task [dreg:s8], $0x5FFFF  }
0xad: {  	[dreg:$0x1] =	wrdreg $0xFFFFFFFF  }
0xae: {  	[dreg:$0x0] =	wrdreg $0x60  }
0xaf: {  	[dreg:$0x2] =	wrdreg s2  }
0xb0: {  	[dreg:$0x3] =	wrdreg s24  }
0xb1: {  	[dreg:$0x4] =	wrdreg s18  }
0xb2: {  	[dreg:$0x5] =	wrdreg $0x9  }
0xb3: {  	_ =	task.clear_ibuf [dreg:s8], $0x6FFFF;
	_ =	strace $0x90000046  }
0xb4: {  	s29 =	simm.s32 $0x9;
	_ =	strace $0x80000048  }
0xb5: {  	_ =	swait.ge [sflag:s29], $0x1  }
0xb6: {  	[sflag:s29] =	ssyncadd.s32 $0xFFFFFFFF  }
0xb7: {  	_ =	strace $0x90000048  }
0xb8: {  	_ =	sfence  }
0xb9: {  	s30 =	sld [smem:$0x0];
	_ =	sdelay $0x2  }
0xba: {  	s31 =	sshll.u32 s1, $0xD;
	s1 =	sshrl.u32 s1, $0x2  }
0xbb: {  	s3 =	sand.u32 $0x4000, s31;
	s1 =	sadd.s32 s1, s30  }
0xbc: {  	s0 =	sor.u32 s3, s0;
	s1 =	sshll.u32 s1, $0x11  }
0xbd: {  	s0 =	sor.u32 s1, s0  }
0xbe: {  	s0 =	sadd.s32 $0x8F2B, s0  }
0xbf: {  	[sflag:s0] =	ssyncadd.remote.s32 $0x1  }
0xc0: {  	_ =	sfence.sel $0xFFFF  }
0xc1: {  	[dreg:$0x0] =	wrdreg $0xFFFFFFFF;
	(pc) =	sbr.abs _section_cstart, $3  }
0xc2: {  	[dreg:$0x1] =	wrdreg $0xFFFFFFFF  }
0xc3: {  	_ =	task.clear_ibuf [dreg:s8], $0x2FFFF;
	_ =	strace $0x9FFFFFFF  }
0xc4: {  	(tm) =	ssettm $0x7FFFFFFF  }
0xc5: {  	_ =	shalt  }
tec
execute0_lowered:
.L_overlay_start_1:
0x0: {  	(tag) =	ssettag $0x1  }
0x1: {  	s11 =	rddreg [dreg:$0x0]  }
0x2: {  	s8 =	rddreg [dreg:$0x1]  }
0x3: {  	s2 =	rddreg [dreg:$0x2]  }
0x4: {  	s0 =	rddreg [dreg:$0x3];
	s4 =	srdreg.scid  }
0x5: {  	s3 =	simm.s32 $0x0;
	s1 =	stileid.u32;
	s15 =	simm.s32 $0xC00  }
0x6: {  	s16 =	simm.s32 $0x1400;
	s17 =	simm.s32 $0x1C00;
	s18 =	simm.s32 $0x2400  }
0x7: {  	s19 =	simm.s32 $0x2C00;
	s20 =	simm.s32 $0x3400;
	s21 =	simm.s32 $0x3C00  }
0x8: {  	s22 =	simm.s32 $0x10;
	s23 =	simm.s32 $0x1;
	s24 =	simm.s32 $0x0  }
0x9: {  	s9 =	sand.u32 $0x1, s4;
	[smem:$0x7FF] =	sst s3;
	s28 =	sshll.u32 s1, $0x8  }
0xa: {  	s30 =	sshll.u32 s1, $0xC;
	s4 =	sadd.s32 $0x11800, s8;
	s5 =	sshll.u32 s9, $0x7  }
0xb: {  	_ =	strace $0x80000047;
	s29 =	ssub.s32 $0x2, s9;
	s12 =	sadd.s32 s30, s8  }
0xc: {  	s14 =	sshll.u32 s9, $0xB;
	s10 =	sor.u32 s5, s28;
	s7 =	sshrl.u32 s29, $0x1  }
0xd: {  	s12 =	sadd.s32 s14, s12;
	s14 =	simm.s32 $0x4400;
	s6 =	sadd.s32 s10, s8  }
0xe: {  	s13 =	ssub.s32 s29, s7;
	s7 =	sadd.s32 $0x11A00, s8;
	s10 =	sshll.u32 s10, $0x7  }
0xf: {  	v2 =	vlaneseq.u32;
	s5 =	sadd.s32 $0x800, s6;
	s6 =	sadd.s32 $0x11900, s8;
	s8 =	sadd.s32 $0x11B00, s8  }
0x10: {  	vm0 =	vmmov $0xffff;
	v1 =	vshrl.u32 v2, $0x3;
	s9 =	smax.u32 s13, $0x1;
	s31 =	sand.u32 $0x3C000, s10;
	s10 =	sadd.s32 $0x1800, s12  }
0x11: {  	v0 =	vand.u32 $0x7, v2;
	v2 =	vor.u32 $0x8, v2;
	v1 =	vmul.u32 $0x8, v1;
	s12 =	simm.s32 $0x2;
	s13 =	simm.s32 $0x400;
	s11 =	sadd.s32 s31, s11  }
.LBB2_1:
0x12: {  	[tilespmem:s3], [sflag:$0x2] =	stream.linear.gather [hbm4b:s5+s3], $0x400, $0x38;
	[tilespmem:$0x4C00] =	vst v63  }
0x13: {  	_ =	swait.ge [sflag:s12], $0x400  }
0x14: {  	[sflag:s12] =	ssyncset.done $0x0  }
0x15: {  	[sflag:s12] =	ssyncadd.s32 $0xFFFFFC00  }
0x16: {  	[tilespmem:s13], [sflag:$0x2] =	stream.linear.gather [hbm4b:s11+s3], $0x4000, $0x38;
	[tilespmem:$0x4C00] =	vst v63  }
0x17: {  	_ =	swait.ge [sflag:s12], $0x4000  }
0x18: {  	[sflag:s12] =	ssyncset.done $0x0  }
0x19: {  	s25 =	sadd.s32 $0x0, s10;
	[sflag:s12] =	ssyncadd.s32 $0xFFFFC000  }
0x1a: {  	[tilespmem:s14], [sflag:$0x2] =	stream.linear.gather [hbm4b:s25+s3], $0x800, $0x38;
	[tilespmem:$0x4C00] =	vst v63  }
0x1b: {  	_ =	swait.ge [sflag:s12], $0x800  }
0x1c: {  	[sflag:s12] =	ssyncset.done $0x0  }
0x1d: {  	[sflag:s12] =	ssyncadd.s32 $0xFFFFF800  }
0x1e: {  	v3 =	vld [tilespmem:s3+$0x0];
	_ =	sdelay $0x4  }
0x1f: {  	v4 =	vshll.u32 v3, $0x3  }
0x20: {  	v3 =	vand.u32 $0x7, v3;
	v4 =	vand.u32 $0xFFFFFFC0, v4  }
0x21: {  	v3 =	vor.u32 v3, v4  }
0x22: {  	v4 =	vperm.xlane v3, v0;
	_ =	sdelay $0x1  }
0x23: {  	v4 =	vadd.s32 v1, v4;
	_ =	sdelay $0x4  }
0x24: {  	[hbm4b:s4+s3] =	stream.indirect_vreg.scatter [tilespmem:s13], [sflag:$0x1], $0x80, v4, vm0, $0xb8;
	[tilespmem:$0x4C00] =	vst v63  }
0x25: {  	v3 =	vperm.xlane v3, v2  }
0x26: {  	[hbm4b:s6+s3] =	stream.indirect_vreg.scatter [tilespmem:s15], [sflag:$0x1], $0x80, v4, vm0, $0xb8;
	[tilespmem:$0x4C00] =	vst v63  }
0x27: {  	v3 =	vadd.s32 v1, v3  }
0x28: {  	[hbm4b:s7+s3] =	stream.indirect_vreg.scatter [tilespmem:s16], [sflag:$0x1], $0x80, v4, vm0, $0xb8;
	[tilespmem:$0x4C00] =	vst v63  }
0x29: {  	_ = 	snop  }
0x2a: {  	[hbm4b:s8+s3] =	stream.indirect_vreg.scatter [tilespmem:s17], [sflag:$0x1], $0x80, v4, vm0, $0xb8;
	[tilespmem:$0x4C00] =	vst v63  }
0x2b: {  	_ = 	snop  }
0x2c: {  	[hbm4b:s4+s3] =	stream.indirect_vreg.scatter [tilespmem:s18], [sflag:$0x1], $0x80, v3, vm0, $0xb8;
	[tilespmem:$0x4C00] =	vst v63  }
0x2d: {  	_ = 	snop  }
0x2e: {  	[hbm4b:s6+s3] =	stream.indirect_vreg.scatter [tilespmem:s19], [sflag:$0x1], $0x80, v3, vm0, $0xb8;
	[tilespmem:$0x4C00] =	vst v63  }
0x2f: {  	_ = 	snop  }
0x30: {  	[hbm4b:s7+s3] =	stream.indirect_vreg.scatter [tilespmem:s20], [sflag:$0x1], $0x80, v3, vm0, $0xb8;
	[tilespmem:$0x4C00] =	vst v63  }
0x31: {  	_ = 	snop  }
0x32: {  	[hbm4b:s8+s3] =	stream.indirect_vreg.scatter [tilespmem:s21], [sflag:$0x1], $0x80, v3, vm0, $0xb8;
	[tilespmem:$0x4C00] =	vst v63  }
0x33: {  	_ = 	snop  }
0x34: {  	[hbm4b:s2+s22] =	stream.indirect.scatter [tilespmem:s14], [sflag:$0x1], $0x80, s3, s22, $0xb8;
	[tilespmem:$0x4C00] =	vst v63  }
0x35: {  	_ =	swait.ge [sflag:s23], $0x4000  }
0x36: {  	[sflag:s23] =	ssyncset.done $0x0  }
0x37: {  	[sflag:s23] =	ssyncadd.s32 $0xFFFFC000  }
0x38: {  	s26 =	simm.s32 $0x0;
	_ =	swait.ge [sflag:s23], $0x800  }
0x39: {  	s28 =	smov.u32 s11;
	s25 =	simm.s32 $0x100;
	[sflag:s23] =	ssyncset.done $0x0  }
.LBB2_2:
0x3a: {  	[sflag:s23] =	ssyncadd.s32 $0xFFFFF800  }
0x3b: {  	s26 =	sadd.s32 $0x80, s26;
	s28 =	sadd.s32 $0x800, s28;
	s29 =	smov.u32 s25  }
0x3c: {  	[tilespmem:s13], [sflag:$0x2] =	stream.linear.gather [hbm4b:s28+s3], $0x4000, $0x38;
	[tilespmem:$0x4C00] =	vst v63  }
0x3d: {  	p0 =	sne.s32 s25, $0x700;
	s25 =	sadd.s32 $0x100, s25;
	_ =	swait.ge [sflag:s12], $0x4000  }
0x3e: {  	[sflag:s12] =	ssyncset.done $0x0  }
0x3f: {  	s29 =	sadd.s32 s29, s10;
	[sflag:s12] =	ssyncadd.s32 $0xFFFFC000  }
0x40: {  	[tilespmem:s14], [sflag:$0x2] =	stream.linear.gather [hbm4b:s29+s3], $0x800, $0x38;
	[tilespmem:$0x4C00] =	vst v63  }
0x41: {  	_ =	swait.ge [sflag:s12], $0x800  }
0x42: {  	[sflag:s12] =	ssyncset.done $0x0  }
0x43: {  	[sflag:s12] =	ssyncadd.s32 $0xFFFFF800  }
0x44: {  	v3 =	vld [tilespmem:s26+$0x0];
	_ =	sdelay $0x4  }
0x45: {  	v4 =	vshll.u32 v3, $0x3  }
0x46: {  	v3 =	vand.u32 $0x7, v3;
	v4 =	vand.u32 $0xFFFFFFC0, v4  }
0x47: {  	v3 =	vor.u32 v3, v4  }
0x48: {  	v4 =	vperm.xlane v3, v0;
	v3 =	vperm.xlane v3, v2;
	_ =	sdelay $0x1  }
0x49: {  	v4 =	vadd.s32 v1, v4;
	_ =	sdelay $0x4  }
0x4a: {  	[hbm4b:s4+s3] =	stream.indirect_vreg.scatter [tilespmem:s13], [sflag:$0x1], $0x80, v4, vm0, $0xb8;
	[tilespmem:$0x4C00] =	vst v63  }
0x4b: {  	_ = 	snop  }
0x4c: {  	[hbm4b:s6+s3] =	stream.indirect_vreg.scatter [tilespmem:s15], [sflag:$0x1], $0x80, v4, vm0, $0xb8;
	[tilespmem:$0x4C00] =	vst v63  }
0x4d: {  	v3 =	vadd.s32 v1, v3  }
0x4e: {  	[hbm4b:s7+s3] =	stream.indirect_vreg.scatter [tilespmem:s16], [sflag:$0x1], $0x80, v4, vm0, $0xb8;
	[tilespmem:$0x4C00] =	vst v63  }
0x4f: {  	_ = 	snop  }
0x50: {  	[hbm4b:s8+s3] =	stream.indirect_vreg.scatter [tilespmem:s17], [sflag:$0x1], $0x80, v4, vm0, $0xb8;
	[tilespmem:$0x4C00] =	vst v63  }
0x51: {  	_ = 	snop  }
0x52: {  	[hbm4b:s4+s3] =	stream.indirect_vreg.scatter [tilespmem:s18], [sflag:$0x1], $0x80, v3, vm0, $0xb8;
	[tilespmem:$0x4C00] =	vst v63  }
0x53: {  	_ = 	snop  }
0x54: {  	[hbm4b:s6+s3] =	stream.indirect_vreg.scatter [tilespmem:s19], [sflag:$0x1], $0x80, v3, vm0, $0xb8;
	[tilespmem:$0x4C00] =	vst v63  }
0x55: {  	_ = 	snop  }
0x56: {  	[hbm4b:s7+s3] =	stream.indirect_vreg.scatter [tilespmem:s20], [sflag:$0x1], $0x80, v3, vm0, $0xb8;
	[tilespmem:$0x4C00] =	vst v63  }
0x57: {  	_ = 	snop  }
0x58: {  	[hbm4b:s8+s3] =	stream.indirect_vreg.scatter [tilespmem:s21], [sflag:$0x1], $0x80, v3, vm0, $0xb8;
	[tilespmem:$0x4C00] =	vst v63  }
0x59: {  	_ = 	snop  }
0x5a: {  	[hbm4b:s2+s22] =	stream.indirect.scatter [tilespmem:s14], [sflag:$0x1], $0x80, s26, s22, $0xb8;
	[tilespmem:$0x4C00] =	vst v63  }
.Ltmp0:
0x5b: {  	_ =	swait.ge [sflag:s23], $0x4000;
	(pc) =	sbr.rel @p0 .LBB2_2-.Ltmp0, $4  }
0x5c: {  	[sflag:s23] =	ssyncset.done $0x0  }
0x5d: {  	[sflag:s23] =	ssyncadd.s32 $0xFFFFC000  }
0x5e: {  	_ =	swait.ge [sflag:s23], $0x800  }
0x5f: {  	[sflag:s23] =	ssyncset.done $0x0  }
0x60: {  	s24 =	sadd.s32 $0x1, s24  }
0x61: {  	p0 =	sne.s32 s24, s9  }
.Ltmp1:
0x62: {  	_ = 	snop;
	(pc) =	sbr.rel @p0 .LBB2_1-.Ltmp1, $2  }
0x63: {  	_ =	sdelay $0x2  }
0x64: {  	[sflag:s23] =	ssyncadd.s32 $0xFFFFF800  }
0x65: {  	_ =	sfence.sel $0x180000  }
0x66: {  	[bflag:$0x0] =	sbarrier.arrive $0xFFFF  }
0x67: {  	p0 =	sne.s32 s1, $0x0;
	_ =	strace $0x90000047  }
0x68: {  	s0 =	sadd.s32 @!p0 $0x100000, s0;
	[bflag:$0x2] =	sbarrier.arrive $0xFFFF  }
0x69: {  	[sflag:s0] =	ssyncadd.tile.s32 @!p0 $0x1;
	_ =	shalt  }
.Lfunc_end2:
_tile_overlayer_lowered:
.L_overlay_start_2:
0x6a: {  	(tag) =	ssettag $0x2  }
0x6b: {  	s0 =	rddreg [dreg:$0x0];
	s2 =	stileid.u32  }
0x6c: {  	s1 =	rddreg [dreg:$0x1];
	p0 =	sne.s32 s2, $0x0  }
0x6d: {  	s3 =	rddreg [dreg:$0x2];
	[bflag:$0x3] =	sbarrier.arrive $0xFFFF;
	s2 =	simm.s32 @!p0 $0x1C02  }
0x6e: {  	[timem:s3], [sflag:s2] =	dma.local @!p0 [hbm:s0], s1  }
0x6f: {  	s0 =	simm.s32 @!p0 $0x2  }
0x70: {  	_ =	swait.ge @!p0 [sflag:s0], s1  }
0x71: {  	s1 =	ssub.s32 @!p0 $0x0, s1;
	[sflag:s0] =	ssyncset.done @!p0 $0x0  }
0x72: {  	[sflag:s0] =	ssyncadd.s32 @!p0 s1  }
0x73: {  	[bflag:$0x3] =	sbarrier.arrive $0xFFFF  }
0x74: {  	_ =	shalt  }

// kernel: kernel.9.cloned.1.call-start
scs
__scs_entry_jumppad:
0x0: {  	(pc) =	sbr.rel $0x88, $3  }
0x1: {  	(tag) =	ssettag $0x0;
	lr =	simm.s32 $0x1  }
0x2: {  	[smem:$0x3F9C] =	sst lr;
	_ =	strace $0xD0000000  }
0x3: {  	_ = 	snop  }
0x4: {  	_ = 	snop  }
0x5: {  	_ = 	snop  }
0x6: {  	_ = 	snop  }
0x7: {  	_ = 	snop  }
__scs_overlays_trampoline_lowered:
0x8: {  	[smem:$0x3FAB] =	sst s0  }
0x9: {  	[smem:$0x3FAC] =	sst s1  }
0xa: {  	[smem:$0x3FAD] =	sst s2  }
0xb: {  	[smem:$0x3FAE] =	sst s3  }
0xc: {  	[smem:$0x3FAF] =	sst s4  }
0xd: {  	[smem:$0x3FB0] =	sst s5  }
0xe: {  	[smem:$0x3FB1] =	sst s6  }
0xf: {  	[smem:$0x3FB2] =	sst s7  }
0x10: {  	[smem:$0x3FB3] =	sst s8  }
0x11: {  	[smem:$0x3FB4] =	sst s9;
	s0 =	simm.s32 @!p0 $0x0  }
0x12: {  	s1 =	sld [smem:$0x3F9A];
	s0 =	simm.s32 @p0 $0x1  }
0x13: {  	[smem:$0x3FB5] =	sst s0;
	s0 =	simm.s32 @!p1 $0x0  }
0x14: {  	s2 =	sld [smem:$0x3F99];
	s0 =	simm.s32 @p1 $0x1  }
0x15: {  	[smem:$0x3FB6] =	sst s0;
	s0 =	simm.s32 @!p2 $0x0  }
0x16: {  	s3 =	sld [smem:$0x3FDB];
	s0 =	simm.s32 @p2 $0x1  }
0x17: {  	s4 =	simm.s32 $0x1BF5;
	[smem:$0x3FB8] =	sst s0  }
0x18: {  	s0 =	sld [smem:$0x3F9B];
	_ =	swait.ge [sflag:s4], $0x0  }
0x19: {  	s7 =	sld [smem:$0x3F9C]  }
0x1a: {  	s8 =	sadd.s32 $0xFFFFE003, lr  }
0x1b: {  	s9 =	sadd.s32 $0xFFFFFEF7, lr;
	s5 =	simm.s32 $0xFFFFFFFF;
	p2 =	slt.u32 s8, $0xFFFFF086  }
0x1c: {  	p1 =	slt.u32 s9, $0xF7A;
	s5 =	simm.s32 @!p2 $0x0  }
0x1d: {  	s5 =	simm.s32 @p1 $0x1;
	p0 =	seq.s32 s7, s2  }
0x1e: {  	s7 =	smul.u32 @!p0 $0xF7A, s2;
	p2 =	seq.s32 @!p0 s5, $0x0  }
0x1f: {  	s9 =	smul.u32 $0xF7A, s1;
	s8 =	simm.s32 @!p0 $0x1BF5;
	p2 =	por !p2, p0  }
0x20: {  	[sflag:s8] =	ssyncset.s32 @!p0 $0xFFFFF086;
	s6 =	sadd.s32 @!p0 s3, s7;
	s7 =	simm.s32 @!p0 $0x108  }
0x21: {  	s3 =	sadd.s32 s3, s9;
	s6 =	sadd.s32 @!p0 $0x88, s6;
	s7 =	simm.s32 @p2 $0x1082  }
0x22: {  	[simem:s7], [sflag:s8] =	dma.local @!p0 [hbm:s6], $0xF7A  }
0x23: {  	s9 =	sor.u32 $0xD0000000, s2;
	s6 =	simm.s32 $0x108;
	_ =	swait.ge @!p0 [sflag:s8], $0x0  }
0x24: {  	s3 =	sadd.s32 $0x88, s3;
	s6 =	simm.s32 @!p1 $0x1082;
	[sflag:s4] =	ssyncset.s32 $0xFFFFF086  }
0x25: {  	[simem:s6], [sflag:s4] =	dma.local [hbm:s3], $0xF7A  }
0x26: {  	[smem:$0x3F9C] =	sst s1;
	(tag) =	ssettag s2;
	_ =	strace s9  }
0x27: {  	s1 =	sld [smem:$0x3FAC]  }
0x28: {  	s2 =	sld [smem:$0x3FAD]  }
0x29: {  	s4 =	sld [smem:$0x3FAF]  }
0x2a: {  	p0 =	seq.s32 s5, $0x0;
	s5 =	sld [smem:$0x3FB0]  }
0x2b: {  	s6 =	sld [smem:$0x3FB1]  }
0x2c: {  	s7 =	sld [smem:$0x3FB2]  }
0x2d: {  	s3 =	simm.s32 $0x108;
	s8 =	sld [smem:$0x3FB3]  }
0x2e: {  	s3 =	simm.s32 @!p0 $0x1082;
	s9 =	sld [smem:$0x3FB4]  }
0x2f: {  	lr =	sadd.s32 s0, s3;
	s0 =	sld [smem:$0x3FAB]  }
0x30: {  	s3 =	sld [smem:$0x3FAE]  }
0x31: {  	[smem:$0x3FB7] =	sst s10  }
0x32: {  	s10 =	sld [smem:$0x3FB5];
	_ =	sdelay $0x3  }
0x33: {  	p0 =	seq.s32 s10, $0x1;
	s10 =	sld [smem:$0x3FB7];
	_ =	sdelay $0x3  }
0x34: {  	[smem:$0x3FB7] =	sst s10  }
0x35: {  	s10 =	sld [smem:$0x3FB6];
	_ =	sdelay $0x3  }
0x36: {  	p1 =	seq.s32 s10, $0x1;
	s10 =	sld [smem:$0x3FB7];
	_ =	sdelay $0x3  }
0x37: {  	[smem:$0x3FB7] =	sst s10  }
0x38: {  	s10 =	sld [smem:$0x3FB8]  }
0x39: {  	_ = 	snop;
	(pc) =	sbr.ind lr, $3  }
0x3a: {  	_ = 	snop  }
0x3b: {  	_ = 	snop  }
0x3c: {  	p2 =	seq.s32 s10, $0x1;
	s10 =	sld [smem:$0x3FB7]  }
0x3d: {  	_ =	shalt  }
0x3e: {  	_ =	shalt  }
0x3f: {  	_ =	shalt  }
0x40: {  	_ =	shalt  }
0x41: {  	_ =	shalt  }
0x42: {  	_ =	shalt  }
0x43: {  	_ =	shalt  }
0x44: {  	_ =	shalt  }
0x45: {  	_ =	shalt  }
0x46: {  	_ =	shalt  }
0x47: {  	_ =	shalt  }
0x48: {  	_ =	shalt  }
0x49: {  	_ =	shalt  }
0x4a: {  	_ =	shalt  }
0x4b: {  	_ =	shalt  }
0x4c: {  	_ =	shalt  }
0x4d: {  	_ =	shalt  }
0x4e: {  	_ =	shalt  }
0x4f: {  	_ =	shalt  }
0x50: {  	_ =	shalt  }
0x51: {  	_ =	shalt  }
0x52: {  	_ =	shalt  }
0x53: {  	_ =	shalt  }
0x54: {  	_ =	shalt  }
0x55: {  	_ =	shalt  }
0x56: {  	_ =	shalt  }
0x57: {  	_ =	shalt  }
0x58: {  	_ =	shalt  }
0x59: {  	_ =	shalt  }
0x5a: {  	_ =	shalt  }
0x5b: {  	_ =	shalt  }
0x5c: {  	_ =	shalt  }
0x5d: {  	_ =	shalt  }
0x5e: {  	_ =	shalt  }
0x5f: {  	_ =	shalt  }
0x60: {  	_ =	shalt  }
0x61: {  	_ =	shalt  }
0x62: {  	_ =	shalt  }
0x63: {  	_ =	shalt  }
0x64: {  	_ =	shalt  }
0x65: {  	_ =	shalt  }
0x66: {  	_ =	shalt  }
0x67: {  	_ =	shalt  }
0x68: {  	_ =	shalt  }
0x69: {  	_ =	shalt  }
0x6a: {  	_ =	shalt  }
0x6b: {  	_ =	shalt  }
0x6c: {  	_ =	shalt  }
0x6d: {  	_ =	shalt  }
0x6e: {  	_ =	shalt  }
0x6f: {  	_ =	shalt  }
0x70: {  	_ =	shalt  }
0x71: {  	_ =	shalt  }
0x72: {  	_ =	shalt  }
0x73: {  	_ =	shalt  }
0x74: {  	_ =	shalt  }
0x75: {  	_ =	shalt  }
0x76: {  	_ =	shalt  }
0x77: {  	_ =	shalt  }
0x78: {  	_ =	shalt  }
0x79: {  	_ =	shalt  }
0x7a: {  	_ =	shalt  }
0x7b: {  	_ =	shalt  }
0x7c: {  	_ =	shalt  }
0x7d: {  	_ =	shalt  }
0x7e: {  	_ =	shalt  }
0x7f: {  	_ =	shalt  }
0x80: {  	_ =	shalt  }
0x81: {  	_ =	shalt  }
0x82: {  	_ =	shalt  }
0x83: {  	_ =	shalt  }
0x84: {  	_ =	shalt  }
0x85: {  	_ =	shalt  }
0x86: {  	_ =	shalt  }
0x87: {  	_ =	shalt  }
.Lfunc_end0:
.L_simem_size_0:
called_computation.1_lowered:
.L_overlay_start_0:
0x88: {  	s2 =	sld [smem:$0x3FD9]  }
0x89: {  	s3 =	sld [smem:$0x3FFE];
	_ =	sdelay $0x1  }
0x8a: {  	s1 =	srdreg.scid  }
0x8b: {  	s0 =	sand.u32 $0x1, s1  }
0x8c: {  	s17 =	sshll.u32 s0, $0xA;
	s2 =	sadd.s32 s3, s2  }
0x8d: {  	s2 =	sadd.s32 s2, s17  }
0x8e: {  	[smem:$0x3FC3] =	sst s2  }
0x8f: {  	_ = 	snop  }
0x90: {  	s2 =	sld [smem:$0x3FD0];
	(tm) =	ssettm $0x1  }
0x91: {  	s18 =	sld [smem:$0x3FFB];
	_ =	sdelay $0x3  }
0x92: {  	_ =	strace s18  }
0x93: {  	s3 =	sld [smem:$0x3FFC];
	_ =	sdelay $0x3  }
0x94: {  	_ =	strace s3  }
0x95: {  	s3 =	sld [smem:$0x3FFD];
	_ =	sdelay $0x3  }
0x96: {  	_ =	strace s3  }
0x97: {  	_ =	strace $0x8FFFFFFF  }
0x98: {  	s19 =	sld [smem:$0x3FDB];
	_ =	sdelay $0x1  }
0x99: {  	s4 =	simm.s32 $_scs_section_size  }
0x9a: {  	s5 =	simm.s32 $_size__tile_overlayer_lowered;
	s6 =	simm.s32 $_tile_overlayer_lowered  }
0x9b: {  	s22 =	simm.s32 $0x1BFF;
	s21 =	sshll.u32 s6, $0x1;
	s3 =	sadd.s32 s4, s19  }
0x9c: {  	s7 =	simm.s32 $0x0;
	s20 =	sshll.u32 s5, $0x1;
	s5 =	sadd.s32 s21, s3  }
0x9d: {  	[timem:s7], [sflag:s22] =	dma.local [hbm:s5], s20  }
0x9e: {  	_ =	swait.ge [sflag:s22], s20  }
0x9f: {  	s4 =	ssub.s32 $0x0, s20;
	[sflag:s22] =	ssyncset.done $0x0  }
0xa0: {  	[sflag:s22] =	ssyncadd.s32 s4;
	_ =	sdelay $0x1  }
0xa1: {  	s23 =	simm.s32 $0x1B8B  }
0xa2: {  	_ =	swait.ge [sflag:s23], $0x1  }
0xa3: {  	[sflag:s23] =	ssyncset.done $0x0  }
0xa4: {  	s25 =	simm.s32 $0x1B8E;
	s24 =	sld [smem:$0x3FFE];
	[sflag:s23] =	ssyncadd.s32 $0xFFFFFFFF  }
0xa5: {  	s26 =	simm.s32 $execute0_lowered;
	[smem:$0x3FD2] =	sst s25  }
0xa6: {  	s5 =	sshll.u32 s26, $0x1;
	_ =	strace $0x80000049;
	[dreg:$0x1] =	wrdreg $0xFFFFFFFF  }
0xa7: {  	s28 =	simm.s32 $_size_execute0_lowered;
	s3 =	sadd.s32 s3, s5;
	[dreg:$0x0] =	wrdreg $0x0  }
0xa8: {  	s5 =	sshll.u32 s28, $0x1;
	[dreg:$0x2] =	wrdreg s3  }
0xa9: {  	[dreg:$0x3] =	wrdreg s5  }
0xaa: {  	[dreg:$0x4] =	wrdreg $0xC0  }
0xab: {  	_ =	task [dreg:s7], $0x5FFFF  }
0xac: {  	[dreg:$0x1] =	wrdreg $0xFFFFFFFF  }
0xad: {  	[dreg:$0x0] =	wrdreg $0x60  }
0xae: {  	[dreg:$0x2] =	wrdreg s24  }
0xaf: {  	[dreg:$0x3] =	wrdreg s2  }
0xb0: {  	[dreg:$0x4] =	wrdreg $0x9  }
0xb1: {  	_ =	task.clear_ibuf [dreg:s7], $0x5FFFF;
	_ =	strace $0x90000049  }
0xb2: {  	s29 =	simm.s32 $0x9;
	_ =	strace $0x8000004B  }
0xb3: {  	_ =	swait.ge [sflag:s29], $0x1  }
0xb4: {  	[sflag:s29] =	ssyncadd.s32 $0xFFFFFFFF  }
0xb5: {  	_ =	strace $0x9000004B  }
0xb6: {  	_ =	sfence  }
0xb7: {  	s30 =	sld [smem:$0x0];
	_ =	sdelay $0x2  }
0xb8: {  	s31 =	sshll.u32 s1, $0xD;
	s1 =	sshrl.u32 s1, $0x2  }
0xb9: {  	s3 =	sand.u32 $0x4000, s31;
	s1 =	sadd.s32 s1, s30  }
0xba: {  	s0 =	sor.u32 s3, s0;
	s1 =	sshll.u32 s1, $0x11  }
0xbb: {  	s0 =	sor.u32 s1, s0  }
0xbc: {  	s0 =	sadd.s32 $0x8F2B, s0  }
0xbd: {  	[sflag:s0] =	ssyncadd.remote.s32 $0x1  }
0xbe: {  	_ =	sfence.sel $0xFFFF  }
0xbf: {  	[dreg:$0x0] =	wrdreg $0xFFFFFFFF;
	(pc) =	sbr.abs _section_cstart, $3  }
0xc0: {  	[dreg:$0x1] =	wrdreg $0xFFFFFFFF  }
0xc1: {  	_ =	task.clear_ibuf [dreg:s7], $0x2FFFF;
	_ =	strace $0x9FFFFFFF  }
0xc2: {  	(tm) =	ssettm $0x7FFFFFFF  }
0xc3: {  	_ =	shalt  }
tec
execute0_lowered:
.L_overlay_start_1:
0x0: {  	(tag) =	ssettag $0x1  }
0x1: {  	s0 =	rddreg [dreg:$0x0]  }
0x2: {  	s1 =	rddreg [dreg:$0x1];
	s4 =	simm.s32 $0x0  }
0x3: {  	s2 =	srdreg.scid;
	s3 =	stileid.u32;
	s10 =	simm.s32 $0x2  }
0x4: {  	s31 =	simm.s32 $0xA000;
	s9 =	simm.s32 $0xC000;
	s11 =	simm.s32 $0xD000  }
0x5: {  	s12 =	simm.s32 $0xD800;
	s13 =	simm.s32 $0xE000;
	s14 =	simm.s32 $0xE800  }
0x6: {  	s15 =	simm.s32 $0xF000;
	s16 =	simm.s32 $0xF800;
	s17 =	simm.s32 $0x10000  }
0x7: {  	s18 =	simm.s32 $0x1;
	s19 =	simm.s32 $0x10800;
	s21 =	simm.s32 $0x0  }
0x8: {  	[smem:$0x7FF] =	sst s4;
	s2 =	sand.u32 $0x1, s2;
	s3 =	sshll.u32 s3, $0x1  }
0x9: {  	s7 =	sadd.s32 $0xD3F00, s0;
	_ =	strace $0x8000004A;
	s29 =	sor.u32 s2, s3  }
0xa: {  	s2 =	ssub.s32 $0x2, s2;
	s3 =	sadd.s32 $0xD3C00, s0;
	s5 =	sshll.u32 s29, $0x8  }
0xb: {  	s6 =	sshrl.u32 s2, $0x1;
	s4 =	sshll.u32 s29, $0xD;
	s5 =	sadd.s32 s5, s0  }
0xc: {  	s2 =	ssub.s32 s2, s6;
	s6 =	sadd.s32 $0xD3E00, s0;
	s8 =	sadd.s32 s1, s4  }
0xd: {  	v2 =	vlaneseq.u32;
	s1 =	simm.s32 $0xB000;
	s4 =	simm.s32 $0xB800;
	s5 =	sadd.s32 $0xD1C00, s5  }
0xe: {  	vm0 =	vmmov $0xffff;
	v1 =	vshrl.u32 v2, $0x3;
	s30 =	smax.u32 s2, $0x1;
	s2 =	simm.s32 $0xC800;
	[dreg:$0x3] =	wrdreg s5  }
0xf: {  	v0 =	vand.u32 $0x7, v2;
	v2 =	vor.u32 $0x8, v2;
	v1 =	vmul.u32 $0x8, v1;
	s5 =	sadd.s32 $0xD3D00, s0;
	[dreg:$0x4] =	wrdreg s30;
	s0 =	simm.s32 $0xA800  }
.LBB2_1:
0x10: {  	[dreg:$0x5] =	wrdreg s21  }
0x11: {  	s20 =	simm.s32 $0x0;
	s30 =	rddreg [dreg:$0x3]  }
0x12: {  	[tilespmem:s20], [sflag:$0x2] =	stream.linear.gather [hbm4b:s30+s20], $0x800, $0x38;
	[tilespmem:$0x14800] =	vst v63  }
0x13: {  	_ =	swait.ge [sflag:s10], $0x800  }
0x14: {  	[sflag:s10] =	ssyncset.done $0x0  }
0x15: {  	s20 =	simm.s32 $0x0;
	[sflag:s10] =	ssyncadd.s32 $0xFFFFF800  }
.LBB2_2:
0x16: {  	s21 =	sshll.u32 s20, $0x7  }
0x17: {  	s22 =	sand.u32 $0x3FFFFF80, s21  }
0x18: {  	v3 =	vld [tilespmem:s22+$0x0];
	_ =	sdelay $0x4  }
0x19: {  	v4 =	vshll.u32 v3, $0x3  }
0x1a: {  	v3 =	vand.u32 $0x7, v3;
	v4 =	vand.u32 $0xFFFFFFC0, v4  }
0x1b: {  	v3 =	vor.u32 v3, v4  }
0x1c: {  	v4 =	vperm.xlane v3, v0;
	_ =	sdelay $0x1  }
0x1d: {  	v4 =	vadd.s32 v1, v4;
	_ =	sdelay $0x3  }
0x1e: {  	s23 =	simm.s32 $0x800;
	s21 =	simm.s32 $0x0  }
0x1f: {  	[tilespmem:s23], [sflag:$0x1] =	stream.indirect_vreg.gather [hbm4b:s3+s21], $0x80, v4, vm0, $0xb8;
	[tilespmem:$0x14800] =	vst v63  }
0x20: {  	s24 =	simm.s32 $0x1000;
	v3 =	vperm.xlane v3, v2  }
0x21: {  	[tilespmem:s24], [sflag:$0x1] =	stream.indirect_vreg.gather [hbm4b:s5+s21], $0x80, v4, vm0, $0xb8;
	[tilespmem:$0x14800] =	vst v63  }
0x22: {  	s25 =	simm.s32 $0x1800;
	v3 =	vadd.s32 v1, v3  }
0x23: {  	[tilespmem:s25], [sflag:$0x1] =	stream.indirect_vreg.gather [hbm4b:s6+s21], $0x80, v4, vm0, $0xb8;
	[tilespmem:$0x14800] =	vst v63  }
0x24: {  	s26 =	simm.s32 $0x2000  }
0x25: {  	[tilespmem:s26], [sflag:$0x1] =	stream.indirect_vreg.gather [hbm4b:s7+s21], $0x80, v4, vm0, $0xb8;
	[tilespmem:$0x14800] =	vst v63  }
0x26: {  	s28 =	simm.s32 $0x2800  }
0x27: {  	[tilespmem:s28], [sflag:$0x1] =	stream.indirect_vreg.gather [hbm4b:s3+s21], $0x80, v3, vm0, $0xb8;
	[tilespmem:$0x14800] =	vst v63  }
0x28: {  	s29 =	simm.s32 $0x3000  }
0x29: {  	[tilespmem:s29], [sflag:$0x1] =	stream.indirect_vreg.gather [hbm4b:s5+s21], $0x80, v3, vm0, $0xb8;
	[tilespmem:$0x14800] =	vst v63  }
0x2a: {  	s30 =	simm.s32 $0x3800  }
0x2b: {  	[tilespmem:s30], [sflag:$0x1] =	stream.indirect_vreg.gather [hbm4b:s6+s21], $0x80, v3, vm0, $0xb8;
	[tilespmem:$0x14800] =	vst v63  }
0x2c: {  	s24 =	simm.s32 $0x4000  }
0x2d: {  	[tilespmem:s24], [sflag:$0x1] =	stream.indirect_vreg.gather [hbm4b:s7+s21], $0x80, v3, vm0, $0xb8;
	[tilespmem:$0x14800] =	vst v63  }
0x2e: {  	v3 =	vld [tilespmem:s22+$0x200];
	_ =	sdelay $0x4  }
0x2f: {  	v61 =	vshll.u32 v3, $0x3  }
0x30: {  	v3 =	vand.u32 $0x7, v3;
	v4 =	vand.u32 $0xFFFFFFC0, v61  }
0x31: {  	v3 =	vor.u32 v3, v4  }
0x32: {  	v4 =	vperm.xlane v3, v0;
	_ =	sdelay $0x1  }
0x33: {  	v4 =	vadd.s32 v1, v4;
	_ =	sdelay $0x3  }
0x34: {  	s25 =	simm.s32 $0x4800  }
0x35: {  	[tilespmem:s25], [sflag:$0x1] =	stream.indirect_vreg.gather [hbm4b:s3+s21], $0x80, v4, vm0, $0xb8;
	[tilespmem:$0x14800] =	vst v63  }
0x36: {  	s26 =	simm.s32 $0x5000;
	v3 =	vperm.xlane v3, v2  }
0x37: {  	[tilespmem:s26], [sflag:$0x1] =	stream.indirect_vreg.gather [hbm4b:s5+s21], $0x80, v4, vm0, $0xb8;
	[tilespmem:$0x14800] =	vst v63  }
0x38: {  	s28 =	simm.s32 $0x5800;
	v3 =	vadd.s32 v1, v3  }
0x39: {  	[tilespmem:s28], [sflag:$0x1] =	stream.indirect_vreg.gather [hbm4b:s6+s21], $0x80, v4, vm0, $0xb8;
	[tilespmem:$0x14800] =	vst v63  }
0x3a: {  	s29 =	simm.s32 $0x6000  }
0x3b: {  	[tilespmem:s29], [sflag:$0x1] =	stream.indirect_vreg.gather [hbm4b:s7+s21], $0x80, v4, vm0, $0xb8;
	[tilespmem:$0x14800] =	vst v63  }
0x3c: {  	s30 =	simm.s32 $0x6800  }
0x3d: {  	[tilespmem:s30], [sflag:$0x1] =	stream.indirect_vreg.gather [hbm4b:s3+s21], $0x80, v3, vm0, $0xb8;
	[tilespmem:$0x14800] =	vst v63  }
0x3e: {  	s24 =	simm.s32 $0x7000  }
0x3f: {  	[tilespmem:s24], [sflag:$0x1] =	stream.indirect_vreg.gather [hbm4b:s5+s21], $0x80, v3, vm0, $0xb8;
	[tilespmem:$0x14800] =	vst v63  }
0x40: {  	s25 =	simm.s32 $0x7800  }
0x41: {  	[tilespmem:s25], [sflag:$0x1] =	stream.indirect_vreg.gather [hbm4b:s6+s21], $0x80, v3, vm0, $0xb8;
	[tilespmem:$0x14800] =	vst v63  }
0x42: {  	s26 =	simm.s32 $0x8000  }
0x43: {  	[tilespmem:s26], [sflag:$0x1] =	stream.indirect_vreg.gather [hbm4b:s7+s21], $0x80, v3, vm0, $0xb8;
	[tilespmem:$0x14800] =	vst v63  }
0x44: {  	v3 =	vld [tilespmem:s22+$0x400];
	_ =	sdelay $0x4  }
0x45: {  	v62 =	vshll.u32 v3, $0x3  }
0x46: {  	v3 =	vand.u32 $0x7, v3;
	v4 =	vand.u32 $0xFFFFFFC0, v62  }
0x47: {  	v3 =	vor.u32 v3, v4  }
0x48: {  	v4 =	vperm.xlane v3, v0;
	_ =	sdelay $0x1  }
0x49: {  	v4 =	vadd.s32 v1, v4;
	_ =	sdelay $0x3  }
0x4a: {  	s28 =	simm.s32 $0x8800  }
0x4b: {  	[tilespmem:s28], [sflag:$0x1] =	stream.indirect_vreg.gather [hbm4b:s3+s21], $0x80, v4, vm0, $0xb8;
	[tilespmem:$0x14800] =	vst v63  }
0x4c: {  	s29 =	simm.s32 $0x9000;
	v3 =	vperm.xlane v3, v2  }
0x4d: {  	[tilespmem:s29], [sflag:$0x1] =	stream.indirect_vreg.gather [hbm4b:s5+s21], $0x80, v4, vm0, $0xb8;
	[tilespmem:$0x14800] =	vst v63  }
0x4e: {  	s30 =	simm.s32 $0x9800;
	v3 =	vadd.s32 v1, v3  }
0x4f: {  	[tilespmem:s30], [sflag:$0x1] =	stream.indirect_vreg.gather [hbm4b:s6+s21], $0x80, v4, vm0, $0xb8;
	[tilespmem:$0x14800] =	vst v63  }
0x50: {  	_ = 	snop  }
0x51: {  	[tilespmem:s31], [sflag:$0x1] =	stream.indirect_vreg.gather [hbm4b:s7+s21], $0x80, v4, vm0, $0xb8;
	[tilespmem:$0x14800] =	vst v63  }
0x52: {  	_ = 	snop  }
0x53: {  	[tilespmem:s0], [sflag:$0x1] =	stream.indirect_vreg.gather [hbm4b:s3+s21], $0x80, v3, vm0, $0xb8;
	[tilespmem:$0x14800] =	vst v63  }
0x54: {  	_ = 	snop  }
0x55: {  	[tilespmem:s1], [sflag:$0x1] =	stream.indirect_vreg.gather [hbm4b:s5+s21], $0x80, v3, vm0, $0xb8;
	[tilespmem:$0x14800] =	vst v63  }
0x56: {  	_ = 	snop  }
0x57: {  	[tilespmem:s4], [sflag:$0x1] =	stream.indirect_vreg.gather [hbm4b:s6+s21], $0x80, v3, vm0, $0xb8;
	[tilespmem:$0x14800] =	vst v63  }
0x58: {  	_ = 	snop  }
0x59: {  	[tilespmem:s9], [sflag:$0x1] =	stream.indirect_vreg.gather [hbm4b:s7+s21], $0x80, v3, vm0, $0xb8;
	[tilespmem:$0x14800] =	vst v63  }
0x5a: {  	v3 =	vld [tilespmem:s22+$0x600];
	_ =	sdelay $0x4  }
0x5b: {  	v63 =	vshll.u32 v3, $0x3  }
0x5c: {  	v3 =	vand.u32 $0x7, v3;
	v4 =	vand.u32 $0xFFFFFFC0, v63  }
0x5d: {  	v3 =	vor.u32 v3, v4  }
0x5e: {  	v4 =	vperm.xlane v3, v0;
	_ =	sdelay $0x1  }
0x5f: {  	v4 =	vadd.s32 v1, v4;
	_ =	sdelay $0x4  }
0x60: {  	[tilespmem:s2], [sflag:$0x1] =	stream.indirect_vreg.gather [hbm4b:s3+s21], $0x80, v4, vm0, $0xb8;
	[tilespmem:$0x14800] =	vst v63  }
0x61: {  	v3 =	vperm.xlane v3, v2  }
0x62: {  	[tilespmem:s11], [sflag:$0x1] =	stream.indirect_vreg.gather [hbm4b:s5+s21], $0x80, v4, vm0, $0xb8;
	[tilespmem:$0x14800] =	vst v63  }
0x63: {  	v3 =	vadd.s32 v1, v3  }
0x64: {  	[tilespmem:s12], [sflag:$0x1] =	stream.indirect_vreg.gather [hbm4b:s6+s21], $0x80, v4, vm0, $0xb8;
	[tilespmem:$0x14800] =	vst v63  }
0x65: {  	_ = 	snop  }
0x66: {  	[tilespmem:s13], [sflag:$0x1] =	stream.indirect_vreg.gather [hbm4b:s7+s21], $0x80, v4, vm0, $0xb8;
	[tilespmem:$0x14800] =	vst v63  }
0x67: {  	_ = 	snop  }
0x68: {  	[tilespmem:s14], [sflag:$0x1] =	stream.indirect_vreg.gather [hbm4b:s3+s21], $0x80, v3, vm0, $0xb8;
	[tilespmem:$0x14800] =	vst v63  }
0x69: {  	_ = 	snop  }
0x6a: {  	[tilespmem:s15], [sflag:$0x1] =	stream.indirect_vreg.gather [hbm4b:s5+s21], $0x80, v3, vm0, $0xb8;
	[tilespmem:$0x14800] =	vst v63  }
0x6b: {  	_ = 	snop  }
0x6c: {  	[tilespmem:s16], [sflag:$0x1] =	stream.indirect_vreg.gather [hbm4b:s6+s21], $0x80, v3, vm0, $0xb8;
	[tilespmem:$0x14800] =	vst v63  }
0x6d: {  	_ = 	snop  }
0x6e: {  	[tilespmem:s17], [sflag:$0x1] =	stream.indirect_vreg.gather [hbm4b:s7+s21], $0x80, v3, vm0, $0xb8;
	[tilespmem:$0x14800] =	vst v63  }
0x6f: {  	_ =	swait.ge [sflag:s18], $0x4000  }
0x70: {  	[sflag:s18] =	ssyncset.done $0x0  }
0x71: {  	[sflag:s18] =	ssyncadd.s32 $0xFFFFC000  }
0x72: {  	_ =	swait.ge [sflag:s18], $0x4000  }
0x73: {  	[sflag:s18] =	ssyncset.done $0x0  }
0x74: {  	[sflag:s18] =	ssyncadd.s32 $0xFFFFC000  }
0x75: {  	_ =	swait.ge [sflag:s18], $0x4000  }
0x76: {  	[sflag:s18] =	ssyncset.done $0x0  }
0x77: {  	[sflag:s18] =	ssyncadd.s32 $0xFFFFC000  }
0x78: {  	_ =	swait.ge [sflag:s18], $0x4000  }
0x79: {  	[sflag:s18] =	ssyncset.done $0x0  }
0x7a: {  	s22 =	simm.s32 $0x0;
	[sflag:s18] =	ssyncadd.s32 $0xFFFFC000  }
.LBB2_3:
0x7b: {  	s23 =	sshll.u32 s22, $0xA;
	s24 =	sshll.u32 s22, $0x7  }
0x7c: {  	s23 =	sand.u32 $0x2000, s23;
	s24 =	sand.u32 $0x380, s24  }
0x7d: {  	s29 =	sand.u32 $0x1C00, s21;
	s24 =	sor.u32 s23, s24  }
0x7e: {  	s25 =	sand.u32 $0x70, s21;
	s23 =	sor.u32 s29, s24  }
0x7f: {  	s23 =	sor.u32 s25, s23  }
0x80: {  	v6 =	vld [tilespmem:s23+$0x800]  }
0x81: {  	v7 =	vld [tilespmem:s23+$0x4800]  }
0x82: {  	s30 =	simm.s32 $0x80;
	v8 =	vld [tilespmem:s23+$0x8800]  }
0x83: {  	s26 =	simm.s32 $0x10;
	s25 =	sand.u32 $0x1C00, s30;
	v9 =	vld [tilespmem:s23+$0xC800]  }
0x84: {  	s26 =	sand.u32 $0x70, s26;
	s25 =	sor.u32 s25, s24  }
0x85: {  	s25 =	sor.u32 s26, s25  }
0x86: {  	v3 =	vld [tilespmem:s25+$0x800]  }
0x87: {  	v5 =	vld [tilespmem:s25+$0x4800]  }
0x88: {  	s28 =	simm.s32 $0x100;
	s26 =	simm.s32 $0x20;
	v4 =	vld [tilespmem:s25+$0x8800];
	v6 =	vadd.f32 v7, v6;
	v7 =	vadd.f32 v9, v8  }
.LBB2_4:
0x89: {  	s29 =	sand.u32 $0x1C00, s28;
	v8 =	vld [tilespmem:s25+$0xC800];
	p0 =	sne.s32 s26, $0x3F0  }
.Ltmp0:
0x8a: {  	s30 =	sand.u32 $0x70, s26;
	s29 =	sor.u32 s29, s24;
	v9 =	vadd.f32 v7, v6;
	(pc) =	sbr.rel @p0 .LBB2_4-.Ltmp0, $4  }
0x8b: {  	s29 =	sor.u32 s30, s29;
	v7 =	vmov v3  }
0x8c: {  	s26 =	sadd.s32 $0x10, s26;
	v3 =	vld [tilespmem:s29+$0x800];
	[tilespmem:s23+$0x10800] =	vst v9;
	v6 =	vmov v5;
	s23 =	smov.u32 s25  }
0x8d: {  	s25 =	smov.u32 s29;
	v5 =	vld [tilespmem:s29+$0x4800]  }
0x8e: {  	s28 =	sadd.s32 $0x80, s28;
	v6 =	vadd.f32 v6, v7;
	v7 =	vadd.f32 v8, v4;
	v4 =	vld [tilespmem:s25+$0x8800]  }
0x8f: {  	v8 =	vld [tilespmem:s25+$0xC800];
	_ =	sdelay $0x2  }
0x90: {  	s22 =	sadd.s32 $0x1, s22  }
0x91: {  	p0 =	sne.s32 s22, $0x10  }
.Ltmp1:
0x92: {  	v3 =	vadd.f32 v5, v3;
	v4 =	vadd.f32 v8, v4;
	(pc) =	sbr.rel @p0 .LBB2_3-.Ltmp1, $4  }
0x93: {  	v63 =	vadd.f32 v7, v6  }
0x94: {  	v3 =	vadd.f32 v4, v3  }
0x95: {  	[tilespmem:s23+$0x10800] =	vst v63  }
0x96: {  	[tilespmem:s25+$0x10800] =	vst v3  }
0x97: {  	s21 =	sshll.u32 s20, $0xB;
	s20 =	sadd.s32 $0x1, s20  }
0x98: {  	p0 =	sne.s32 s20, $0x4  }
.Ltmp2:
0x99: {  	s22 =	simm.s32 $0x0;
	s21 =	sadd.s32 s21, s8;
	(pc) =	sbr.rel @p0 .LBB2_2-.Ltmp2, $4  }
0x9a: {  	[hbm4b:s21+s22] =	stream.linear.scatter [tilespmem:s19], [sflag:$0x2], $0x4000, $0x38;
	[tilespmem:$0x14800] =	vst v63  }
0x9b: {  	_ =	swait.ge [sflag:s10], $0x4000  }
0x9c: {  	[sflag:s10] =	ssyncset.done $0x0  }
0x9d: {  	[sflag:s10] =	ssyncadd.s32 $0xFFFFC000  }
0x9e: {  	s21 =	rddreg [dreg:$0x5]  }
0x9f: {  	s20 =	rddreg [dreg:$0x4];
	s21 =	sadd.s32 $0x1, s21  }
0xa0: {  	p0 =	sne.s32 s21, s20  }
.Ltmp3:
0xa1: {  	_ = 	snop;
	(pc) =	sbr.rel @p0 .LBB2_1-.Ltmp3, $1  }
0xa2: {  	_ =	sdelay $0x3  }
0xa3: {  	_ =	sfence.sel $0x180000  }
0xa4: {  	[bflag:$0x0] =	sbarrier.arrive $0xFFFF  }
0xa5: {  	_ =	strace $0x9000004A  }
0xa6: {  	s0 =	stileid.u32;
	[bflag:$0x2] =	sbarrier.arrive $0xFFFF  }
0xa7: {  	p0 =	sne.s32 s0, $0x0;
	s0 =	rddreg [dreg:$0x2]  }
0xa8: {  	s0 =	sadd.s32 @!p0 $0x100000, s0  }
0xa9: {  	[sflag:s0] =	ssyncadd.tile.s32 @!p0 $0x1;
	_ =	shalt  }
.Lfunc_end2:
_tile_overlayer_lowered:
.L_overlay_start_2:
0xaa: {  	(tag) =	ssettag $0x2  }
0xab: {  	s0 =	rddreg [dreg:$0x0];
	s2 =	stileid.u32  }
0xac: {  	s1 =	rddreg [dreg:$0x1];
	p0 =	sne.s32 s2, $0x0  }
0xad: {  	s3 =	rddreg [dreg:$0x2];
	[bflag:$0x3] =	sbarrier.arrive $0xFFFF;
	s2 =	simm.s32 @!p0 $0x1C02  }
0xae: {  	[timem:s3], [sflag:s2] =	dma.local @!p0 [hbm:s0], s1  }
0xaf: {  	s0 =	simm.s32 @!p0 $0x2  }
0xb0: {  	_ =	swait.ge @!p0 [sflag:s0], s1  }
0xb1: {  	s1 =	ssub.s32 @!p0 $0x0, s1;
	[sflag:s0] =	ssyncset.done @!p0 $0x0  }
0xb2: {  	[sflag:s0] =	ssyncadd.s32 @!p0 s1  }
0xb3: {  	[bflag:$0x3] =	sbarrier.arrive $0xFFFF  }
0xb4: {  	_ =	shalt  }

</sc_bundles>
